<compile_context>
chip_gen: v7x
topology: tpu7x:2x2x1
jax: 0.10.2.dev20260603
libtpu: 0.0.44.dev20260713+nightly
codegen_flags: <defaults>
</compile_context>

<pallas_src>
import functools

import jax
import jax.numpy as jnp
from jax import lax
from jax.experimental import pallas as pl
from jax.experimental.pallas import tpu as pltpu
from jax.experimental.pallas import tpu_sc as plsc

N = 10000
E = 320000
G = 32
DIN = 128
H = 64
NCLS = 10

NC, NS = 2, 16
NW = NC * NS
K = 80
CH = (E // NW) // K
NPAD = 10240
DEG_PER_SUB = NPAD // NS
ROWS_PER_SUB = N // NS
NBUF = 8

_f32 = jnp.float32
_mesh = plsc.VectorSubcoreMesh(core_axis_name="c", subcore_axis_name="s")
_sc_params = pltpu.CompilerParams(use_tc_tiling_on_sc=False)


def _deg_body(dst_hbm, out_hbm, didx_v, ones_v, zb_v, deg_sh):
    c = lax.axis_index("c")
    s = lax.axis_index("s")
    w = c * NS + s

    def _fill_z(i, _):
        zb_v[pl.ds(i * 16, 16)] = jnp.zeros((16,), _f32)
        return 0

    lax.fori_loop(0, DEG_PER_SUB // 16, _fill_z, 0)

    def _fill_o(i, _):
        ones_v[pl.ds(i * 16, 16)] = jnp.ones((16,), _f32)
        return 0

    lax.fori_loop(0, K // 16, _fill_o, 0)

    pltpu.sync_copy(dst_hbm.at[w], didx_v)
    pltpu.sync_copy(zb_v, deg_sh.at[pl.ds(s * DEG_PER_SUB, DEG_PER_SUB)])
    plsc.subcore_barrier()

    def _scat(i, _):
        pltpu.sync_copy(ones_v, deg_sh.at[didx_v.at[i]], add=True)
        return 0

    lax.fori_loop(0, CH, _scat, 0)
    plsc.subcore_barrier()
    pltpu.sync_copy(deg_sh.at[pl.ds(s * DEG_PER_SUB, DEG_PER_SUB)],
                    out_hbm.at[c, s, 0])


_deg_call = functools.partial(
    pl.kernel,
    out_type=jax.ShapeDtypeStruct((NC, NS, 1, DEG_PER_SUB), _f32),
    mesh=_mesh,
    compiler_params=_sc_params,
    scratch_types=[
        pltpu.VMEM((CH, K), jnp.int32),
        pltpu.VMEM((K,), _f32),
        pltpu.VMEM((DEG_PER_SUB,), _f32),
        pltpu.VMEM_SHARED((NPAD,), _f32),
    ],
)(_deg_body)


def _edge_body(g_hbm, sidx_hbm, didx_hbm, out_hbm,
               sidx_v, didx_v, rows, zb_v, acc_sh, gsems, ssems):
    c = lax.axis_index("c")
    s = lax.axis_index("s")
    w = c * NS + s

    pltpu.sync_copy(sidx_hbm.at[w], sidx_v)
    pltpu.sync_copy(didx_hbm.at[w], didx_v)

    def _fill_z(i, _):
        zb_v[i // (H // 16), pl.ds((i % (H // 16)) * 16, 16)] = jnp.zeros((16,), _f32)
        return 0

    lax.fori_loop(0, 125 * (H // 16), _fill_z, 0)

    def _zero(j, _):
        pltpu.sync_copy(zb_v, acc_sh.at[pl.ds(s * ROWS_PER_SUB + j * 125, 125)])
        return 0

    lax.fori_loop(0, ROWS_PER_SUB // 125, _zero, 0)
    plsc.subcore_barrier()

    def _gather(i, b):
        pltpu.async_copy(g_hbm.at[sidx_v.at[i]], rows[b], gsems[b])

    def _gwait(i, b):
        pltpu.make_async_copy(g_hbm.at[sidx_v.at[i]], rows[b], gsems[b]).wait()

    def _scat(i, b):
        pltpu.async_copy(rows[b], acc_sh.at[didx_v.at[i]], ssems[b], add=True)

    def _swait(i, b):
        pltpu.make_async_copy(rows[b], acc_sh.at[didx_v.at[i]], ssems[b]).wait()

    for b in range(NBUF):
        _gather(b, b)

    def _body(k, _):
        i0 = k * NBUF
        for b in range(NBUF):
            _gwait(i0 + b, b)
            pltpu.sync_copy(rows[b], acc_sh.at[didx_v.at[i0 + b]], add=True)

            @pl.when(i0 + NBUF + b < CH)
            def _():
                _gather(i0 + NBUF + b, b)
        return 0

    nfull = CH // NBUF
    lax.fori_loop(0, nfull, _body, 0)
    for i in range(nfull * NBUF, CH):
        b = i % NBUF
        _gwait(i, b)
        pltpu.sync_copy(rows[b], acc_sh.at[didx_v.at[i]], add=True)

    plsc.subcore_barrier()
    pltpu.sync_copy(acc_sh.at[pl.ds(s * ROWS_PER_SUB, ROWS_PER_SUB)],
                    out_hbm.at[c, s])


_edge_call = functools.partial(
    pl.kernel,
    out_type=jax.ShapeDtypeStruct((NC, NS, ROWS_PER_SUB, H), _f32),
    mesh=_mesh,
    compiler_params=_sc_params,
    scratch_types=[
        pltpu.VMEM((CH, K), jnp.int32),
        pltpu.VMEM((CH, K), jnp.int32),
        [pltpu.VMEM((K, H), _f32)] * NBUF,
        pltpu.VMEM((125, H), _f32),
        pltpu.VMEM_SHARED((N, H), _f32),
        [pltpu.SemaphoreType.DMA] * NBUF,
        [pltpu.SemaphoreType.DMA] * NBUF,
    ],
)(_edge_body)


def _tca_body(degp_ref, x_ref, w1_ref, dinv_ref, g1_ref):
    deg = degp_ref[0] + degp_ref[1] + 1.0
    dinv = lax.rsqrt(jnp.maximum(deg, 1.0))
    dinv_ref[...] = dinv
    p1 = jnp.dot(x_ref[...], w1_ref[...], preferred_element_type=_f32)
    g1_ref[...] = dinv[:N] * p1


def _tca_call(degp, x, w1):
    return pl.pallas_call(
        _tca_body,
        out_shape=[jax.ShapeDtypeStruct((NPAD, 1), _f32),
                   jax.ShapeDtypeStruct((N, H), _f32)],
    )(degp, x, w1)


def _tcb_body(acc_ref, g1_ref, dinv_ref, b1_ref, g1b_ref):
    dinv = dinv_ref[...][:N]
    h = jax.nn.relu(dinv * (acc_ref[0] + acc_ref[1] + g1_ref[...]) + b1_ref[...])
    g1b_ref[...] = dinv * h


def _tcb_call(acc, g1, dinv, b1):
    return pl.pallas_call(
        _tcb_body,
        out_shape=jax.ShapeDtypeStruct((N, H), _f32),
    )(acc, g1, dinv, b1)


def _tcc_body(acc_ref, g1b_ref, dinv_ref, w2_ref, b2_ref, batch_ref,
              fc1w_ref, fc1b_ref, fc2w_ref, fc2b_ref, out_ref):
    t = jnp.dot(acc_ref[0] + acc_ref[1] + g1b_ref[...], w2_ref[...],
                preferred_element_type=_f32)
    h2 = jax.nn.relu(dinv_ref[...][:N] * t + b2_ref[...])
    onehot = (batch_ref[...] ==
              lax.broadcasted_iota(jnp.int32, (N, G), 1)).astype(_f32)
    sums = lax.dot_general(onehot, h2, (((0,), (0,)), ((), ())),
                           preferred_element_type=_f32)
    counts = lax.dot_general(onehot, jnp.ones((N, 1), _f32),
                             (((0,), (0,)), ((), ())),
                             preferred_element_type=_f32)
    pooled = sums / jnp.maximum(counts, 1.0)
    z = jax.nn.relu(jnp.dot(pooled, fc1w_ref[...],
                            preferred_element_type=_f32) + fc1b_ref[...])
    out_ref[...] = jnp.dot(z, fc2w_ref[...],
                           preferred_element_type=_f32) + fc2b_ref[...]


def _tcc_call(acc, g1b, dinv, w2, b2, batch, fc1w, fc1b, fc2w, fc2b):
    return pl.pallas_call(
        _tcc_body,
        out_shape=jax.ShapeDtypeStruct((G, NCLS), _f32),
    )(acc, g1b, dinv, w2, b2, batch, fc1w, fc1b, fc2w, fc2b)


def kernel(x, edge_index, batch, W1, b1, W2, b2, fc1_w, fc1_b, fc2_w, fc2_b):
    ei = edge_index.astype(jnp.int32)
    src3d = ei[0].reshape(NW, CH, K)
    dst3d = ei[1].reshape(NW, CH, K)

    degp = _deg_call(dst3d)
    dinv, g1 = _tca_call(degp.reshape(NC, NPAD, 1), x, W1)
    s1 = _edge_call(g1, src3d, dst3d).reshape(NC, N, H)
    g1b = _tcb_call(s1, g1, dinv, b1.reshape(1, H))
    s2 = _edge_call(g1b, src3d, dst3d).reshape(NC, N, H)
    out = _tcc_call(s2, g1b, dinv, W2, b2.reshape(1, 2 * H),
                    batch.reshape(N, 1), fc1_w, fc1_b.reshape(1, H),
                    fc2_w, fc2_b.reshape(1, NCLS))
    return out

# --- scband reference (transcript-rebuilt; emitter-appended) ---
"""Pipeline reference for scband-gcnmodel-163208757331 (READ-ONLY COPY).

The authoritative reference and input builder live on the scoring server;
editing this copy changes nothing except your own understanding.
"""

import jax, jax.numpy as jnp
import numpy as np

N_NODES = 10000
N_EDGES = 320000
NUM_GRAPHS = 32
D_IN = 128
H = 64
NUM_CLASSES = 10


def gcn_conv(x, edge_index, W, b, num_nodes):
    # GCNConv: D^{-1/2} (A + I) D^{-1/2} X W + b
    src = edge_index[0]
    dst = edge_index[1]
    loop = jnp.arange(num_nodes, dtype=src.dtype)
    src = jnp.concatenate([src, loop])
    dst = jnp.concatenate([dst, loop])
    deg = jnp.zeros((num_nodes,), dtype=x.dtype).at[dst].add(1.0)
    dinv = jax.lax.rsqrt(jnp.maximum(deg, 1.0))
    norm = dinv[src] * dinv[dst]
    h = x @ W
    msg = h[src] * norm[:, None]
    out = jax.ops.segment_sum(msg, dst, num_segments=num_nodes)
    return out + b


def setup_inputs(seed: int = 0) -> dict:
    key = jax.random.key(seed)
    ks = jax.random.split(key, 12)
    x = jax.random.normal(ks[0], (N_NODES, D_IN), dtype=jnp.float32)
    edge_index = jax.random.randint(ks[1], (2, N_EDGES), 0, N_NODES, dtype=jnp.int64 if jax.config.jax_enable_x64 else jnp.int32)
    batch = jnp.sort(jax.random.randint(ks[2], (N_NODES,), 0, NUM_GRAPHS, dtype=jnp.int32))
    W1 = jax.random.normal(ks[3], (D_IN, H), dtype=jnp.float32) * 0.05
    b1 = jnp.zeros((H,), dtype=jnp.float32)
    W2 = jax.random.normal(ks[4], (H, 2 * H), dtype=jnp.float32) * 0.05
    b2 = jnp.zeros((2 * H,), dtype=jnp.float32)
    fc1_w = jax.random.normal(ks[5], (2 * H, H), dtype=jnp.float32) * 0.05
    fc1_b = jnp.zeros((H,), dtype=jnp.float32)
    fc2_w = jax.random.normal(ks[6], (H, NUM_CLASSES), dtype=jnp.float32) * 0.05
    fc2_b = jnp.zeros((NUM_CLASSES,), dtype=jnp.float32)
    return {"x": x, "edge_index": edge_index, "batch": batch,
            "W1": W1, "b1": b1, "W2": W2, "b2": b2,
            "fc1_w": fc1_w, "fc1_b": fc1_b, "fc2_w": fc2_w, "fc2_b": fc2_b}


def reference(x, edge_index, batch, W1, b1, W2, b2, fc1_w, fc1_b, fc2_w, fc2_b):
    num_nodes = x.shape[0]
    h = gcn_conv(x, edge_index, W1, b1, num_nodes)
    h = jax.nn.relu(h)
    # F.dropout with training=False -> identity (eval mode)
    h = gcn_conv(h, edge_index, W2, b2, num_nodes)
    h = jax.nn.relu(h)
    # global_mean_pool over batch segments
    sums = jax.ops.segment_sum(h, batch, num_segments=NUM_GRAPHS)
    counts = jax.ops.segment_sum(jnp.ones((num_nodes,), dtype=h.dtype), batch, num_segments=NUM_GRAPHS)
    pooled = sums / jnp.maximum(counts, 1.0)[:, None]
    out = jax.nn.relu(pooled @ fc1_w + fc1_b)
    # nn.Dropout in eval mode -> identity
    out = out @ fc2_w + fc2_b
    return out

if __name__ == "__main__":
    import jax
    _d = setup_inputs()
    print(jax.jit(kernel)(*tuple(_d.values())))

</pallas_src>

<mosaic_0001>
#map = affine_map<(d0, d1) -> (0, 0, 0)>
#map1 = affine_map<(d0, d1) -> (0, 0, 0, 0)>
module attributes {stable_mosaic.version = 14 : i64} {
  func.func @_deg_body(%arg0: i32, %arg1: i32, %arg2: memref<32x125x80xi32, #tpu.memory_space<hbm>>, %arg3: memref<2x16x1x640xf32, #tpu.memory_space<hbm>>, %arg4: memref<125x80xi32, #tpu.memory_space<vmem>>, %arg5: memref<80xf32, #tpu.memory_space<vmem>>, %arg6: memref<640xf32, #tpu.memory_space<vmem>>, %arg7: memref<10240xf32, #tpu.memory_space<vmem_shared>>) attributes {dimension_semantics = [#tpu.dimension_semantics<core_parallel>, #tpu.dimension_semantics<subcore_parallel>], iteration_bounds = array<i64: 2, 16>, scalar_prefetch = 0 : i64, scratch_operands = 4 : i64, tpu.core_type = #tpu.core_type<sc_vector_subcore>, window_params = [{transform_indices = #map}, {transform_indices = #map1}]} {
    %mul3A = arith.constant 16 : i32
    %mul3A_0 = arith.muli %arg0, %mul3A : i32
    %add3A = arith.addi %mul3A_0, %arg1 : i32
    %scan3A = arith.constant 0 : i32
    %scan3A_1 = arith.constant 0 : i32
    %scan3A_2 = arith.constant 40 : i32
    %scan3A_3 = arith.addi %scan3A_1, %scan3A_2 : i32
    %scan3A_4 = arith.constant 1 : i32
    %scan3A_5 = scf.for %scan3A_26 = %scan3A_1 to %scan3A_3 step %scan3A_4 iter_args(%scan3A_27 = %scan3A) -> (i32)  : i32 {
      %broadcast_in_dim3A = arith.constant 0.000000e+00 : f32
      %broadcast_in_dim3A_28 = vector.broadcast %broadcast_in_dim3A : f32 to vector<16xf32>
      %mul3A_29 = arith.constant 16 : i32
      %mul3A_30 = arith.muli %scan3A_26, %mul3A_29 : i32
      %swap3A = arith.index_cast %mul3A_30 : i32 to index
      %swap3A_31 = tpu.vector_load %arg6[%swap3A] {strides = array<i32>} : memref<640xf32, #tpu.memory_space<vmem>>, vector<16xf32>,
      %swap3A_32 = vector.shape_cast %swap3A_31 : vector<16xf32> to vector<16xf32>
      %swap3A_33 = vector.shape_cast %broadcast_in_dim3A_28 : vector<16xf32> to vector<16xf32>
      tpu.vector_store %arg6[%swap3A], %swap3A_33 {strides = array<i32>} : memref<640xf32, #tpu.memory_space<vmem>>, vector<16xf32>,
      %scan3A_34 = arith.constant 0 : i32
      scf.yield %scan3A_34 : i32
    }
    %scan3A_6 = arith.constant 40 : i32
    %scan3A_7 = arith.constant 0 : i32
    %scan3A_8 = arith.constant 0 : i32
    %scan3A_9 = arith.constant 5 : i32
    %scan3A_10 = arith.addi %scan3A_8, %scan3A_9 : i32
    %scan3A_11 = arith.constant 1 : i32
    %scan3A_12 = scf.for %scan3A_26 = %scan3A_8 to %scan3A_10 step %scan3A_11 iter_args(%scan3A_27 = %scan3A_7) -> (i32)  : i32 {
      %broadcast_in_dim3A = arith.constant 1.000000e+00 : f32
      %broadcast_in_dim3A_28 = vector.broadcast %broadcast_in_dim3A : f32 to vector<16xf32>
      %mul3A_29 = arith.constant 16 : i32
      %mul3A_30 = arith.muli %scan3A_26, %mul3A_29 : i32
      %swap3A = arith.index_cast %mul3A_30 : i32 to index
      %swap3A_31 = tpu.vector_load %arg5[%swap3A] {strides = array<i32>} : memref<80xf32, #tpu.memory_space<vmem>>, vector<16xf32>,
      %swap3A_32 = vector.shape_cast %swap3A_31 : vector<16xf32> to vector<16xf32>
      %swap3A_33 = vector.shape_cast %broadcast_in_dim3A_28 : vector<16xf32> to vector<16xf32>
      tpu.vector_store %arg5[%swap3A], %swap3A_33 {strides = array<i32>} : memref<80xf32, #tpu.memory_space<vmem>>, vector<16xf32>,
      %scan3A_34 = arith.constant 0 : i32
      scf.yield %scan3A_34 : i32
    }
    %scan3A_13 = arith.constant 5 : i32
    "tpu.region"() ({
      %run_scoped3A_26 = tpu.sem_alloc : memref<!tpu.dma_semaphore, #tpu.memory_space<semaphore_mem>>
      %dma_start3A = arith.constant 0 : i32
      %dma_start3A_27 = arith.constant 0 : i32
      %dma_start3A_28 = tpu.memref_slice %arg2[%add3A, %dma_start3A, %dma_start3A_27] : memref<32x125x80xi32, #tpu.memory_space<hbm>> -> memref<1x125x80xi32, #tpu.memory_space<hbm>>
      %dma_start3A_29 = tpu.memref_squeeze %dma_start3A_28 : memref<1x125x80xi32, #tpu.memory_space<hbm>> -> memref<125x80xi32, #tpu.memory_space<hbm>>
      %dma_start3A_30 = arith.constant 0 : i32
      %dma_start3A_31 = arith.constant 0 : i32
      %dma_start3A_32 = tpu.memref_slice %arg2[%add3A, %dma_start3A_30, %dma_start3A_31] : memref<32x125x80xi32, #tpu.memory_space<hbm>> -> memref<1x125x80xi32, #tpu.memory_space<hbm>>
      %dma_start3A_33 = tpu.memref_squeeze %dma_start3A_32 : memref<1x125x80xi32, #tpu.memory_space<hbm>> -> memref<125x80xi32, #tpu.memory_space<hbm>>
      tpu.enqueue_dma source(%dma_start3A_33 : memref<125x80xi32, #tpu.memory_space<hbm>>) target(%arg4 : memref<125x80xi32, #tpu.memory_space<vmem>>) target_semaphore(%run_scoped3A_26 : memref<!tpu.dma_semaphore, #tpu.memory_space<semaphore_mem>>)
      %dma_wait3A = arith.constant 0 : i32
      %dma_wait3A_34 = arith.constant 0 : i32
      %dma_wait3A_35 = tpu.memref_slice %arg2[%add3A, %dma_wait3A, %dma_wait3A_34] : memref<32x125x80xi32, #tpu.memory_space<hbm>> -> memref<1x125x80xi32, #tpu.memory_space<hbm>>
      %dma_wait3A_36 = tpu.memref_squeeze %dma_wait3A_35 : memref<1x125x80xi32, #tpu.memory_space<hbm>> -> memref<125x80xi32, #tpu.memory_space<hbm>>
      %dma_wait3A_37 = arith.constant 0 : i32
      %dma_wait3A_38 = arith.constant 0 : i32
      %dma_wait3A_39 = tpu.memref_slice %arg2[%add3A, %dma_wait3A_37, %dma_wait3A_38] : memref<32x125x80xi32, #tpu.memory_space<hbm>> -> memref<1x125x80xi32, #tpu.memory_space<hbm>>
      %dma_wait3A_40 = tpu.memref_squeeze %dma_wait3A_39 : memref<1x125x80xi32, #tpu.memory_space<hbm>> -> memref<125x80xi32, #tpu.memory_space<hbm>>
      tpu.wait_dma2 semaphore(%run_scoped3A_26 : memref<!tpu.dma_semaphore, #tpu.memory_space<semaphore_mem>>) src(%dma_wait3A_40 : memref<125x80xi32, #tpu.memory_space<hbm>>) dst(%arg4 : memref<125x80xi32, #tpu.memory_space<vmem>>)
      tpu.yield
    }) : () -> ()
    %mul3A_14 = arith.constant 640 : i32
    %mul3A_15 = arith.muli %arg1, %mul3A_14 : i32
    "tpu.region"() ({
      %run_scoped3A_26 = tpu.sem_alloc : memref<!tpu.dma_semaphore, #tpu.memory_space<semaphore_mem>>
      %dma_start3A = tpu.memref_slice %arg7[%mul3A_15] : memref<10240xf32, #tpu.memory_space<vmem_shared>> -> memref<640xf32, #tpu.memory_space<vmem_shared>>
      %dma_start3A_27 = tpu.memref_slice %arg7[%mul3A_15] : memref<10240xf32, #tpu.memory_space<vmem_shared>> -> memref<640xf32, #tpu.memory_space<vmem_shared>>
      tpu.enqueue_dma source(%arg6 : memref<640xf32, #tpu.memory_space<vmem>>) target(%dma_start3A_27 : memref<640xf32, #tpu.memory_space<vmem_shared>>) target_semaphore(%run_scoped3A_26 : memref<!tpu.dma_semaphore, #tpu.memory_space<semaphore_mem>>)
      %dma_wait3A = tpu.memref_slice %arg7[%mul3A_15] : memref<10240xf32, #tpu.memory_space<vmem_shared>> -> memref<640xf32, #tpu.memory_space<vmem_shared>>
      %dma_wait3A_28 = tpu.memref_slice %arg7[%mul3A_15] : memref<10240xf32, #tpu.memory_space<vmem_shared>> -> memref<640xf32, #tpu.memory_space<vmem_shared>>
      tpu.wait_dma2 semaphore(%run_scoped3A_26 : memref<!tpu.dma_semaphore, #tpu.memory_space<semaphore_mem>>) src(%arg6 : memref<640xf32, #tpu.memory_space<vmem>>) dst(%dma_wait3A_28 : memref<640xf32, #tpu.memory_space<vmem_shared>>)
      tpu.yield
    }) : () -> ()
    %barrier3A = arith.constant 0 : index
    tpu.barrier barrier_id(%barrier3A)
    %scan3A_16 = arith.constant 0 : i32
    %scan3A_17 = arith.constant 0 : i32
    %scan3A_18 = arith.constant 125 : i32
    %scan3A_19 = arith.addi %scan3A_17, %scan3A_18 : i32
    %scan3A_20 = arith.constant 1 : i32
    %scan3A_21 = scf.for %scan3A_26 = %scan3A_17 to %scan3A_19 step %scan3A_20 iter_args(%scan3A_27 = %scan3A_16) -> (i32)  : i32 {
      "tpu.region"() ({
        %run_scoped3A_29 = tpu.sem_alloc : memref<!tpu.dma_semaphore, #tpu.memory_space<semaphore_mem>>
        %dma_start3A = arith.constant 0 : i32
        %dma_start3A_30 = tpu.memref_slice %arg4[%scan3A_26, %dma_start3A] : memref<125x80xi32, #tpu.memory_space<vmem>> -> memref<1x80xi32, #tpu.memory_space<vmem>>
        %dma_start3A_31 = tpu.memref_squeeze %dma_start3A_30 : memref<1x80xi32, #tpu.memory_space<vmem>> -> memref<80xi32, #tpu.memory_space<vmem>>
        %dma_start3A_32 = arith.constant 0 : i32
        %dma_start3A_33 = tpu.memref_slice %arg7[%dma_start3A_32] : memref<10240xf32, #tpu.memory_space<vmem_shared>> -> memref<10240xf32, #tpu.memory_space<vmem_shared>>
        tpu.enqueue_indirect_dma source(%arg5 : memref<80xf32, #tpu.memory_space<vmem>>) target(%dma_start3A_33 : memref<10240xf32, #tpu.memory_space<vmem_shared>>) offsets(%dma_start3A_31 : memref<80xi32, #tpu.memory_space<vmem>>) semaphore(%run_scoped3A_29 : memref<!tpu.dma_semaphore, #tpu.memory_space<semaphore_mem>>) {add = true}
        %dma_wait3A = arith.constant 0 : i32
        %dma_wait3A_34 = tpu.memref_slice %arg4[%scan3A_26, %dma_wait3A] : memref<125x80xi32, #tpu.memory_space<vmem>> -> memref<1x80xi32, #tpu.memory_space<vmem>>
        %dma_wait3A_35 = tpu.memref_squeeze %dma_wait3A_34 : memref<1x80xi32, #tpu.memory_space<vmem>> -> memref<80xi32, #tpu.memory_space<vmem>>
        %dma_wait3A_36 = arith.constant 0 : i32
        %dma_wait3A_37 = tpu.memref_slice %arg7[%dma_wait3A_36] : memref<10240xf32, #tpu.memory_space<vmem_shared>> -> memref<10240xf32, #tpu.memory_space<vmem_shared>>
        tpu.wait_indirect_dma semaphore(%run_scoped3A_29 : memref<!tpu.dma_semaphore, #tpu.memory_space<semaphore_mem>>) src(%arg5 : memref<80xf32, #tpu.memory_space<vmem>>) dst(%dma_wait3A_37 : memref<10240xf32, #tpu.memory_space<vmem_shared>>)
        tpu.yield
      }) : () -> ()
      %scan3A_28 = arith.constant 0 : i32
      scf.yield %scan3A_28 : i32
    }
    %scan3A_22 = arith.constant 125 : i32
    %barrier3A_23 = arith.constant 0 : index
    tpu.barrier barrier_id(%barrier3A_23)
    %mul3A_24 = arith.constant 640 : i32
    %mul3A_25 = arith.muli %arg1, %mul3A_24 : i32
    %run_scoped3A = arith.constant 0 : i32
    "tpu.region"() ({
      %run_scoped3A_26 = tpu.sem_alloc : memref<!tpu.dma_semaphore, #tpu.memory_space<semaphore_mem>>
      %dma_start3A = arith.constant 0 : i32
      %dma_start3A_27 = tpu.memref_slice %arg3[%arg0, %arg1, %run_scoped3A, %dma_start3A] : memref<2x16x1x640xf32, #tpu.memory_space<hbm>> -> memref<1x1x1x640xf32, #tpu.memory_space<hbm>>
      %dma_start3A_28 = tpu.memref_squeeze %dma_start3A_27 : memref<1x1x1x640xf32, #tpu.memory_space<hbm>> -> memref<640xf32, #tpu.memory_space<hbm>>
      %dma_start3A_29 = tpu.memref_slice %arg7[%mul3A_25] : memref<10240xf32, #tpu.memory_space<vmem_shared>> -> memref<640xf32, #tpu.memory_space<vmem_shared>>
      tpu.enqueue_dma source(%dma_start3A_29 : memref<640xf32, #tpu.memory_space<vmem_shared>>) target(%dma_start3A_28 : memref<640xf32, #tpu.memory_space<hbm>>) target_semaphore(%run_scoped3A_26 : memref<!tpu.dma_semaphore, #tpu.memory_space<semaphore_mem>>)
      %dma_wait3A = arith.constant 0 : i32
      %dma_wait3A_30 = tpu.memref_slice %arg3[%arg0, %arg1, %run_scoped3A, %dma_wait3A] : memref<2x16x1x640xf32, #tpu.memory_space<hbm>> -> memref<1x1x1x640xf32, #tpu.memory_space<hbm>>
      %dma_wait3A_31 = tpu.memref_squeeze %dma_wait3A_30 : memref<1x1x1x640xf32, #tpu.memory_space<hbm>> -> memref<640xf32, #tpu.memory_space<hbm>>
      %dma_wait3A_32 = tpu.memref_slice %arg7[%mul3A_25] : memref<10240xf32, #tpu.memory_space<vmem_shared>> -> memref<640xf32, #tpu.memory_space<vmem_shared>>
      tpu.wait_dma2 semaphore(%run_scoped3A_26 : memref<!tpu.dma_semaphore, #tpu.memory_space<semaphore_mem>>) src(%dma_wait3A_32 : memref<640xf32, #tpu.memory_space<vmem_shared>>) dst(%dma_wait3A_31 : memref<640xf32, #tpu.memory_space<hbm>>)
      tpu.yield
    }) : () -> ()
    return
  }
}

#map = affine_map<(d0, d1) -> (0, 0)>
#map1 = affine_map<(d0, d1) -> (0, 0, 0)>
#map2 = affine_map<(d0, d1) -> (0, 0, 0, 0)>
module attributes {stable_mosaic.version = 14 : i64} {
  func.func @_edge_body(%arg0: i32, %arg1: i32, %arg2: memref<10000x64xf32, #tpu.memory_space<hbm>>, %arg3: memref<32x125x80xi32, #tpu.memory_space<hbm>>, %arg4: memref<32x125x80xi32, #tpu.memory_space<hbm>>, %arg5: memref<2x16x625x64xf32, #tpu.memory_space<hbm>>, %arg6: memref<125x80xi32, #tpu.memory_space<vmem>>, %arg7: memref<125x80xi32, #tpu.memory_space<vmem>>, %arg8: memref<80x64xf32, #tpu.memory_space<vmem>>, %arg9: memref<80x64xf32, #tpu.memory_space<vmem>>, %arg10: memref<80x64xf32, #tpu.memory_space<vmem>>, %arg11: memref<80x64xf32, #tpu.memory_space<vmem>>, %arg12: memref<80x64xf32, #tpu.memory_space<vmem>>, %arg13: memref<80x64xf32, #tpu.memory_space<vmem>>, %arg14: memref<80x64xf32, #tpu.memory_space<vmem>>, %arg15: memref<80x64xf32, #tpu.memory_space<vmem>>, %arg16: memref<125x64xf32, #tpu.memory_space<vmem>>, %arg17: memref<10000x64xf32, #tpu.memory_space<vmem_shared>>, %arg18: memref<!tpu.dma_semaphore, #tpu.memory_space<semaphore_mem>>, %arg19: memref<!tpu.dma_semaphore, #tpu.memory_space<semaphore_mem>>, %arg20: memref<!tpu.dma_semaphore, #tpu.memory_space<semaphore_mem>>, %arg21: memref<!tpu.dma_semaphore, #tpu.memory_space<semaphore_mem>>, %arg22: memref<!tpu.dma_semaphore, #tpu.memory_space<semaphore_mem>>, %arg23: memref<!tpu.dma_semaphore, #tpu.memory_space<semaphore_mem>>, %arg24: memref<!tpu.dma_semaphore, #tpu.memory_space<semaphore_mem>>, %arg25: memref<!tpu.dma_semaphore, #tpu.memory_space<semaphore_mem>>, %arg26: memref<!tpu.dma_semaphore, #tpu.memory_space<semaphore_mem>>, %arg27: memref<!tpu.dma_semaphore, #tpu.memory_space<semaphore_mem>>, %arg28: memref<!tpu.dma_semaphore, #tpu.memory_space<semaphore_mem>>, %arg29: memref<!tpu.dma_semaphore, #tpu.memory_space<semaphore_mem>>, %arg30: memref<!tpu.dma_semaphore, #tpu.memory_space<semaphore_mem>>, %arg31: memref<!tpu.dma_semaphore, #tpu.memory_space<semaphore_mem>>, %arg32: memref<!tpu.dma_semaphore, #tpu.memory_space<semaphore_mem>>, %arg33: memref<!tpu.dma_semaphore, #tpu.memory_space<semaphore_mem>>) attributes {dimension_semantics = [#tpu.dimension_semantics<core_parallel>, #tpu.dimension_semantics<subcore_parallel>], iteration_bounds = array<i64: 2, 16>, scalar_prefetch = 0 : i64, scratch_operands = 28 : i64, tpu.core_type = #tpu.core_type<sc_vector_subcore>, window_params = [{transform_indices = #map}, {transform_indices = #map1}, {transform_indices = #map1}, {transform_indices = #map2}]} {
    %mul3A = arith.constant 16 : i32
    %mul3A_0 = arith.muli %arg0, %mul3A : i32
    %add3A = arith.addi %mul3A_0, %arg1 : i32
    "tpu.region"() ({
      %run_scoped3A_117 = tpu.sem_alloc : memref<!tpu.dma_semaphore, #tpu.memory_space<semaphore_mem>>
      %dma_start3A_118 = arith.constant 0 : i32
      %dma_start3A_119 = arith.constant 0 : i32
      %dma_start3A_120 = tpu.memref_slice %arg3[%add3A, %dma_start3A_118, %dma_start3A_119] : memref<32x125x80xi32, #tpu.memory_space<hbm>> -> memref<1x125x80xi32, #tpu.memory_space<hbm>>
      %dma_start3A_121 = tpu.memref_squeeze %dma_start3A_120 : memref<1x125x80xi32, #tpu.memory_space<hbm>> -> memref<125x80xi32, #tpu.memory_space<hbm>>
      %dma_start3A_122 = arith.constant 0 : i32
      %dma_start3A_123 = arith.constant 0 : i32
      %dma_start3A_124 = tpu.memref_slice %arg3[%add3A, %dma_start3A_122, %dma_start3A_123] : memref<32x125x80xi32, #tpu.memory_space<hbm>> -> memref<1x125x80xi32, #tpu.memory_space<hbm>>
      %dma_start3A_125 = tpu.memref_squeeze %dma_start3A_124 : memref<1x125x80xi32, #tpu.memory_space<hbm>> -> memref<125x80xi32, #tpu.memory_space<hbm>>
      tpu.enqueue_dma source(%dma_start3A_125 : memref<125x80xi32, #tpu.memory_space<hbm>>) target(%arg6 : memref<125x80xi32, #tpu.memory_space<vmem>>) target_semaphore(%run_scoped3A_117 : memref<!tpu.dma_semaphore, #tpu.memory_space<semaphore_mem>>)
      %dma_wait3A_126 = arith.constant 0 : i32
      %dma_wait3A_127 = arith.constant 0 : i32
      %dma_wait3A_128 = tpu.memref_slice %arg3[%add3A, %dma_wait3A_126, %dma_wait3A_127] : memref<32x125x80xi32, #tpu.memory_space<hbm>> -> memref<1x125x80xi32, #tpu.memory_space<hbm>>
      %dma_wait3A_129 = tpu.memref_squeeze %dma_wait3A_128 : memref<1x125x80xi32, #tpu.memory_space<hbm>> -> memref<125x80xi32, #tpu.memory_space<hbm>>
      %dma_wait3A_130 = arith.constant 0 : i32
      %dma_wait3A_131 = arith.constant 0 : i32
      %dma_wait3A_132 = tpu.memref_slice %arg3[%add3A, %dma_wait3A_130, %dma_wait3A_131] : memref<32x125x80xi32, #tpu.memory_space<hbm>> -> memref<1x125x80xi32, #tpu.memory_space<hbm>>
      %dma_wait3A_133 = tpu.memref_squeeze %dma_wait3A_132 : memref<1x125x80xi32, #tpu.memory_space<hbm>> -> memref<125x80xi32, #tpu.memory_space<hbm>>
      tpu.wait_dma2 semaphore(%run_scoped3A_117 : memref<!tpu.dma_semaphore, #tpu.memory_space<semaphore_mem>>) src(%dma_wait3A_133 : memref<125x80xi32, #tpu.memory_space<hbm>>) dst(%arg6 : memref<125x80xi32, #tpu.memory_space<vmem>>)
      tpu.yield
    }) : () -> ()
    "tpu.region"() ({
      %run_scoped3A_117 = tpu.sem_alloc : memref<!tpu.dma_semaphore, #tpu.memory_space<semaphore_mem>>
      %dma_start3A_118 = arith.constant 0 : i32
      %dma_start3A_119 = arith.constant 0 : i32
      %dma_start3A_120 = tpu.memref_slice %arg4[%add3A, %dma_start3A_118, %dma_start3A_119] : memref<32x125x80xi32, #tpu.memory_space<hbm>> -> memref<1x125x80xi32, #tpu.memory_space<hbm>>
      %dma_start3A_121 = tpu.memref_squeeze %dma_start3A_120 : memref<1x125x80xi32, #tpu.memory_space<hbm>> -> memref<125x80xi32, #tpu.memory_space<hbm>>
      %dma_start3A_122 = arith.constant 0 : i32
      %dma_start3A_123 = arith.constant 0 : i32
      %dma_start3A_124 = tpu.memref_slice %arg4[%add3A, %dma_start3A_122, %dma_start3A_123] : memref<32x125x80xi32, #tpu.memory_space<hbm>> -> memref<1x125x80xi32, #tpu.memory_space<hbm>>
      %dma_start3A_125 = tpu.memref_squeeze %dma_start3A_124 : memref<1x125x80xi32, #tpu.memory_space<hbm>> -> memref<125x80xi32, #tpu.memory_space<hbm>>
      tpu.enqueue_dma source(%dma_start3A_125 : memref<125x80xi32, #tpu.memory_space<hbm>>) target(%arg7 : memref<125x80xi32, #tpu.memory_space<vmem>>) target_semaphore(%run_scoped3A_117 : memref<!tpu.dma_semaphore, #tpu.memory_space<semaphore_mem>>)
      %dma_wait3A_126 = arith.constant 0 : i32
      %dma_wait3A_127 = arith.constant 0 : i32
      %dma_wait3A_128 = tpu.memref_slice %arg4[%add3A, %dma_wait3A_126, %dma_wait3A_127] : memref<32x125x80xi32, #tpu.memory_space<hbm>> -> memref<1x125x80xi32, #tpu.memory_space<hbm>>
      %dma_wait3A_129 = tpu.memref_squeeze %dma_wait3A_128 : memref<1x125x80xi32, #tpu.memory_space<hbm>> -> memref<125x80xi32, #tpu.memory_space<hbm>>
      %dma_wait3A_130 = arith.constant 0 : i32
      %dma_wait3A_131 = arith.constant 0 : i32
      %dma_wait3A_132 = tpu.memref_slice %arg4[%add3A, %dma_wait3A_130, %dma_wait3A_131] : memref<32x125x80xi32, #tpu.memory_space<hbm>> -> memref<1x125x80xi32, #tpu.memory_space<hbm>>
      %dma_wait3A_133 = tpu.memref_squeeze %dma_wait3A_132 : memref<1x125x80xi32, #tpu.memory_space<hbm>> -> memref<125x80xi32, #tpu.memory_space<hbm>>
      tpu.wait_dma2 semaphore(%run_scoped3A_117 : memref<!tpu.dma_semaphore, #tpu.memory_space<semaphore_mem>>) src(%dma_wait3A_133 : memref<125x80xi32, #tpu.memory_space<hbm>>) dst(%arg7 : memref<125x80xi32, #tpu.memory_space<vmem>>)
      tpu.yield
    }) : () -> ()
    %scan3A = arith.constant 0 : i32
    %scan3A_1 = arith.constant 0 : i32
    %scan3A_2 = arith.constant 500 : i32
    %scan3A_3 = arith.addi %scan3A_1, %scan3A_2 : i32
    %scan3A_4 = arith.constant 1 : i32
    %scan3A_5 = scf.for %scan3A_117 = %scan3A_1 to %scan3A_3 step %scan3A_4 iter_args(%scan3A_118 = %scan3A) -> (i32)  : i32 {
      %broadcast_in_dim3A = arith.constant 0.000000e+00 : f32
      %broadcast_in_dim3A_119 = vector.broadcast %broadcast_in_dim3A : f32 to vector<16xf32>
      %jit3A = arith.constant 4 : i32
      %div3A = arith.divsi %scan3A_117, %jit3A : i32
      %sign3A = arith.constant 0 : i32
      %sign3A_120 = arith.cmpi sgt, %scan3A_117, %sign3A : i32
      %sign3A_121 = arith.extui %sign3A_120 : i1 to i32
      %sign3A_122 = arith.constant 0 : i32
      %sign3A_123 = arith.cmpi slt, %scan3A_117, %sign3A_122 : i32
      %sign3A_124 = arith.extui %sign3A_123 : i1 to i32
      %sign3A_125 = arith.subi %sign3A_121, %sign3A_124 : i32
      %sign3A_126 = arith.constant 0 : i32
      %sign3A_127 = arith.cmpi sgt, %jit3A, %sign3A_126 : i32
      %sign3A_128 = arith.extui %sign3A_127 : i1 to i32
      %sign3A_129 = arith.constant 0 : i32
      %sign3A_130 = arith.cmpi slt, %jit3A, %sign3A_129 : i32
      %sign3A_131 = arith.extui %sign3A_130 : i1 to i32
      %sign3A_132 = arith.subi %sign3A_128, %sign3A_131 : i32
      %ne3A = arith.cmpi ne, %sign3A_125, %sign3A_132 : i32
      %rem3A = arith.remsi %scan3A_117, %jit3A : i32
      %ne3A_133 = arith.constant 0 : i32
      %ne3A_134 = arith.cmpi ne, %rem3A, %ne3A_133 : i32
      %and3A = arith.andi %ne3A, %ne3A_134 : i1
      %sub3A = arith.constant 1 : i32
      %sub3A_135 = arith.subi %div3A, %sub3A : i32
      %select_n3A = arith.select %and3A, %sub3A_135, %div3A : i32
      %jit3A_136 = arith.constant 4 : i32
      %eq3A = arith.constant 0 : i32
      %eq3A_137 = arith.cmpi eq, %jit3A_136, %eq3A : i32
      %jit3A_138 = arith.constant 1 : i32
      %select_n3A_139 = arith.select %eq3A_137, %jit3A_138, %jit3A_136 : i32
      %rem3A_140 = arith.remsi %scan3A_117, %select_n3A_139 : i32
      %ne3A_141 = arith.constant 0 : i32
      %ne3A_142 = arith.cmpi ne, %rem3A_140, %ne3A_141 : i32
      %lt3A = arith.constant 0 : i32
      %lt3A_143 = arith.cmpi slt, %rem3A_140, %lt3A : i32
      %lt3A_144 = arith.constant 0 : i32
      %lt3A_145 = arith.cmpi slt, %select_n3A_139, %lt3A_144 : i32
      %ne3A_146 = arith.xori %lt3A_143, %lt3A_145 : i1
      %and3A_147 = arith.andi %ne3A_146, %ne3A_142 : i1
      %add3A_148 = arith.addi %rem3A_140, %select_n3A_139 : i32
      %select_n3A_149 = arith.select %and3A_147, %add3A_148, %rem3A_140 : i32
      %mul3A_150 = arith.constant 16 : i32
      %mul3A_151 = arith.muli %select_n3A_149, %mul3A_150 : i32
      %swap3A = arith.index_cast %select_n3A : i32 to index
      %swap3A_152 = arith.index_cast %mul3A_151 : i32 to index
      %swap3A_153 = tpu.vector_load %arg16[%swap3A, %swap3A_152] {strides = array<i32>} : memref<125x64xf32, #tpu.memory_space<vmem>>, vector<1x16xf32>,
      %swap3A_154 = vector.shape_cast %swap3A_153 : vector<1x16xf32> to vector<16xf32>
      %swap3A_155 = vector.shape_cast %broadcast_in_dim3A_119 : vector<16xf32> to vector<1x16xf32>
      tpu.vector_store %arg16[%swap3A, %swap3A_152], %swap3A_155 {strides = array<i32>} : memref<125x64xf32, #tpu.memory_space<vmem>>, vector<1x16xf32>,
      %scan3A_156 = arith.constant 0 : i32
      scf.yield %scan3A_156 : i32
    }
    %scan3A_6 = arith.constant 500 : i32
    %scan3A_7 = arith.constant 0 : i32
    %scan3A_8 = arith.constant 0 : i32
    %scan3A_9 = arith.constant 5 : i32
    %scan3A_10 = arith.addi %scan3A_8, %scan3A_9 : i32
    %scan3A_11 = arith.constant 1 : i32
    %scan3A_12 = scf.for %scan3A_117 = %scan3A_8 to %scan3A_10 step %scan3A_11 iter_args(%scan3A_118 = %scan3A_7) -> (i32)  : i32 {
      %mul3A_119 = arith.constant 625 : i32
      %mul3A_120 = arith.muli %arg1, %mul3A_119 : i32
      %mul3A_121 = arith.constant 125 : i32
      %mul3A_122 = arith.muli %scan3A_117, %mul3A_121 : i32
      %add3A_123 = arith.addi %mul3A_120, %mul3A_122 : i32
      "tpu.region"() ({
        %run_scoped3A_125 = tpu.sem_alloc : memref<!tpu.dma_semaphore, #tpu.memory_space<semaphore_mem>>
        %dma_start3A_126 = arith.constant 0 : i32
        %dma_start3A_127 = tpu.memref_slice %arg17[%add3A_123, %dma_start3A_126] : memref<10000x64xf32, #tpu.memory_space<vmem_shared>> -> memref<125x64xf32, #tpu.memory_space<vmem_shared>>
        %dma_start3A_128 = arith.constant 0 : i32
        %dma_start3A_129 = tpu.memref_slice %arg17[%add3A_123, %dma_start3A_128] : memref<10000x64xf32, #tpu.memory_space<vmem_shared>> -> memref<125x64xf32, #tpu.memory_space<vmem_shared>>
        tpu.enqueue_dma source(%arg16 : memref<125x64xf32, #tpu.memory_space<vmem>>) target(%dma_start3A_129 : memref<125x64xf32, #tpu.memory_space<vmem_shared>>) target_semaphore(%run_scoped3A_125 : memref<!tpu.dma_semaphore, #tpu.memory_space<semaphore_mem>>)
        %dma_wait3A_130 = arith.constant 0 : i32
        %dma_wait3A_131 = tpu.memref_slice %arg17[%add3A_123, %dma_wait3A_130] : memref<10000x64xf32, #tpu.memory_space<vmem_shared>> -> memref<125x64xf32, #tpu.memory_space<vmem_shared>>
        %dma_wait3A_132 = arith.constant 0 : i32
        %dma_wait3A_133 = tpu.memref_slice %arg17[%add3A_123, %dma_wait3A_132] : memref<10000x64xf32, #tpu.memory_space<vmem_shared>> -> memref<125x64xf32, #tpu.memory_space<vmem_shared>>
        tpu.wait_dma2 semaphore(%run_scoped3A_125 : memref<!tpu.dma_semaphore, #tpu.memory_space<semaphore_mem>>) src(%arg16 : memref<125x64xf32, #tpu.memory_space<vmem>>) dst(%dma_wait3A_133 : memref<125x64xf32, #tpu.memory_space<vmem_shared>>)
        tpu.yield
      }) : () -> ()
      %scan3A_124 = arith.constant 0 : i32
      scf.yield %scan3A_124 : i32
    }
    %scan3A_13 = arith.constant 5 : i32
    %barrier3A = arith.constant 0 : index
    tpu.barrier barrier_id(%barrier3A)
    %dma_start3A = arith.constant 0 : i32
    %dma_start3A_14 = arith.constant 0 : i32
    %dma_start3A_15 = tpu.memref_slice %arg6[%dma_start3A, %dma_start3A_14] : memref<125x80xi32, #tpu.memory_space<vmem>> -> memref<1x80xi32, #tpu.memory_space<vmem>>
    %dma_start3A_16 = tpu.memref_squeeze %dma_start3A_15 : memref<1x80xi32, #tpu.memory_space<vmem>> -> memref<80xi32, #tpu.memory_space<vmem>>
    %dma_start3A_17 = arith.constant 0 : i32
    %dma_start3A_18 = arith.constant 0 : i32
    %dma_start3A_19 = tpu.memref_slice %arg2[%dma_start3A_17, %dma_start3A_18] : memref<10000x64xf32, #tpu.memory_space<hbm>> -> memref<10000x64xf32, #tpu.memory_space<hbm>>
    tpu.enqueue_indirect_dma source(%dma_start3A_19 : memref<10000x64xf32, #tpu.memory_space<hbm>>) target(%arg8 : memref<80x64xf32, #tpu.memory_space<vmem>>) offsets(%dma_start3A_16 : memref<80xi32, #tpu.memory_space<vmem>>) semaphore(%arg18 : memref<!tpu.dma_semaphore, #tpu.memory_space<semaphore_mem>>)
    %dma_start3A_20 = arith.constant 1 : i32
    %dma_start3A_21 = arith.constant 0 : i32
    %dma_start3A_22 = tpu.memref_slice %arg6[%dma_start3A_20, %dma_start3A_21] : memref<125x80xi32, #tpu.memory_space<vmem>> -> memref<1x80xi32, #tpu.memory_space<vmem>>
    %dma_start3A_23 = tpu.memref_squeeze %dma_start3A_22 : memref<1x80xi32, #tpu.memory_space<vmem>> -> memref<80xi32, #tpu.memory_space<vmem>>
    %dma_start3A_24 = arith.constant 0 : i32
    %dma_start3A_25 = arith.constant 0 : i32
    %dma_start3A_26 = tpu.memref_slice %arg2[%dma_start3A_24, %dma_start3A_25] : memref<10000x64xf32, #tpu.memory_space<hbm>> -> memref<10000x64xf32, #tpu.memory_space<hbm>>
    tpu.enqueue_indirect_dma source(%dma_start3A_26 : memref<10000x64xf32, #tpu.memory_space<hbm>>) target(%arg9 : memref<80x64xf32, #tpu.memory_space<vmem>>) offsets(%dma_start3A_23 : memref<80xi32, #tpu.memory_space<vmem>>) semaphore(%arg19 : memref<!tpu.dma_semaphore, #tpu.memory_space<semaphore_mem>>)
    %dma_start3A_27 = arith.constant 2 : i32
    %dma_start3A_28 = arith.constant 0 : i32
    %dma_start3A_29 = tpu.memref_slice %arg6[%dma_start3A_27, %dma_start3A_28] : memref<125x80xi32, #tpu.memory_space<vmem>> -> memref<1x80xi32, #tpu.memory_space<vmem>>
    %dma_start3A_30 = tpu.memref_squeeze %dma_start3A_29 : memref<1x80xi32, #tpu.memory_space<vmem>> -> memref<80xi32, #tpu.memory_space<vmem>>
    %dma_start3A_31 = arith.constant 0 : i32
    %dma_start3A_32 = arith.constant 0 : i32
    %dma_start3A_33 = tpu.memref_slice %arg2[%dma_start3A_31, %dma_start3A_32] : memref<10000x64xf32, #tpu.memory_space<hbm>> -> memref<10000x64xf32, #tpu.memory_space<hbm>>
    tpu.enqueue_indirect_dma source(%dma_start3A_33 : memref<10000x64xf32, #tpu.memory_space<hbm>>) target(%arg10 : memref<80x64xf32, #tpu.memory_space<vmem>>) offsets(%dma_start3A_30 : memref<80xi32, #tpu.memory_space<vmem>>) semaphore(%arg20 : memref<!tpu.dma_semaphore, #tpu.memory_space<semaphore_mem>>)
    %dma_start3A_34 = arith.constant 3 : i32
    %dma_start3A_35 = arith.constant 0 : i32
    %dma_start3A_36 = tpu.memref_slice %arg6[%dma_start3A_34, %dma_start3A_35] : memref<125x80xi32, #tpu.memory_space<vmem>> -> memref<1x80xi32, #tpu.memory_space<vmem>>
    %dma_start3A_37 = tpu.memref_squeeze %dma_start3A_36 : memref<1x80xi32, #tpu.memory_space<vmem>> -> memref<80xi32, #tpu.memory_space<vmem>>
    %dma_start3A_38 = arith.constant 0 : i32
    %dma_start3A_39 = arith.constant 0 : i32
    %dma_start3A_40 = tpu.memref_slice %arg2[%dma_start3A_38, %dma_start3A_39] : memref<10000x64xf32, #tpu.memory_space<hbm>> -> memref<10000x64xf32, #tpu.memory_space<hbm>>
    tpu.enqueue_indirect_dma source(%dma_start3A_40 : memref<10000x64xf32, #tpu.memory_space<hbm>>) target(%arg11 : memref<80x64xf32, #tpu.memory_space<vmem>>) offsets(%dma_start3A_37 : memref<80xi32, #tpu.memory_space<vmem>>) semaphore(%arg21 : memref<!tpu.dma_semaphore, #tpu.memory_space<semaphore_mem>>)
    %dma_start3A_41 = arith.constant 4 : i32
    %dma_start3A_42 = arith.constant 0 : i32
    %dma_start3A_43 = tpu.memref_slice %arg6[%dma_start3A_41, %dma_start3A_42] : memref<125x80xi32, #tpu.memory_space<vmem>> -> memref<1x80xi32, #tpu.memory_space<vmem>>
    %dma_start3A_44 = tpu.memref_squeeze %dma_start3A_43 : memref<1x80xi32, #tpu.memory_space<vmem>> -> memref<80xi32, #tpu.memory_space<vmem>>
    %dma_start3A_45 = arith.constant 0 : i32
    %dma_start3A_46 = arith.constant 0 : i32
    %dma_start3A_47 = tpu.memref_slice %arg2[%dma_start3A_45, %dma_start3A_46] : memref<10000x64xf32, #tpu.memory_space<hbm>> -> memref<10000x64xf32, #tpu.memory_space<hbm>>
    tpu.enqueue_indirect_dma source(%dma_start3A_47 : memref<10000x64xf32, #tpu.memory_space<hbm>>) target(%arg12 : memref<80x64xf32, #tpu.memory_space<vmem>>) offsets(%dma_start3A_44 : memref<80xi32, #tpu.memory_space<vmem>>) semaphore(%arg22 : memref<!tpu.dma_semaphore, #tpu.memory_space<semaphore_mem>>)
    %dma_start3A_48 = arith.constant 5 : i32
    %dma_start3A_49 = arith.constant 0 : i32
    %dma_start3A_50 = tpu.memref_slice %arg6[%dma_start3A_48, %dma_start3A_49] : memref<125x80xi32, #tpu.memory_space<vmem>> -> memref<1x80xi32, #tpu.memory_space<vmem>>
    %dma_start3A_51 = tpu.memref_squeeze %dma_start3A_50 : memref<1x80xi32, #tpu.memory_space<vmem>> -> memref<80xi32, #tpu.memory_space<vmem>>
    %dma_start3A_52 = arith.constant 0 : i32
    %dma_start3A_53 = arith.constant 0 : i32
    %dma_start3A_54 = tpu.memref_slice %arg2[%dma_start3A_52, %dma_start3A_53] : memref<10000x64xf32, #tpu.memory_space<hbm>> -> memref<10000x64xf32, #tpu.memory_space<hbm>>
    tpu.enqueue_indirect_dma source(%dma_start3A_54 : memref<10000x64xf32, #tpu.memory_space<hbm>>) target(%arg13 : memref<80x64xf32, #tpu.memory_space<vmem>>) offsets(%dma_start3A_51 : memref<80xi32, #tpu.memory_space<vmem>>) semaphore(%arg23 : memref<!tpu.dma_semaphore, #tpu.memory_space<semaphore_mem>>)
    %dma_start3A_55 = arith.constant 6 : i32
    %dma_start3A_56 = arith.constant 0 : i32
    %dma_start3A_57 = tpu.memref_slice %arg6[%dma_start3A_55, %dma_start3A_56] : memref<125x80xi32, #tpu.memory_space<vmem>> -> memref<1x80xi32, #tpu.memory_space<vmem>>
    %dma_start3A_58 = tpu.memref_squeeze %dma_start3A_57 : memref<1x80xi32, #tpu.memory_space<vmem>> -> memref<80xi32, #tpu.memory_space<vmem>>
    %dma_start3A_59 = arith.constant 0 : i32
    %dma_start3A_60 = arith.constant 0 : i32
    %dma_start3A_61 = tpu.memref_slice %arg2[%dma_start3A_59, %dma_start3A_60] : memref<10000x64xf32, #tpu.memory_space<hbm>> -> memref<10000x64xf32, #tpu.memory_space<hbm>>
    tpu.enqueue_indirect_dma source(%dma_start3A_61 : memref<10000x64xf32, #tpu.memory_space<hbm>>) target(%arg14 : memref<80x64xf32, #tpu.memory_space<vmem>>) offsets(%dma_start3A_58 : memref<80xi32, #tpu.memory_space<vmem>>) semaphore(%arg24 : memref<!tpu.dma_semaphore, #tpu.memory_space<semaphore_mem>>)
    %dma_start3A_62 = arith.constant 7 : i32
    %dma_start3A_63 = arith.constant 0 : i32
    %dma_start3A_64 = tpu.memref_slice %arg6[%dma_start3A_62, %dma_start3A_63] : memref<125x80xi32, #tpu.memory_space<vmem>> -> memref<1x80xi32, #tpu.memory_space<vmem>>
    %dma_start3A_65 = tpu.memref_squeeze %dma_start3A_64 : memref<1x80xi32, #tpu.memory_space<vmem>> -> memref<80xi32, #tpu.memory_space<vmem>>
    %dma_start3A_66 = arith.constant 0 : i32
    %dma_start3A_67 = arith.constant 0 : i32
    %dma_start3A_68 = tpu.memref_slice %arg2[%dma_start3A_66, %dma_start3A_67] : memref<10000x64xf32, #tpu.memory_space<hbm>> -> memref<10000x64xf32, #tpu.memory_space<hbm>>
    tpu.enqueue_indirect_dma source(%dma_start3A_68 : memref<10000x64xf32, #tpu.memory_space<hbm>>) target(%arg15 : memref<80x64xf32, #tpu.memory_space<vmem>>) offsets(%dma_start3A_65 : memref<80xi32, #tpu.memory_space<vmem>>) semaphore(%arg25 : memref<!tpu.dma_semaphore, #tpu.memory_space<semaphore_mem>>)
    %scan3A_69 = arith.constant 0 : i32
    %scan3A_70 = arith.constant 0 : i32
    %scan3A_71 = arith.constant 15 : i32
    %scan3A_72 = arith.addi %scan3A_70, %scan3A_71 : i32
    %scan3A_73 = arith.constant 1 : i32
    %scan3A_74 = scf.for %scan3A_117 = %scan3A_70 to %scan3A_72 step %scan3A_73 iter_args(%scan3A_118 = %scan3A_69) -> (i32)  : i32 {
      %mul3A_119 = arith.constant 8 : i32
      %mul3A_120 = arith.muli %scan3A_117, %mul3A_119 : i32
      %add3A_121 = arith.constant 0 : i32
      %add3A_122 = arith.addi %mul3A_120, %add3A_121 : i32
      %dma_wait3A_123 = arith.constant 0 : i32
      %dma_wait3A_124 = tpu.memref_slice %arg6[%add3A_122, %dma_wait3A_123] : memref<125x80xi32, #tpu.memory_space<vmem>> -> memref<1x80xi32, #tpu.memory_space<vmem>>
      %dma_wait3A_125 = tpu.memref_squeeze %dma_wait3A_124 : memref<1x80xi32, #tpu.memory_space<vmem>> -> memref<80xi32, #tpu.memory_space<vmem>>
      %dma_wait3A_126 = arith.constant 0 : i32
      %dma_wait3A_127 = arith.constant 0 : i32
      %dma_wait3A_128 = tpu.memref_slice %arg2[%dma_wait3A_126, %dma_wait3A_127] : memref<10000x64xf32, #tpu.memory_space<hbm>> -> memref<10000x64xf32, #tpu.memory_space<hbm>>
      tpu.wait_indirect_dma semaphore(%arg18 : memref<!tpu.dma_semaphore, #tpu.memory_space<semaphore_mem>>) src(%dma_wait3A_128 : memref<10000x64xf32, #tpu.memory_space<hbm>>) dst(%arg8 : memref<80x64xf32, #tpu.memory_space<vmem>>)
      %add3A_129 = arith.constant 0 : i32
      %add3A_130 = arith.addi %mul3A_120, %add3A_129 : i32
      "tpu.region"() ({
        %run_scoped3A_271 = tpu.sem_alloc : memref<!tpu.dma_semaphore, #tpu.memory_space<semaphore_mem>>
        %dma_start3A_272 = arith.constant 0 : i32
        %dma_start3A_273 = tpu.memref_slice %arg7[%add3A_130, %dma_start3A_272] : memref<125x80xi32, #tpu.memory_space<vmem>> -> memref<1x80xi32, #tpu.memory_space<vmem>>
        %dma_start3A_274 = tpu.memref_squeeze %dma_start3A_273 : memref<1x80xi32, #tpu.memory_space<vmem>> -> memref<80xi32, #tpu.memory_space<vmem>>
        %dma_start3A_275 = arith.constant 0 : i32
        %dma_start3A_276 = arith.constant 0 : i32
        %dma_start3A_277 = tpu.memref_slice %arg17[%dma_start3A_275, %dma_start3A_276] : memref<10000x64xf32, #tpu.memory_space<vmem_shared>> -> memref<10000x64xf32, #tpu.memory_space<vmem_shared>>
        tpu.enqueue_indirect_dma source(%arg8 : memref<80x64xf32, #tpu.memory_space<vmem>>) target(%dma_start3A_277 : memref<10000x64xf32, #tpu.memory_space<vmem_shared>>) offsets(%dma_start3A_274 : memref<80xi32, #tpu.memory_space<vmem>>) semaphore(%run_scoped3A_271 : memref<!tpu.dma_semaphore, #tpu.memory_space<semaphore_mem>>) {add = true}
        %dma_wait3A_278 = arith.constant 0 : i32
        %dma_wait3A_279 = tpu.memref_slice %arg7[%add3A_130, %dma_wait3A_278] : memref<125x80xi32, #tpu.memory_space<vmem>> -> memref<1x80xi32, #tpu.memory_space<vmem>>
        %dma_wait3A_280 = tpu.memref_squeeze %dma_wait3A_279 : memref<1x80xi32, #tpu.memory_space<vmem>> -> memref<80xi32, #tpu.memory_space<vmem>>
        %dma_wait3A_281 = arith.constant 0 : i32
        %dma_wait3A_282 = arith.constant 0 : i32
        %dma_wait3A_283 = tpu.memref_slice %arg17[%dma_wait3A_281, %dma_wait3A_282] : memref<10000x64xf32, #tpu.memory_space<vmem_shared>> -> memref<10000x64xf32, #tpu.memory_space<vmem_shared>>
        tpu.wait_indirect_dma semaphore(%run_scoped3A_271 : memref<!tpu.dma_semaphore, #tpu.memory_space<semaphore_mem>>) src(%arg8 : memref<80x64xf32, #tpu.memory_space<vmem>>) dst(%dma_wait3A_283 : memref<10000x64xf32, #tpu.memory_space<vmem_shared>>)
        tpu.yield
      }) : () -> ()
      %add3A_131 = arith.constant 8 : i32
      %add3A_132 = arith.addi %mul3A_120, %add3A_131 : i32
      %add3A_133 = arith.constant 0 : i32
      %add3A_134 = arith.addi %add3A_132, %add3A_133 : i32
      %lt3A = arith.constant 125 : i32
      %lt3A_135 = arith.cmpi slt, %add3A_134, %lt3A : i32
      %convert_element_type3A = arith.extui %lt3A_135 : i1 to i32
      %cond3A = arith.constant 0 : i32
      %cond3A_136 = arith.cmpi ne, %convert_element_type3A, %cond3A : i32
      scf.if %cond3A_136 {
        %add3A_271 = arith.constant 8 : i32
        %add3A_272 = arith.addi %mul3A_120, %add3A_271 : i32
        %add3A_273 = arith.constant 0 : i32
        %add3A_274 = arith.addi %add3A_272, %add3A_273 : i32
        %dma_start3A_275 = arith.constant 0 : i32
        %dma_start3A_276 = tpu.memref_slice %arg6[%add3A_274, %dma_start3A_275] : memref<125x80xi32, #tpu.memory_space<vmem>> -> memref<1x80xi32, #tpu.memory_space<vmem>>
        %dma_start3A_277 = tpu.memref_squeeze %dma_start3A_276 : memref<1x80xi32, #tpu.memory_space<vmem>> -> memref<80xi32, #tpu.memory_space<vmem>>
        %dma_start3A_278 = arith.constant 0 : i32
        %dma_start3A_279 = arith.constant 0 : i32
        %dma_start3A_280 = tpu.memref_slice %arg2[%dma_start3A_278, %dma_start3A_279] : memref<10000x64xf32, #tpu.memory_space<hbm>> -> memref<10000x64xf32, #tpu.memory_space<hbm>>
        tpu.enqueue_indirect_dma source(%dma_start3A_280 : memref<10000x64xf32, #tpu.memory_space<hbm>>) target(%arg8 : memref<80x64xf32, #tpu.memory_space<vmem>>) offsets(%dma_start3A_277 : memref<80xi32, #tpu.memory_space<vmem>>) semaphore(%arg18 : memref<!tpu.dma_semaphore, #tpu.memory_space<semaphore_mem>>)
      } else {
      }
      %add3A_137 = arith.constant 1 : i32
      %add3A_138 = arith.addi %mul3A_120, %add3A_137 : i32
      %dma_wait3A_139 = arith.constant 0 : i32
      %dma_wait3A_140 = tpu.memref_slice %arg6[%add3A_138, %dma_wait3A_139] : memref<125x80xi32, #tpu.memory_space<vmem>> -> memref<1x80xi32, #tpu.memory_space<vmem>>
      %dma_wait3A_141 = tpu.memref_squeeze %dma_wait3A_140 : memref<1x80xi32, #tpu.memory_space<vmem>> -> memref<80xi32, #tpu.memory_space<vmem>>
      %dma_wait3A_142 = arith.constant 0 : i32
      %dma_wait3A_143 = arith.constant 0 : i32
      %dma_wait3A_144 = tpu.memref_slice %arg2[%dma_wait3A_142, %dma_wait3A_143] : memref<10000x64xf32, #tpu.memory_space<hbm>> -> memref<10000x64xf32, #tpu.memory_space<hbm>>
      tpu.wait_indirect_dma semaphore(%arg19 : memref<!tpu.dma_semaphore, #tpu.memory_space<semaphore_mem>>) src(%dma_wait3A_144 : memref<10000x64xf32, #tpu.memory_space<hbm>>) dst(%arg9 : memref<80x64xf32, #tpu.memory_space<vmem>>)
      %add3A_145 = arith.constant 1 : i32
      %add3A_146 = arith.addi %mul3A_120, %add3A_145 : i32
      "tpu.region"() ({
        %run_scoped3A_271 = tpu.sem_alloc : memref<!tpu.dma_semaphore, #tpu.memory_space<semaphore_mem>>
        %dma_start3A_272 = arith.constant 0 : i32
        %dma_start3A_273 = tpu.memref_slice %arg7[%add3A_146, %dma_start3A_272] : memref<125x80xi32, #tpu.memory_space<vmem>> -> memref<1x80xi32, #tpu.memory_space<vmem>>
        %dma_start3A_274 = tpu.memref_squeeze %dma_start3A_273 : memref<1x80xi32, #tpu.memory_space<vmem>> -> memref<80xi32, #tpu.memory_space<vmem>>
        %dma_start3A_275 = arith.constant 0 : i32
        %dma_start3A_276 = arith.constant 0 : i32
        %dma_start3A_277 = tpu.memref_slice %arg17[%dma_start3A_275, %dma_start3A_276] : memref<10000x64xf32, #tpu.memory_space<vmem_shared>> -> memref<10000x64xf32, #tpu.memory_space<vmem_shared>>
        tpu.enqueue_indirect_dma source(%arg9 : memref<80x64xf32, #tpu.memory_space<vmem>>) target(%dma_start3A_277 : memref<10000x64xf32, #tpu.memory_space<vmem_shared>>) offsets(%dma_start3A_274 : memref<80xi32, #tpu.memory_space<vmem>>) semaphore(%run_scoped3A_271 : memref<!tpu.dma_semaphore, #tpu.memory_space<semaphore_mem>>) {add = true}
        %dma_wait3A_278 = arith.constant 0 : i32
        %dma_wait3A_279 = tpu.memref_slice %arg7[%add3A_146, %dma_wait3A_278] : memref<125x80xi32, #tpu.memory_space<vmem>> -> memref<1x80xi32, #tpu.memory_space<vmem>>
        %dma_wait3A_280 = tpu.memref_squeeze %dma_wait3A_279 : memref<1x80xi32, #tpu.memory_space<vmem>> -> memref<80xi32, #tpu.memory_space<vmem>>
        %dma_wait3A_281 = arith.constant 0 : i32
        %dma_wait3A_282 = arith.constant 0 : i32
        %dma_wait3A_283 = tpu.memref_slice %arg17[%dma_wait3A_281, %dma_wait3A_282] : memref<10000x64xf32, #tpu.memory_space<vmem_shared>> -> memref<10000x64xf32, #tpu.memory_space<vmem_shared>>
        tpu.wait_indirect_dma semaphore(%run_scoped3A_271 : memref<!tpu.dma_semaphore, #tpu.memory_space<semaphore_mem>>) src(%arg9 : memref<80x64xf32, #tpu.memory_space<vmem>>) dst(%dma_wait3A_283 : memref<10000x64xf32, #tpu.memory_space<vmem_shared>>)
        tpu.yield
      }) : () -> ()
      %add3A_147 = arith.constant 8 : i32
      %add3A_148 = arith.addi %mul3A_120, %add3A_147 : i32
      %add3A_149 = arith.constant 1 : i32
      %add3A_150 = arith.addi %add3A_148, %add3A_149 : i32
      %lt3A_151 = arith.constant 125 : i32
      %lt3A_152 = arith.cmpi slt, %add3A_150, %lt3A_151 : i32
      %convert_element_type3A_153 = arith.extui %lt3A_152 : i1 to i32
      %cond3A_154 = arith.constant 0 : i32
      %cond3A_155 = arith.cmpi ne, %convert_element_type3A_153, %cond3A_154 : i32
      scf.if %cond3A_155 {
        %add3A_271 = arith.constant 8 : i32
        %add3A_272 = arith.addi %mul3A_120, %add3A_271 : i32
        %add3A_273 = arith.constant 1 : i32
        %add3A_274 = arith.addi %add3A_272, %add3A_273 : i32
        %dma_start3A_275 = arith.constant 0 : i32
        %dma_start3A_276 = tpu.memref_slice %arg6[%add3A_274, %dma_start3A_275] : memref<125x80xi32, #tpu.memory_space<vmem>> -> memref<1x80xi32, #tpu.memory_space<vmem>>
        %dma_start3A_277 = tpu.memref_squeeze %dma_start3A_276 : memref<1x80xi32, #tpu.memory_space<vmem>> -> memref<80xi32, #tpu.memory_space<vmem>>
        %dma_start3A_278 = arith.constant 0 : i32
        %dma_start3A_279 = arith.constant 0 : i32
        %dma_start3A_280 = tpu.memref_slice %arg2[%dma_start3A_278, %dma_start3A_279] : memref<10000x64xf32, #tpu.memory_space<hbm>> -> memref<10000x64xf32, #tpu.memory_space<hbm>>
        tpu.enqueue_indirect_dma source(%dma_start3A_280 : memref<10000x64xf32, #tpu.memory_space<hbm>>) target(%arg9 : memref<80x64xf32, #tpu.memory_space<vmem>>) offsets(%dma_start3A_277 : memref<80xi32, #tpu.memory_space<vmem>>) semaphore(%arg19 : memref<!tpu.dma_semaphore, #tpu.memory_space<semaphore_mem>>)
      } else {
      }
      %add3A_156 = arith.constant 2 : i32
      %add3A_157 = arith.addi %mul3A_120, %add3A_156 : i32
      %dma_wait3A_158 = arith.constant 0 : i32
      %dma_wait3A_159 = tpu.memref_slice %arg6[%add3A_157, %dma_wait3A_158] : memref<125x80xi32, #tpu.memory_space<vmem>> -> memref<1x80xi32, #tpu.memory_space<vmem>>
      %dma_wait3A_160 = tpu.memref_squeeze %dma_wait3A_159 : memref<1x80xi32, #tpu.memory_space<vmem>> -> memref<80xi32, #tpu.memory_space<vmem>>
      %dma_wait3A_161 = arith.constant 0 : i32
      %dma_wait3A_162 = arith.constant 0 : i32
      %dma_wait3A_163 = tpu.memref_slice %arg2[%dma_wait3A_161, %dma_wait3A_162] : memref<10000x64xf32, #tpu.memory_space<hbm>> -> memref<10000x64xf32, #tpu.memory_space<hbm>>
      tpu.wait_indirect_dma semaphore(%arg20 : memref<!tpu.dma_semaphore, #tpu.memory_space<semaphore_mem>>) src(%dma_wait3A_163 : memref<10000x64xf32, #tpu.memory_space<hbm>>) dst(%arg10 : memref<80x64xf32, #tpu.memory_space<vmem>>)
      %add3A_164 = arith.constant 2 : i32
      %add3A_165 = arith.addi %mul3A_120, %add3A_164 : i32
      "tpu.region"() ({
        %run_scoped3A_271 = tpu.sem_alloc : memref<!tpu.dma_semaphore, #tpu.memory_space<semaphore_mem>>
        %dma_start3A_272 = arith.constant 0 : i32
        %dma_start3A_273 = tpu.memref_slice %arg7[%add3A_165, %dma_start3A_272] : memref<125x80xi32, #tpu.memory_space<vmem>> -> memref<1x80xi32, #tpu.memory_space<vmem>>
        %dma_start3A_274 = tpu.memref_squeeze %dma_start3A_273 : memref<1x80xi32, #tpu.memory_space<vmem>> -> memref<80xi32, #tpu.memory_space<vmem>>
        %dma_start3A_275 = arith.constant 0 : i32
        %dma_start3A_276 = arith.constant 0 : i32
        %dma_start3A_277 = tpu.memref_slice %arg17[%dma_start3A_275, %dma_start3A_276] : memref<10000x64xf32, #tpu.memory_space<vmem_shared>> -> memref<10000x64xf32, #tpu.memory_space<vmem_shared>>
        tpu.enqueue_indirect_dma source(%arg10 : memref<80x64xf32, #tpu.memory_space<vmem>>) target(%dma_start3A_277 : memref<10000x64xf32, #tpu.memory_space<vmem_shared>>) offsets(%dma_start3A_274 : memref<80xi32, #tpu.memory_space<vmem>>) semaphore(%run_scoped3A_271 : memref<!tpu.dma_semaphore, #tpu.memory_space<semaphore_mem>>) {add = true}
        %dma_wait3A_278 = arith.constant 0 : i32
        %dma_wait3A_279 = tpu.memref_slice %arg7[%add3A_165, %dma_wait3A_278] : memref<125x80xi32, #tpu.memory_space<vmem>> -> memref<1x80xi32, #tpu.memory_space<vmem>>
        %dma_wait3A_280 = tpu.memref_squeeze %dma_wait3A_279 : memref<1x80xi32, #tpu.memory_space<vmem>> -> memref<80xi32, #tpu.memory_space<vmem>>
        %dma_wait3A_281 = arith.constant 0 : i32
        %dma_wait3A_282 = arith.constant 0 : i32
        %dma_wait3A_283 = tpu.memref_slice %arg17[%dma_wait3A_281, %dma_wait3A_282] : memref<10000x64xf32, #tpu.memory_space<vmem_shared>> -> memref<10000x64xf32, #tpu.memory_space<vmem_shared>>
        tpu.wait_indirect_dma semaphore(%run_scoped3A_271 : memref<!tpu.dma_semaphore, #tpu.memory_space<semaphore_mem>>) src(%arg10 : memref<80x64xf32, #tpu.memory_space<vmem>>) dst(%dma_wait3A_283 : memref<10000x64xf32, #tpu.memory_space<vmem_shared>>)
        tpu.yield
      }) : () -> ()
      %add3A_166 = arith.constant 8 : i32
      %add3A_167 = arith.addi %mul3A_120, %add3A_166 : i32
      %add3A_168 = arith.constant 2 : i32
      %add3A_169 = arith.addi %add3A_167, %add3A_168 : i32
      %lt3A_170 = arith.constant 125 : i32
      %lt3A_171 = arith.cmpi slt, %add3A_169, %lt3A_170 : i32
      %convert_element_type3A_172 = arith.extui %lt3A_171 : i1 to i32
      %cond3A_173 = arith.constant 0 : i32
      %cond3A_174 = arith.cmpi ne, %convert_element_type3A_172, %cond3A_173 : i32
      scf.if %cond3A_174 {
        %add3A_271 = arith.constant 8 : i32
        %add3A_272 = arith.addi %mul3A_120, %add3A_271 : i32
        %add3A_273 = arith.constant 2 : i32
        %add3A_274 = arith.addi %add3A_272, %add3A_273 : i32
        %dma_start3A_275 = arith.constant 0 : i32
        %dma_start3A_276 = tpu.memref_slice %arg6[%add3A_274, %dma_start3A_275] : memref<125x80xi32, #tpu.memory_space<vmem>> -> memref<1x80xi32, #tpu.memory_space<vmem>>
        %dma_start3A_277 = tpu.memref_squeeze %dma_start3A_276 : memref<1x80xi32, #tpu.memory_space<vmem>> -> memref<80xi32, #tpu.memory_space<vmem>>
        %dma_start3A_278 = arith.constant 0 : i32
        %dma_start3A_279 = arith.constant 0 : i32
        %dma_start3A_280 = tpu.memref_slice %arg2[%dma_start3A_278, %dma_start3A_279] : memref<10000x64xf32, #tpu.memory_space<hbm>> -> memref<10000x64xf32, #tpu.memory_space<hbm>>
        tpu.enqueue_indirect_dma source(%dma_start3A_280 : memref<10000x64xf32, #tpu.memory_space<hbm>>) target(%arg10 : memref<80x64xf32, #tpu.memory_space<vmem>>) offsets(%dma_start3A_277 : memref<80xi32, #tpu.memory_space<vmem>>) semaphore(%arg20 : memref<!tpu.dma_semaphore, #tpu.memory_space<semaphore_mem>>)
      } else {
      }
      %add3A_175 = arith.constant 3 : i32
      %add3A_176 = arith.addi %mul3A_120, %add3A_175 : i32
      %dma_wait3A_177 = arith.constant 0 : i32
      %dma_wait3A_178 = tpu.memref_slice %arg6[%add3A_176, %dma_wait3A_177] : memref<125x80xi32, #tpu.memory_space<vmem>> -> memref<1x80xi32, #tpu.memory_space<vmem>>
      %dma_wait3A_179 = tpu.memref_squeeze %dma_wait3A_178 : memref<1x80xi32, #tpu.memory_space<vmem>> -> memref<80xi32, #tpu.memory_space<vmem>>
      %dma_wait3A_180 = arith.constant 0 : i32
      %dma_wait3A_181 = arith.constant 0 : i32
      %dma_wait3A_182 = tpu.memref_slice %arg2[%dma_wait3A_180, %dma_wait3A_181] : memref<10000x64xf32, #tpu.memory_space<hbm>> -> memref<10000x64xf32, #tpu.memory_space<hbm>>
      tpu.wait_indirect_dma semaphore(%arg21 : memref<!tpu.dma_semaphore, #tpu.memory_space<semaphore_mem>>) src(%dma_wait3A_182 : memref<10000x64xf32, #tpu.memory_space<hbm>>) dst(%arg11 : memref<80x64xf32, #tpu.memory_space<vmem>>)
      %add3A_183 = arith.constant 3 : i32
      %add3A_184 = arith.addi %mul3A_120, %add3A_183 : i32
      "tpu.region"() ({
        %run_scoped3A_271 = tpu.sem_alloc : memref<!tpu.dma_semaphore, #tpu.memory_space<semaphore_mem>>
        %dma_start3A_272 = arith.constant 0 : i32
        %dma_start3A_273 = tpu.memref_slice %arg7[%add3A_184, %dma_start3A_272] : memref<125x80xi32, #tpu.memory_space<vmem>> -> memref<1x80xi32, #tpu.memory_space<vmem>>
        %dma_start3A_274 = tpu.memref_squeeze %dma_start3A_273 : memref<1x80xi32, #tpu.memory_space<vmem>> -> memref<80xi32, #tpu.memory_space<vmem>>
        %dma_start3A_275 = arith.constant 0 : i32
        %dma_start3A_276 = arith.constant 0 : i32
        %dma_start3A_277 = tpu.memref_slice %arg17[%dma_start3A_275, %dma_start3A_276] : memref<10000x64xf32, #tpu.memory_space<vmem_shared>> -> memref<10000x64xf32, #tpu.memory_space<vmem_shared>>
        tpu.enqueue_indirect_dma source(%arg11 : memref<80x64xf32, #tpu.memory_space<vmem>>) target(%dma_start3A_277 : memref<10000x64xf32, #tpu.memory_space<vmem_shared>>) offsets(%dma_start3A_274 : memref<80xi32, #tpu.memory_space<vmem>>) semaphore(%run_scoped3A_271 : memref<!tpu.dma_semaphore, #tpu.memory_space<semaphore_mem>>) {add = true}
        %dma_wait3A_278 = arith.constant 0 : i32
        %dma_wait3A_279 = tpu.memref_slice %arg7[%add3A_184, %dma_wait3A_278] : memref<125x80xi32, #tpu.memory_space<vmem>> -> memref<1x80xi32, #tpu.memory_space<vmem>>
        %dma_wait3A_280 = tpu.memref_squeeze %dma_wait3A_279 : memref<1x80xi32, #tpu.memory_space<vmem>> -> memref<80xi32, #tpu.memory_space<vmem>>
        %dma_wait3A_281 = arith.constant 0 : i32
        %dma_wait3A_282 = arith.constant 0 : i32
        %dma_wait3A_283 = tpu.memref_slice %arg17[%dma_wait3A_281, %dma_wait3A_282] : memref<10000x64xf32, #tpu.memory_space<vmem_shared>> -> memref<10000x64xf32, #tpu.memory_space<vmem_shared>>
        tpu.wait_indirect_dma semaphore(%run_scoped3A_271 : memref<!tpu.dma_semaphore, #tpu.memory_space<semaphore_mem>>) src(%arg11 : memref<80x64xf32, #tpu.memory_space<vmem>>) dst(%dma_wait3A_283 : memref<10000x64xf32, #tpu.memory_space<vmem_shared>>)
        tpu.yield
      }) : () -> ()
      %add3A_185 = arith.constant 8 : i32
      %add3A_186 = arith.addi %mul3A_120, %add3A_185 : i32
      %add3A_187 = arith.constant 3 : i32
      %add3A_188 = arith.addi %add3A_186, %add3A_187 : i32
      %lt3A_189 = arith.constant 125 : i32
      %lt3A_190 = arith.cmpi slt, %add3A_188, %lt3A_189 : i32
      %convert_element_type3A_191 = arith.extui %lt3A_190 : i1 to i32
      %cond3A_192 = arith.constant 0 : i32
      %cond3A_193 = arith.cmpi ne, %convert_element_type3A_191, %cond3A_192 : i32
      scf.if %cond3A_193 {
        %add3A_271 = arith.constant 8 : i32
        %add3A_272 = arith.addi %mul3A_120, %add3A_271 : i32
        %add3A_273 = arith.constant 3 : i32
        %add3A_274 = arith.addi %add3A_272, %add3A_273 : i32
        %dma_start3A_275 = arith.constant 0 : i32
        %dma_start3A_276 = tpu.memref_slice %arg6[%add3A_274, %dma_start3A_275] : memref<125x80xi32, #tpu.memory_space<vmem>> -> memref<1x80xi32, #tpu.memory_space<vmem>>
        %dma_start3A_277 = tpu.memref_squeeze %dma_start3A_276 : memref<1x80xi32, #tpu.memory_space<vmem>> -> memref<80xi32, #tpu.memory_space<vmem>>
        %dma_start3A_278 = arith.constant 0 : i32
        %dma_start3A_279 = arith.constant 0 : i32
        %dma_start3A_280 = tpu.memref_slice %arg2[%dma_start3A_278, %dma_start3A_279] : memref<10000x64xf32, #tpu.memory_space<hbm>> -> memref<10000x64xf32, #tpu.memory_space<hbm>>
        tpu.enqueue_indirect_dma source(%dma_start3A_280 : memref<10000x64xf32, #tpu.memory_space<hbm>>) target(%arg11 : memref<80x64xf32, #tpu.memory_space<vmem>>) offsets(%dma_start3A_277 : memref<80xi32, #tpu.memory_space<vmem>>) semaphore(%arg21 : memref<!tpu.dma_semaphore, #tpu.memory_space<semaphore_mem>>)
      } else {
      }
      %add3A_194 = arith.constant 4 : i32
      %add3A_195 = arith.addi %mul3A_120, %add3A_194 : i32
      %dma_wait3A_196 = arith.constant 0 : i32
      %dma_wait3A_197 = tpu.memref_slice %arg6[%add3A_195, %dma_wait3A_196] : memref<125x80xi32, #tpu.memory_space<vmem>> -> memref<1x80xi32, #tpu.memory_space<vmem>>
      %dma_wait3A_198 = tpu.memref_squeeze %dma_wait3A_197 : memref<1x80xi32, #tpu.memory_space<vmem>> -> memref<80xi32, #tpu.memory_space<vmem>>
      %dma_wait3A_199 = arith.constant 0 : i32
      %dma_wait3A_200 = arith.constant 0 : i32
      %dma_wait3A_201 = tpu.memref_slice %arg2[%dma_wait3A_199, %dma_wait3A_200] : memref<10000x64xf32, #tpu.memory_space<hbm>> -> memref<10000x64xf32, #tpu.memory_space<hbm>>
      tpu.wait_indirect_dma semaphore(%arg22 : memref<!tpu.dma_semaphore, #tpu.memory_space<semaphore_mem>>) src(%dma_wait3A_201 : memref<10000x64xf32, #tpu.memory_space<hbm>>) dst(%arg12 : memref<80x64xf32, #tpu.memory_space<vmem>>)
      %add3A_202 = arith.constant 4 : i32
      %add3A_203 = arith.addi %mul3A_120, %add3A_202 : i32
      "tpu.region"() ({
        %run_scoped3A_271 = tpu.sem_alloc : memref<!tpu.dma_semaphore, #tpu.memory_space<semaphore_mem>>
        %dma_start3A_272 = arith.constant 0 : i32
        %dma_start3A_273 = tpu.memref_slice %arg7[%add3A_203, %dma_start3A_272] : memref<125x80xi32, #tpu.memory_space<vmem>> -> memref<1x80xi32, #tpu.memory_space<vmem>>
        %dma_start3A_274 = tpu.memref_squeeze %dma_start3A_273 : memref<1x80xi32, #tpu.memory_space<vmem>> -> memref<80xi32, #tpu.memory_space<vmem>>
        %dma_start3A_275 = arith.constant 0 : i32
        %dma_start3A_276 = arith.constant 0 : i32
        %dma_start3A_277 = tpu.memref_slice %arg17[%dma_start3A_275, %dma_start3A_276] : memref<10000x64xf32, #tpu.memory_space<vmem_shared>> -> memref<10000x64xf32, #tpu.memory_space<vmem_shared>>
        tpu.enqueue_indirect_dma source(%arg12 : memref<80x64xf32, #tpu.memory_space<vmem>>) target(%dma_start3A_277 : memref<10000x64xf32, #tpu.memory_space<vmem_shared>>) offsets(%dma_start3A_274 : memref<80xi32, #tpu.memory_space<vmem>>) semaphore(%run_scoped3A_271 : memref<!tpu.dma_semaphore, #tpu.memory_space<semaphore_mem>>) {add = true}
        %dma_wait3A_278 = arith.constant 0 : i32
        %dma_wait3A_279 = tpu.memref_slice %arg7[%add3A_203, %dma_wait3A_278] : memref<125x80xi32, #tpu.memory_space<vmem>> -> memref<1x80xi32, #tpu.memory_space<vmem>>
        %dma_wait3A_280 = tpu.memref_squeeze %dma_wait3A_279 : memref<1x80xi32, #tpu.memory_space<vmem>> -> memref<80xi32, #tpu.memory_space<vmem>>
        %dma_wait3A_281 = arith.constant 0 : i32
        %dma_wait3A_282 = arith.constant 0 : i32
        %dma_wait3A_283 = tpu.memref_slice %arg17[%dma_wait3A_281, %dma_wait3A_282] : memref<10000x64xf32, #tpu.memory_space<vmem_shared>> -> memref<10000x64xf32, #tpu.memory_space<vmem_shared>>
        tpu.wait_indirect_dma semaphore(%run_scoped3A_271 : memref<!tpu.dma_semaphore, #tpu.memory_space<semaphore_mem>>) src(%arg12 : memref<80x64xf32, #tpu.memory_space<vmem>>) dst(%dma_wait3A_283 : memref<10000x64xf32, #tpu.memory_space<vmem_shared>>)
        tpu.yield
      }) : () -> ()
      %add3A_204 = arith.constant 8 : i32
      %add3A_205 = arith.addi %mul3A_120, %add3A_204 : i32
      %add3A_206 = arith.constant 4 : i32
      %add3A_207 = arith.addi %add3A_205, %add3A_206 : i32
      %lt3A_208 = arith.constant 125 : i32
      %lt3A_209 = arith.cmpi slt, %add3A_207, %lt3A_208 : i32
      %convert_element_type3A_210 = arith.extui %lt3A_209 : i1 to i32
      %cond3A_211 = arith.constant 0 : i32
      %cond3A_212 = arith.cmpi ne, %convert_element_type3A_210, %cond3A_211 : i32
      scf.if %cond3A_212 {
        %add3A_271 = arith.constant 8 : i32
        %add3A_272 = arith.addi %mul3A_120, %add3A_271 : i32
        %add3A_273 = arith.constant 4 : i32
        %add3A_274 = arith.addi %add3A_272, %add3A_273 : i32
        %dma_start3A_275 = arith.constant 0 : i32
        %dma_start3A_276 = tpu.memref_slice %arg6[%add3A_274, %dma_start3A_275] : memref<125x80xi32, #tpu.memory_space<vmem>> -> memref<1x80xi32, #tpu.memory_space<vmem>>
        %dma_start3A_277 = tpu.memref_squeeze %dma_start3A_276 : memref<1x80xi32, #tpu.memory_space<vmem>> -> memref<80xi32, #tpu.memory_space<vmem>>
        %dma_start3A_278 = arith.constant 0 : i32
        %dma_start3A_279 = arith.constant 0 : i32
        %dma_start3A_280 = tpu.memref_slice %arg2[%dma_start3A_278, %dma_start3A_279] : memref<10000x64xf32, #tpu.memory_space<hbm>> -> memref<10000x64xf32, #tpu.memory_space<hbm>>
        tpu.enqueue_indirect_dma source(%dma_start3A_280 : memref<10000x64xf32, #tpu.memory_space<hbm>>) target(%arg12 : memref<80x64xf32, #tpu.memory_space<vmem>>) offsets(%dma_start3A_277 : memref<80xi32, #tpu.memory_space<vmem>>) semaphore(%arg22 : memref<!tpu.dma_semaphore, #tpu.memory_space<semaphore_mem>>)
      } else {
      }
      %add3A_213 = arith.constant 5 : i32
      %add3A_214 = arith.addi %mul3A_120, %add3A_213 : i32
      %dma_wait3A_215 = arith.constant 0 : i32
      %dma_wait3A_216 = tpu.memref_slice %arg6[%add3A_214, %dma_wait3A_215] : memref<125x80xi32, #tpu.memory_space<vmem>> -> memref<1x80xi32, #tpu.memory_space<vmem>>
      %dma_wait3A_217 = tpu.memref_squeeze %dma_wait3A_216 : memref<1x80xi32, #tpu.memory_space<vmem>> -> memref<80xi32, #tpu.memory_space<vmem>>
      %dma_wait3A_218 = arith.constant 0 : i32
      %dma_wait3A_219 = arith.constant 0 : i32
      %dma_wait3A_220 = tpu.memref_slice %arg2[%dma_wait3A_218, %dma_wait3A_219] : memref<10000x64xf32, #tpu.memory_space<hbm>> -> memref<10000x64xf32, #tpu.memory_space<hbm>>
      tpu.wait_indirect_dma semaphore(%arg23 : memref<!tpu.dma_semaphore, #tpu.memory_space<semaphore_mem>>) src(%dma_wait3A_220 : memref<10000x64xf32, #tpu.memory_space<hbm>>) dst(%arg13 : memref<80x64xf32, #tpu.memory_space<vmem>>)
      %add3A_221 = arith.constant 5 : i32
      %add3A_222 = arith.addi %mul3A_120, %add3A_221 : i32
      "tpu.region"() ({
        %run_scoped3A_271 = tpu.sem_alloc : memref<!tpu.dma_semaphore, #tpu.memory_space<semaphore_mem>>
        %dma_start3A_272 = arith.constant 0 : i32
        %dma_start3A_273 = tpu.memref_slice %arg7[%add3A_222, %dma_start3A_272] : memref<125x80xi32, #tpu.memory_space<vmem>> -> memref<1x80xi32, #tpu.memory_space<vmem>>
        %dma_start3A_274 = tpu.memref_squeeze %dma_start3A_273 : memref<1x80xi32, #tpu.memory_space<vmem>> -> memref<80xi32, #tpu.memory_space<vmem>>
        %dma_start3A_275 = arith.constant 0 : i32
        %dma_start3A_276 = arith.constant 0 : i32
        %dma_start3A_277 = tpu.memref_slice %arg17[%dma_start3A_275, %dma_start3A_276] : memref<10000x64xf32, #tpu.memory_space<vmem_shared>> -> memref<10000x64xf32, #tpu.memory_space<vmem_shared>>
        tpu.enqueue_indirect_dma source(%arg13 : memref<80x64xf32, #tpu.memory_space<vmem>>) target(%dma_start3A_277 : memref<10000x64xf32, #tpu.memory_space<vmem_shared>>) offsets(%dma_start3A_274 : memref<80xi32, #tpu.memory_space<vmem>>) semaphore(%run_scoped3A_271 : memref<!tpu.dma_semaphore, #tpu.memory_space<semaphore_mem>>) {add = true}
        %dma_wait3A_278 = arith.constant 0 : i32
        %dma_wait3A_279 = tpu.memref_slice %arg7[%add3A_222, %dma_wait3A_278] : memref<125x80xi32, #tpu.memory_space<vmem>> -> memref<1x80xi32, #tpu.memory_space<vmem>>
        %dma_wait3A_280 = tpu.memref_squeeze %dma_wait3A_279 : memref<1x80xi32, #tpu.memory_space<vmem>> -> memref<80xi32, #tpu.memory_space<vmem>>
        %dma_wait3A_281 = arith.constant 0 : i32
        %dma_wait3A_282 = arith.constant 0 : i32
        %dma_wait3A_283 = tpu.memref_slice %arg17[%dma_wait3A_281, %dma_wait3A_282] : memref<10000x64xf32, #tpu.memory_space<vmem_shared>> -> memref<10000x64xf32, #tpu.memory_space<vmem_shared>>
        tpu.wait_indirect_dma semaphore(%run_scoped3A_271 : memref<!tpu.dma_semaphore, #tpu.memory_space<semaphore_mem>>) src(%arg13 : memref<80x64xf32, #tpu.memory_space<vmem>>) dst(%dma_wait3A_283 : memref<10000x64xf32, #tpu.memory_space<vmem_shared>>)
        tpu.yield
      }) : () -> ()
      %add3A_223 = arith.constant 8 : i32
      %add3A_224 = arith.addi %mul3A_120, %add3A_223 : i32
      %add3A_225 = arith.constant 5 : i32
      %add3A_226 = arith.addi %add3A_224, %add3A_225 : i32
      %lt3A_227 = arith.constant 125 : i32
      %lt3A_228 = arith.cmpi slt, %add3A_226, %lt3A_227 : i32
      %convert_element_type3A_229 = arith.extui %lt3A_228 : i1 to i32
      %cond3A_230 = arith.constant 0 : i32
      %cond3A_231 = arith.cmpi ne, %convert_element_type3A_229, %cond3A_230 : i32
      scf.if %cond3A_231 {
        %add3A_271 = arith.constant 8 : i32
        %add3A_272 = arith.addi %mul3A_120, %add3A_271 : i32
        %add3A_273 = arith.constant 5 : i32
        %add3A_274 = arith.addi %add3A_272, %add3A_273 : i32
        %dma_start3A_275 = arith.constant 0 : i32
        %dma_start3A_276 = tpu.memref_slice %arg6[%add3A_274, %dma_start3A_275] : memref<125x80xi32, #tpu.memory_space<vmem>> -> memref<1x80xi32, #tpu.memory_space<vmem>>
        %dma_start3A_277 = tpu.memref_squeeze %dma_start3A_276 : memref<1x80xi32, #tpu.memory_space<vmem>> -> memref<80xi32, #tpu.memory_space<vmem>>
        %dma_start3A_278 = arith.constant 0 : i32
        %dma_start3A_279 = arith.constant 0 : i32
        %dma_start3A_280 = tpu.memref_slice %arg2[%dma_start3A_278, %dma_start3A_279] : memref<10000x64xf32, #tpu.memory_space<hbm>> -> memref<10000x64xf32, #tpu.memory_space<hbm>>
        tpu.enqueue_indirect_dma source(%dma_start3A_280 : memref<10000x64xf32, #tpu.memory_space<hbm>>) target(%arg13 : memref<80x64xf32, #tpu.memory_space<vmem>>) offsets(%dma_start3A_277 : memref<80xi32, #tpu.memory_space<vmem>>) semaphore(%arg23 : memref<!tpu.dma_semaphore, #tpu.memory_space<semaphore_mem>>)
      } else {
      }
      %add3A_232 = arith.constant 6 : i32
      %add3A_233 = arith.addi %mul3A_120, %add3A_232 : i32
      %dma_wait3A_234 = arith.constant 0 : i32
      %dma_wait3A_235 = tpu.memref_slice %arg6[%add3A_233, %dma_wait3A_234] : memref<125x80xi32, #tpu.memory_space<vmem>> -> memref<1x80xi32, #tpu.memory_space<vmem>>
      %dma_wait3A_236 = tpu.memref_squeeze %dma_wait3A_235 : memref<1x80xi32, #tpu.memory_space<vmem>> -> memref<80xi32, #tpu.memory_space<vmem>>
      %dma_wait3A_237 = arith.constant 0 : i32
      %dma_wait3A_238 = arith.constant 0 : i32
      %dma_wait3A_239 = tpu.memref_slice %arg2[%dma_wait3A_237, %dma_wait3A_238] : memref<10000x64xf32, #tpu.memory_space<hbm>> -> memref<10000x64xf32, #tpu.memory_space<hbm>>
      tpu.wait_indirect_dma semaphore(%arg24 : memref<!tpu.dma_semaphore, #tpu.memory_space<semaphore_mem>>) src(%dma_wait3A_239 : memref<10000x64xf32, #tpu.memory_space<hbm>>) dst(%arg14 : memref<80x64xf32, #tpu.memory_space<vmem>>)
      %add3A_240 = arith.constant 6 : i32
      %add3A_241 = arith.addi %mul3A_120, %add3A_240 : i32
      "tpu.region"() ({
        %run_scoped3A_271 = tpu.sem_alloc : memref<!tpu.dma_semaphore, #tpu.memory_space<semaphore_mem>>
        %dma_start3A_272 = arith.constant 0 : i32
        %dma_start3A_273 = tpu.memref_slice %arg7[%add3A_241, %dma_start3A_272] : memref<125x80xi32, #tpu.memory_space<vmem>> -> memref<1x80xi32, #tpu.memory_space<vmem>>
        %dma_start3A_274 = tpu.memref_squeeze %dma_start3A_273 : memref<1x80xi32, #tpu.memory_space<vmem>> -> memref<80xi32, #tpu.memory_space<vmem>>
        %dma_start3A_275 = arith.constant 0 : i32
        %dma_start3A_276 = arith.constant 0 : i32
        %dma_start3A_277 = tpu.memref_slice %arg17[%dma_start3A_275, %dma_start3A_276] : memref<10000x64xf32, #tpu.memory_space<vmem_shared>> -> memref<10000x64xf32, #tpu.memory_space<vmem_shared>>
        tpu.enqueue_indirect_dma source(%arg14 : memref<80x64xf32, #tpu.memory_space<vmem>>) target(%dma_start3A_277 : memref<10000x64xf32, #tpu.memory_space<vmem_shared>>) offsets(%dma_start3A_274 : memref<80xi32, #tpu.memory_space<vmem>>) semaphore(%run_scoped3A_271 : memref<!tpu.dma_semaphore, #tpu.memory_space<semaphore_mem>>) {add = true}
        %dma_wait3A_278 = arith.constant 0 : i32
        %dma_wait3A_279 = tpu.memref_slice %arg7[%add3A_241, %dma_wait3A_278] : memref<125x80xi32, #tpu.memory_space<vmem>> -> memref<1x80xi32, #tpu.memory_space<vmem>>
        %dma_wait3A_280 = tpu.memref_squeeze %dma_wait3A_279 : memref<1x80xi32, #tpu.memory_space<vmem>> -> memref<80xi32, #tpu.memory_space<vmem>>
        %dma_wait3A_281 = arith.constant 0 : i32
        %dma_wait3A_282 = arith.constant 0 : i32
        %dma_wait3A_283 = tpu.memref_slice %arg17[%dma_wait3A_281, %dma_wait3A_282] : memref<10000x64xf32, #tpu.memory_space<vmem_shared>> -> memref<10000x64xf32, #tpu.memory_space<vmem_shared>>
        tpu.wait_indirect_dma semaphore(%run_scoped3A_271 : memref<!tpu.dma_semaphore, #tpu.memory_space<semaphore_mem>>) src(%arg14 : memref<80x64xf32, #tpu.memory_space<vmem>>) dst(%dma_wait3A_283 : memref<10000x64xf32, #tpu.memory_space<vmem_shared>>)
        tpu.yield
      }) : () -> ()
      %add3A_242 = arith.constant 8 : i32
      %add3A_243 = arith.addi %mul3A_120, %add3A_242 : i32
      %add3A_244 = arith.constant 6 : i32
      %add3A_245 = arith.addi %add3A_243, %add3A_244 : i32
      %lt3A_246 = arith.constant 125 : i32
      %lt3A_247 = arith.cmpi slt, %add3A_245, %lt3A_246 : i32
      %convert_element_type3A_248 = arith.extui %lt3A_247 : i1 to i32
      %cond3A_249 = arith.constant 0 : i32
      %cond3A_250 = arith.cmpi ne, %convert_element_type3A_248, %cond3A_249 : i32
      scf.if %cond3A_250 {
        %add3A_271 = arith.constant 8 : i32
        %add3A_272 = arith.addi %mul3A_120, %add3A_271 : i32
        %add3A_273 = arith.constant 6 : i32
        %add3A_274 = arith.addi %add3A_272, %add3A_273 : i32
        %dma_start3A_275 = arith.constant 0 : i32
        %dma_start3A_276 = tpu.memref_slice %arg6[%add3A_274, %dma_start3A_275] : memref<125x80xi32, #tpu.memory_space<vmem>> -> memref<1x80xi32, #tpu.memory_space<vmem>>
        %dma_start3A_277 = tpu.memref_squeeze %dma_start3A_276 : memref<1x80xi32, #tpu.memory_space<vmem>> -> memref<80xi32, #tpu.memory_space<vmem>>
        %dma_start3A_278 = arith.constant 0 : i32
        %dma_start3A_279 = arith.constant 0 : i32
        %dma_start3A_280 = tpu.memref_slice %arg2[%dma_start3A_278, %dma_start3A_279] : memref<10000x64xf32, #tpu.memory_space<hbm>> -> memref<10000x64xf32, #tpu.memory_space<hbm>>
        tpu.enqueue_indirect_dma source(%dma_start3A_280 : memref<10000x64xf32, #tpu.memory_space<hbm>>) target(%arg14 : memref<80x64xf32, #tpu.memory_space<vmem>>) offsets(%dma_start3A_277 : memref<80xi32, #tpu.memory_space<vmem>>) semaphore(%arg24 : memref<!tpu.dma_semaphore, #tpu.memory_space<semaphore_mem>>)
      } else {
      }
      %add3A_251 = arith.constant 7 : i32
      %add3A_252 = arith.addi %mul3A_120, %add3A_251 : i32
      %dma_wait3A_253 = arith.constant 0 : i32
      %dma_wait3A_254 = tpu.memref_slice %arg6[%add3A_252, %dma_wait3A_253] : memref<125x80xi32, #tpu.memory_space<vmem>> -> memref<1x80xi32, #tpu.memory_space<vmem>>
      %dma_wait3A_255 = tpu.memref_squeeze %dma_wait3A_254 : memref<1x80xi32, #tpu.memory_space<vmem>> -> memref<80xi32, #tpu.memory_space<vmem>>
      %dma_wait3A_256 = arith.constant 0 : i32
      %dma_wait3A_257 = arith.constant 0 : i32
      %dma_wait3A_258 = tpu.memref_slice %arg2[%dma_wait3A_256, %dma_wait3A_257] : memref<10000x64xf32, #tpu.memory_space<hbm>> -> memref<10000x64xf32, #tpu.memory_space<hbm>>
      tpu.wait_indirect_dma semaphore(%arg25 : memref<!tpu.dma_semaphore, #tpu.memory_space<semaphore_mem>>) src(%dma_wait3A_258 : memref<10000x64xf32, #tpu.memory_space<hbm>>) dst(%arg15 : memref<80x64xf32, #tpu.memory_space<vmem>>)
      %add3A_259 = arith.constant 7 : i32
      %add3A_260 = arith.addi %mul3A_120, %add3A_259 : i32
      "tpu.region"() ({
        %run_scoped3A_271 = tpu.sem_alloc : memref<!tpu.dma_semaphore, #tpu.memory_space<semaphore_mem>>
        %dma_start3A_272 = arith.constant 0 : i32
        %dma_start3A_273 = tpu.memref_slice %arg7[%add3A_260, %dma_start3A_272] : memref<125x80xi32, #tpu.memory_space<vmem>> -> memref<1x80xi32, #tpu.memory_space<vmem>>
        %dma_start3A_274 = tpu.memref_squeeze %dma_start3A_273 : memref<1x80xi32, #tpu.memory_space<vmem>> -> memref<80xi32, #tpu.memory_space<vmem>>
        %dma_start3A_275 = arith.constant 0 : i32
        %dma_start3A_276 = arith.constant 0 : i32
        %dma_start3A_277 = tpu.memref_slice %arg17[%dma_start3A_275, %dma_start3A_276] : memref<10000x64xf32, #tpu.memory_space<vmem_shared>> -> memref<10000x64xf32, #tpu.memory_space<vmem_shared>>
        tpu.enqueue_indirect_dma source(%arg15 : memref<80x64xf32, #tpu.memory_space<vmem>>) target(%dma_start3A_277 : memref<10000x64xf32, #tpu.memory_space<vmem_shared>>) offsets(%dma_start3A_274 : memref<80xi32, #tpu.memory_space<vmem>>) semaphore(%run_scoped3A_271 : memref<!tpu.dma_semaphore, #tpu.memory_space<semaphore_mem>>) {add = true}
        %dma_wait3A_278 = arith.constant 0 : i32
        %dma_wait3A_279 = tpu.memref_slice %arg7[%add3A_260, %dma_wait3A_278] : memref<125x80xi32, #tpu.memory_space<vmem>> -> memref<1x80xi32, #tpu.memory_space<vmem>>
        %dma_wait3A_280 = tpu.memref_squeeze %dma_wait3A_279 : memref<1x80xi32, #tpu.memory_space<vmem>> -> memref<80xi32, #tpu.memory_space<vmem>>
        %dma_wait3A_281 = arith.constant 0 : i32
        %dma_wait3A_282 = arith.constant 0 : i32
        %dma_wait3A_283 = tpu.memref_slice %arg17[%dma_wait3A_281, %dma_wait3A_282] : memref<10000x64xf32, #tpu.memory_space<vmem_shared>> -> memref<10000x64xf32, #tpu.memory_space<vmem_shared>>
        tpu.wait_indirect_dma semaphore(%run_scoped3A_271 : memref<!tpu.dma_semaphore, #tpu.memory_space<semaphore_mem>>) src(%arg15 : memref<80x64xf32, #tpu.memory_space<vmem>>) dst(%dma_wait3A_283 : memref<10000x64xf32, #tpu.memory_space<vmem_shared>>)
        tpu.yield
      }) : () -> ()
      %add3A_261 = arith.constant 8 : i32
      %add3A_262 = arith.addi %mul3A_120, %add3A_261 : i32
      %add3A_263 = arith.constant 7 : i32
      %add3A_264 = arith.addi %add3A_262, %add3A_263 : i32
      %lt3A_265 = arith.constant 125 : i32
      %lt3A_266 = arith.cmpi slt, %add3A_264, %lt3A_265 : i32
      %convert_element_type3A_267 = arith.extui %lt3A_266 : i1 to i32
      %cond3A_268 = arith.constant 0 : i32
      %cond3A_269 = arith.cmpi ne, %convert_element_type3A_267, %cond3A_268 : i32
      scf.if %cond3A_269 {
        %add3A_271 = arith.constant 8 : i32
        %add3A_272 = arith.addi %mul3A_120, %add3A_271 : i32
        %add3A_273 = arith.constant 7 : i32
        %add3A_274 = arith.addi %add3A_272, %add3A_273 : i32
        %dma_start3A_275 = arith.constant 0 : i32
        %dma_start3A_276 = tpu.memref_slice %arg6[%add3A_274, %dma_start3A_275] : memref<125x80xi32, #tpu.memory_space<vmem>> -> memref<1x80xi32, #tpu.memory_space<vmem>>
        %dma_start3A_277 = tpu.memref_squeeze %dma_start3A_276 : memref<1x80xi32, #tpu.memory_space<vmem>> -> memref<80xi32, #tpu.memory_space<vmem>>
        %dma_start3A_278 = arith.constant 0 : i32
        %dma_start3A_279 = arith.constant 0 : i32
        %dma_start3A_280 = tpu.memref_slice %arg2[%dma_start3A_278, %dma_start3A_279] : memref<10000x64xf32, #tpu.memory_space<hbm>> -> memref<10000x64xf32, #tpu.memory_space<hbm>>
        tpu.enqueue_indirect_dma source(%dma_start3A_280 : memref<10000x64xf32, #tpu.memory_space<hbm>>) target(%arg15 : memref<80x64xf32, #tpu.memory_space<vmem>>) offsets(%dma_start3A_277 : memref<80xi32, #tpu.memory_space<vmem>>) semaphore(%arg25 : memref<!tpu.dma_semaphore, #tpu.memory_space<semaphore_mem>>)
      } else {
      }
      %scan3A_270 = arith.constant 0 : i32
      scf.yield %scan3A_270 : i32
    }
    %scan3A_75 = arith.constant 15 : i32
    %dma_wait3A = arith.constant 120 : i32
    %dma_wait3A_76 = arith.constant 0 : i32
    %dma_wait3A_77 = tpu.memref_slice %arg6[%dma_wait3A, %dma_wait3A_76] : memref<125x80xi32, #tpu.memory_space<vmem>> -> memref<1x80xi32, #tpu.memory_space<vmem>>
    %dma_wait3A_78 = tpu.memref_squeeze %dma_wait3A_77 : memref<1x80xi32, #tpu.memory_space<vmem>> -> memref<80xi32, #tpu.memory_space<vmem>>
    %dma_wait3A_79 = arith.constant 0 : i32
    %dma_wait3A_80 = arith.constant 0 : i32
    %dma_wait3A_81 = tpu.memref_slice %arg2[%dma_wait3A_79, %dma_wait3A_80] : memref<10000x64xf32, #tpu.memory_space<hbm>> -> memref<10000x64xf32, #tpu.memory_space<hbm>>
    tpu.wait_indirect_dma semaphore(%arg18 : memref<!tpu.dma_semaphore, #tpu.memory_space<semaphore_mem>>) src(%dma_wait3A_81 : memref<10000x64xf32, #tpu.memory_space<hbm>>) dst(%arg8 : memref<80x64xf32, #tpu.memory_space<vmem>>)
    %run_scoped3A = arith.constant 120 : i32
    "tpu.region"() ({
      %run_scoped3A_117 = tpu.sem_alloc : memref<!tpu.dma_semaphore, #tpu.memory_space<semaphore_mem>>
      %dma_start3A_118 = arith.constant 0 : i32
      %dma_start3A_119 = tpu.memref_slice %arg7[%run_scoped3A, %dma_start3A_118] : memref<125x80xi32, #tpu.memory_space<vmem>> -> memref<1x80xi32, #tpu.memory_space<vmem>>
      %dma_start3A_120 = tpu.memref_squeeze %dma_start3A_119 : memref<1x80xi32, #tpu.memory_space<vmem>> -> memref<80xi32, #tpu.memory_space<vmem>>
      %dma_start3A_121 = arith.constant 0 : i32
      %dma_start3A_122 = arith.constant 0 : i32
      %dma_start3A_123 = tpu.memref_slice %arg17[%dma_start3A_121, %dma_start3A_122] : memref<10000x64xf32, #tpu.memory_space<vmem_shared>> -> memref<10000x64xf32, #tpu.memory_space<vmem_shared>>
      tpu.enqueue_indirect_dma source(%arg8 : memref<80x64xf32, #tpu.memory_space<vmem>>) target(%dma_start3A_123 : memref<10000x64xf32, #tpu.memory_space<vmem_shared>>) offsets(%dma_start3A_120 : memref<80xi32, #tpu.memory_space<vmem>>) semaphore(%run_scoped3A_117 : memref<!tpu.dma_semaphore, #tpu.memory_space<semaphore_mem>>) {add = true}
      %dma_wait3A_124 = arith.constant 0 : i32
      %dma_wait3A_125 = tpu.memref_slice %arg7[%run_scoped3A, %dma_wait3A_124] : memref<125x80xi32, #tpu.memory_space<vmem>> -> memref<1x80xi32, #tpu.memory_space<vmem>>
      %dma_wait3A_126 = tpu.memref_squeeze %dma_wait3A_125 : memref<1x80xi32, #tpu.memory_space<vmem>> -> memref<80xi32, #tpu.memory_space<vmem>>
      %dma_wait3A_127 = arith.constant 0 : i32
      %dma_wait3A_128 = arith.constant 0 : i32
      %dma_wait3A_129 = tpu.memref_slice %arg17[%dma_wait3A_127, %dma_wait3A_128] : memref<10000x64xf32, #tpu.memory_space<vmem_shared>> -> memref<10000x64xf32, #tpu.memory_space<vmem_shared>>
      tpu.wait_indirect_dma semaphore(%run_scoped3A_117 : memref<!tpu.dma_semaphore, #tpu.memory_space<semaphore_mem>>) src(%arg8 : memref<80x64xf32, #tpu.memory_space<vmem>>) dst(%dma_wait3A_129 : memref<10000x64xf32, #tpu.memory_space<vmem_shared>>)
      tpu.yield
    }) : () -> ()
    %dma_wait3A_82 = arith.constant 121 : i32
    %dma_wait3A_83 = arith.constant 0 : i32
    %dma_wait3A_84 = tpu.memref_slice %arg6[%dma_wait3A_82, %dma_wait3A_83] : memref<125x80xi32, #tpu.memory_space<vmem>> -> memref<1x80xi32, #tpu.memory_space<vmem>>
    %dma_wait3A_85 = tpu.memref_squeeze %dma_wait3A_84 : memref<1x80xi32, #tpu.memory_space<vmem>> -> memref<80xi32, #tpu.memory_space<vmem>>
    %dma_wait3A_86 = arith.constant 0 : i32
    %dma_wait3A_87 = arith.constant 0 : i32
    %dma_wait3A_88 = tpu.memref_slice %arg2[%dma_wait3A_86, %dma_wait3A_87] : memref<10000x64xf32, #tpu.memory_space<hbm>> -> memref<10000x64xf32, #tpu.memory_space<hbm>>
    tpu.wait_indirect_dma semaphore(%arg19 : memref<!tpu.dma_semaphore, #tpu.memory_space<semaphore_mem>>) src(%dma_wait3A_88 : memref<10000x64xf32, #tpu.memory_space<hbm>>) dst(%arg9 : memref<80x64xf32, #tpu.memory_space<vmem>>)
    %run_scoped3A_89 = arith.constant 121 : i32
    "tpu.region"() ({
      %run_scoped3A_117 = tpu.sem_alloc : memref<!tpu.dma_semaphore, #tpu.memory_space<semaphore_mem>>
      %dma_start3A_118 = arith.constant 0 : i32
      %dma_start3A_119 = tpu.memref_slice %arg7[%run_scoped3A_89, %dma_start3A_118] : memref<125x80xi32, #tpu.memory_space<vmem>> -> memref<1x80xi32, #tpu.memory_space<vmem>>
      %dma_start3A_120 = tpu.memref_squeeze %dma_start3A_119 : memref<1x80xi32, #tpu.memory_space<vmem>> -> memref<80xi32, #tpu.memory_space<vmem>>
      %dma_start3A_121 = arith.constant 0 : i32
      %dma_start3A_122 = arith.constant 0 : i32
      %dma_start3A_123 = tpu.memref_slice %arg17[%dma_start3A_121, %dma_start3A_122] : memref<10000x64xf32, #tpu.memory_space<vmem_shared>> -> memref<10000x64xf32, #tpu.memory_space<vmem_shared>>
      tpu.enqueue_indirect_dma source(%arg9 : memref<80x64xf32, #tpu.memory_space<vmem>>) target(%dma_start3A_123 : memref<10000x64xf32, #tpu.memory_space<vmem_shared>>) offsets(%dma_start3A_120 : memref<80xi32, #tpu.memory_space<vmem>>) semaphore(%run_scoped3A_117 : memref<!tpu.dma_semaphore, #tpu.memory_space<semaphore_mem>>) {add = true}
      %dma_wait3A_124 = arith.constant 0 : i32
      %dma_wait3A_125 = tpu.memref_slice %arg7[%run_scoped3A_89, %dma_wait3A_124] : memref<125x80xi32, #tpu.memory_space<vmem>> -> memref<1x80xi32, #tpu.memory_space<vmem>>
      %dma_wait3A_126 = tpu.memref_squeeze %dma_wait3A_125 : memref<1x80xi32, #tpu.memory_space<vmem>> -> memref<80xi32, #tpu.memory_space<vmem>>
      %dma_wait3A_127 = arith.constant 0 : i32
      %dma_wait3A_128 = arith.constant 0 : i32
      %dma_wait3A_129 = tpu.memref_slice %arg17[%dma_wait3A_127, %dma_wait3A_128] : memref<10000x64xf32, #tpu.memory_space<vmem_shared>> -> memref<10000x64xf32, #tpu.memory_space<vmem_shared>>
      tpu.wait_indirect_dma semaphore(%run_scoped3A_117 : memref<!tpu.dma_semaphore, #tpu.memory_space<semaphore_mem>>) src(%arg9 : memref<80x64xf32, #tpu.memory_space<vmem>>) dst(%dma_wait3A_129 : memref<10000x64xf32, #tpu.memory_space<vmem_shared>>)
      tpu.yield
    }) : () -> ()
    %dma_wait3A_90 = arith.constant 122 : i32
    %dma_wait3A_91 = arith.constant 0 : i32
    %dma_wait3A_92 = tpu.memref_slice %arg6[%dma_wait3A_90, %dma_wait3A_91] : memref<125x80xi32, #tpu.memory_space<vmem>> -> memref<1x80xi32, #tpu.memory_space<vmem>>
    %dma_wait3A_93 = tpu.memref_squeeze %dma_wait3A_92 : memref<1x80xi32, #tpu.memory_space<vmem>> -> memref<80xi32, #tpu.memory_space<vmem>>
    %dma_wait3A_94 = arith.constant 0 : i32
    %dma_wait3A_95 = arith.constant 0 : i32
    %dma_wait3A_96 = tpu.memref_slice %arg2[%dma_wait3A_94, %dma_wait3A_95] : memref<10000x64xf32, #tpu.memory_space<hbm>> -> memref<10000x64xf32, #tpu.memory_space<hbm>>
    tpu.wait_indirect_dma semaphore(%arg20 : memref<!tpu.dma_semaphore, #tpu.memory_space<semaphore_mem>>) src(%dma_wait3A_96 : memref<10000x64xf32, #tpu.memory_space<hbm>>) dst(%arg10 : memref<80x64xf32, #tpu.memory_space<vmem>>)
    %run_scoped3A_97 = arith.constant 122 : i32
    "tpu.region"() ({
      %run_scoped3A_117 = tpu.sem_alloc : memref<!tpu.dma_semaphore, #tpu.memory_space<semaphore_mem>>
      %dma_start3A_118 = arith.constant 0 : i32
      %dma_start3A_119 = tpu.memref_slice %arg7[%run_scoped3A_97, %dma_start3A_118] : memref<125x80xi32, #tpu.memory_space<vmem>> -> memref<1x80xi32, #tpu.memory_space<vmem>>
      %dma_start3A_120 = tpu.memref_squeeze %dma_start3A_119 : memref<1x80xi32, #tpu.memory_space<vmem>> -> memref<80xi32, #tpu.memory_space<vmem>>
      %dma_start3A_121 = arith.constant 0 : i32
      %dma_start3A_122 = arith.constant 0 : i32
      %dma_start3A_123 = tpu.memref_slice %arg17[%dma_start3A_121, %dma_start3A_122] : memref<10000x64xf32, #tpu.memory_space<vmem_shared>> -> memref<10000x64xf32, #tpu.memory_space<vmem_shared>>
      tpu.enqueue_indirect_dma source(%arg10 : memref<80x64xf32, #tpu.memory_space<vmem>>) target(%dma_start3A_123 : memref<10000x64xf32, #tpu.memory_space<vmem_shared>>) offsets(%dma_start3A_120 : memref<80xi32, #tpu.memory_space<vmem>>) semaphore(%run_scoped3A_117 : memref<!tpu.dma_semaphore, #tpu.memory_space<semaphore_mem>>) {add = true}
      %dma_wait3A_124 = arith.constant 0 : i32
      %dma_wait3A_125 = tpu.memref_slice %arg7[%run_scoped3A_97, %dma_wait3A_124] : memref<125x80xi32, #tpu.memory_space<vmem>> -> memref<1x80xi32, #tpu.memory_space<vmem>>
      %dma_wait3A_126 = tpu.memref_squeeze %dma_wait3A_125 : memref<1x80xi32, #tpu.memory_space<vmem>> -> memref<80xi32, #tpu.memory_space<vmem>>
      %dma_wait3A_127 = arith.constant 0 : i32
      %dma_wait3A_128 = arith.constant 0 : i32
      %dma_wait3A_129 = tpu.memref_slice %arg17[%dma_wait3A_127, %dma_wait3A_128] : memref<10000x64xf32, #tpu.memory_space<vmem_shared>> -> memref<10000x64xf32, #tpu.memory_space<vmem_shared>>
      tpu.wait_indirect_dma semaphore(%run_scoped3A_117 : memref<!tpu.dma_semaphore, #tpu.memory_space<semaphore_mem>>) src(%arg10 : memref<80x64xf32, #tpu.memory_space<vmem>>) dst(%dma_wait3A_129 : memref<10000x64xf32, #tpu.memory_space<vmem_shared>>)
      tpu.yield
    }) : () -> ()
    %dma_wait3A_98 = arith.constant 123 : i32
    %dma_wait3A_99 = arith.constant 0 : i32
    %dma_wait3A_100 = tpu.memref_slice %arg6[%dma_wait3A_98, %dma_wait3A_99] : memref<125x80xi32, #tpu.memory_space<vmem>> -> memref<1x80xi32, #tpu.memory_space<vmem>>
    %dma_wait3A_101 = tpu.memref_squeeze %dma_wait3A_100 : memref<1x80xi32, #tpu.memory_space<vmem>> -> memref<80xi32, #tpu.memory_space<vmem>>
    %dma_wait3A_102 = arith.constant 0 : i32
    %dma_wait3A_103 = arith.constant 0 : i32
    %dma_wait3A_104 = tpu.memref_slice %arg2[%dma_wait3A_102, %dma_wait3A_103] : memref<10000x64xf32, #tpu.memory_space<hbm>> -> memref<10000x64xf32, #tpu.memory_space<hbm>>
    tpu.wait_indirect_dma semaphore(%arg21 : memref<!tpu.dma_semaphore, #tpu.memory_space<semaphore_mem>>) src(%dma_wait3A_104 : memref<10000x64xf32, #tpu.memory_space<hbm>>) dst(%arg11 : memref<80x64xf32, #tpu.memory_space<vmem>>)
    %run_scoped3A_105 = arith.constant 123 : i32
    "tpu.region"() ({
      %run_scoped3A_117 = tpu.sem_alloc : memref<!tpu.dma_semaphore, #tpu.memory_space<semaphore_mem>>
      %dma_start3A_118 = arith.constant 0 : i32
      %dma_start3A_119 = tpu.memref_slice %arg7[%run_scoped3A_105, %dma_start3A_118] : memref<125x80xi32, #tpu.memory_space<vmem>> -> memref<1x80xi32, #tpu.memory_space<vmem>>
      %dma_start3A_120 = tpu.memref_squeeze %dma_start3A_119 : memref<1x80xi32, #tpu.memory_space<vmem>> -> memref<80xi32, #tpu.memory_space<vmem>>
      %dma_start3A_121 = arith.constant 0 : i32
      %dma_start3A_122 = arith.constant 0 : i32
      %dma_start3A_123 = tpu.memref_slice %arg17[%dma_start3A_121, %dma_start3A_122] : memref<10000x64xf32, #tpu.memory_space<vmem_shared>> -> memref<10000x64xf32, #tpu.memory_space<vmem_shared>>
      tpu.enqueue_indirect_dma source(%arg11 : memref<80x64xf32, #tpu.memory_space<vmem>>) target(%dma_start3A_123 : memref<10000x64xf32, #tpu.memory_space<vmem_shared>>) offsets(%dma_start3A_120 : memref<80xi32, #tpu.memory_space<vmem>>) semaphore(%run_scoped3A_117 : memref<!tpu.dma_semaphore, #tpu.memory_space<semaphore_mem>>) {add = true}
      %dma_wait3A_124 = arith.constant 0 : i32
      %dma_wait3A_125 = tpu.memref_slice %arg7[%run_scoped3A_105, %dma_wait3A_124] : memref<125x80xi32, #tpu.memory_space<vmem>> -> memref<1x80xi32, #tpu.memory_space<vmem>>
      %dma_wait3A_126 = tpu.memref_squeeze %dma_wait3A_125 : memref<1x80xi32, #tpu.memory_space<vmem>> -> memref<80xi32, #tpu.memory_space<vmem>>
      %dma_wait3A_127 = arith.constant 0 : i32
      %dma_wait3A_128 = arith.constant 0 : i32
      %dma_wait3A_129 = tpu.memref_slice %arg17[%dma_wait3A_127, %dma_wait3A_128] : memref<10000x64xf32, #tpu.memory_space<vmem_shared>> -> memref<10000x64xf32, #tpu.memory_space<vmem_shared>>
      tpu.wait_indirect_dma semaphore(%run_scoped3A_117 : memref<!tpu.dma_semaphore, #tpu.memory_space<semaphore_mem>>) src(%arg11 : memref<80x64xf32, #tpu.memory_space<vmem>>) dst(%dma_wait3A_129 : memref<10000x64xf32, #tpu.memory_space<vmem_shared>>)
      tpu.yield
    }) : () -> ()
    %dma_wait3A_106 = arith.constant 124 : i32
    %dma_wait3A_107 = arith.constant 0 : i32
    %dma_wait3A_108 = tpu.memref_slice %arg6[%dma_wait3A_106, %dma_wait3A_107] : memref<125x80xi32, #tpu.memory_space<vmem>> -> memref<1x80xi32, #tpu.memory_space<vmem>>
    %dma_wait3A_109 = tpu.memref_squeeze %dma_wait3A_108 : memref<1x80xi32, #tpu.memory_space<vmem>> -> memref<80xi32, #tpu.memory_space<vmem>>
    %dma_wait3A_110 = arith.constant 0 : i32
    %dma_wait3A_111 = arith.constant 0 : i32
    %dma_wait3A_112 = tpu.memref_slice %arg2[%dma_wait3A_110, %dma_wait3A_111] : memref<10000x64xf32, #tpu.memory_space<hbm>> -> memref<10000x64xf32, #tpu.memory_space<hbm>>
    tpu.wait_indirect_dma semaphore(%arg22 : memref<!tpu.dma_semaphore, #tpu.memory_space<semaphore_mem>>) src(%dma_wait3A_112 : memref<10000x64xf32, #tpu.memory_space<hbm>>) dst(%arg12 : memref<80x64xf32, #tpu.memory_space<vmem>>)
    %run_scoped3A_113 = arith.constant 124 : i32
    "tpu.region"() ({
      %run_scoped3A_117 = tpu.sem_alloc : memref<!tpu.dma_semaphore, #tpu.memory_space<semaphore_mem>>
      %dma_start3A_118 = arith.constant 0 : i32
      %dma_start3A_119 = tpu.memref_slice %arg7[%run_scoped3A_113, %dma_start3A_118] : memref<125x80xi32, #tpu.memory_space<vmem>> -> memref<1x80xi32, #tpu.memory_space<vmem>>
      %dma_start3A_120 = tpu.memref_squeeze %dma_start3A_119 : memref<1x80xi32, #tpu.memory_space<vmem>> -> memref<80xi32, #tpu.memory_space<vmem>>
      %dma_start3A_121 = arith.constant 0 : i32
      %dma_start3A_122 = arith.constant 0 : i32
      %dma_start3A_123 = tpu.memref_slice %arg17[%dma_start3A_121, %dma_start3A_122] : memref<10000x64xf32, #tpu.memory_space<vmem_shared>> -> memref<10000x64xf32, #tpu.memory_space<vmem_shared>>
      tpu.enqueue_indirect_dma source(%arg12 : memref<80x64xf32, #tpu.memory_space<vmem>>) target(%dma_start3A_123 : memref<10000x64xf32, #tpu.memory_space<vmem_shared>>) offsets(%dma_start3A_120 : memref<80xi32, #tpu.memory_space<vmem>>) semaphore(%run_scoped3A_117 : memref<!tpu.dma_semaphore, #tpu.memory_space<semaphore_mem>>) {add = true}
      %dma_wait3A_124 = arith.constant 0 : i32
      %dma_wait3A_125 = tpu.memref_slice %arg7[%run_scoped3A_113, %dma_wait3A_124] : memref<125x80xi32, #tpu.memory_space<vmem>> -> memref<1x80xi32, #tpu.memory_space<vmem>>
      %dma_wait3A_126 = tpu.memref_squeeze %dma_wait3A_125 : memref<1x80xi32, #tpu.memory_space<vmem>> -> memref<80xi32, #tpu.memory_space<vmem>>
      %dma_wait3A_127 = arith.constant 0 : i32
      %dma_wait3A_128 = arith.constant 0 : i32
      %dma_wait3A_129 = tpu.memref_slice %arg17[%dma_wait3A_127, %dma_wait3A_128] : memref<10000x64xf32, #tpu.memory_space<vmem_shared>> -> memref<10000x64xf32, #tpu.memory_space<vmem_shared>>
      tpu.wait_indirect_dma semaphore(%run_scoped3A_117 : memref<!tpu.dma_semaphore, #tpu.memory_space<semaphore_mem>>) src(%arg12 : memref<80x64xf32, #tpu.memory_space<vmem>>) dst(%dma_wait3A_129 : memref<10000x64xf32, #tpu.memory_space<vmem_shared>>)
      tpu.yield
    }) : () -> ()
    %barrier3A_114 = arith.constant 0 : index
    tpu.barrier barrier_id(%barrier3A_114)
    %mul3A_115 = arith.constant 625 : i32
    %mul3A_116 = arith.muli %arg1, %mul3A_115 : i32
    "tpu.region"() ({
      %run_scoped3A_117 = tpu.sem_alloc : memref<!tpu.dma_semaphore, #tpu.memory_space<semaphore_mem>>
      %dma_start3A_118 = arith.constant 0 : i32
      %dma_start3A_119 = arith.constant 0 : i32
      %dma_start3A_120 = tpu.memref_slice %arg5[%arg0, %arg1, %dma_start3A_118, %dma_start3A_119] : memref<2x16x625x64xf32, #tpu.memory_space<hbm>> -> memref<1x1x625x64xf32, #tpu.memory_space<hbm>>
      %dma_start3A_121 = tpu.memref_squeeze %dma_start3A_120 : memref<1x1x625x64xf32, #tpu.memory_space<hbm>> -> memref<625x64xf32, #tpu.memory_space<hbm>>
      %dma_start3A_122 = arith.constant 0 : i32
      %dma_start3A_123 = tpu.memref_slice %arg17[%mul3A_116, %dma_start3A_122] : memref<10000x64xf32, #tpu.memory_space<vmem_shared>> -> memref<625x64xf32, #tpu.memory_space<vmem_shared>>
      tpu.enqueue_dma source(%dma_start3A_123 : memref<625x64xf32, #tpu.memory_space<vmem_shared>>) target(%dma_start3A_121 : memref<625x64xf32, #tpu.memory_space<hbm>>) target_semaphore(%run_scoped3A_117 : memref<!tpu.dma_semaphore, #tpu.memory_space<semaphore_mem>>)
      %dma_wait3A_124 = arith.constant 0 : i32
      %dma_wait3A_125 = arith.constant 0 : i32
      %dma_wait3A_126 = tpu.memref_slice %arg5[%arg0, %arg1, %dma_wait3A_124, %dma_wait3A_125] : memref<2x16x625x64xf32, #tpu.memory_space<hbm>> -> memref<1x1x625x64xf32, #tpu.memory_space<hbm>>
      %dma_wait3A_127 = tpu.memref_squeeze %dma_wait3A_126 : memref<1x1x625x64xf32, #tpu.memory_space<hbm>> -> memref<625x64xf32, #tpu.memory_space<hbm>>
      %dma_wait3A_128 = arith.constant 0 : i32
      %dma_wait3A_129 = tpu.memref_slice %arg17[%mul3A_116, %dma_wait3A_128] : memref<10000x64xf32, #tpu.memory_space<vmem_shared>> -> memref<625x64xf32, #tpu.memory_space<vmem_shared>>
      tpu.wait_dma2 semaphore(%run_scoped3A_117 : memref<!tpu.dma_semaphore, #tpu.memory_space<semaphore_mem>>) src(%dma_wait3A_129 : memref<625x64xf32, #tpu.memory_space<vmem_shared>>) dst(%dma_wait3A_127 : memref<625x64xf32, #tpu.memory_space<hbm>>)
      tpu.yield
    }) : () -> ()
    return
  }
}

#map = affine_map<(d0, d1) -> (0, 0)>
#map1 = affine_map<(d0, d1) -> (0, 0, 0)>
#map2 = affine_map<(d0, d1) -> (0, 0, 0, 0)>
module attributes {stable_mosaic.version = 14 : i64} {
  func.func @_edge_body(%arg0: i32, %arg1: i32, %arg2: memref<10000x64xf32, #tpu.memory_space<hbm>>, %arg3: memref<32x125x80xi32, #tpu.memory_space<hbm>>, %arg4: memref<32x125x80xi32, #tpu.memory_space<hbm>>, %arg5: memref<2x16x625x64xf32, #tpu.memory_space<hbm>>, %arg6: memref<125x80xi32, #tpu.memory_space<vmem>>, %arg7: memref<125x80xi32, #tpu.memory_space<vmem>>, %arg8: memref<80x64xf32, #tpu.memory_space<vmem>>, %arg9: memref<80x64xf32, #tpu.memory_space<vmem>>, %arg10: memref<80x64xf32, #tpu.memory_space<vmem>>, %arg11: memref<80x64xf32, #tpu.memory_space<vmem>>, %arg12: memref<80x64xf32, #tpu.memory_space<vmem>>, %arg13: memref<80x64xf32, #tpu.memory_space<vmem>>, %arg14: memref<80x64xf32, #tpu.memory_space<vmem>>, %arg15: memref<80x64xf32, #tpu.memory_space<vmem>>, %arg16: memref<125x64xf32, #tpu.memory_space<vmem>>, %arg17: memref<10000x64xf32, #tpu.memory_space<vmem_shared>>, %arg18: memref<!tpu.dma_semaphore, #tpu.memory_space<semaphore_mem>>, %arg19: memref<!tpu.dma_semaphore, #tpu.memory_space<semaphore_mem>>, %arg20: memref<!tpu.dma_semaphore, #tpu.memory_space<semaphore_mem>>, %arg21: memref<!tpu.dma_semaphore, #tpu.memory_space<semaphore_mem>>, %arg22: memref<!tpu.dma_semaphore, #tpu.memory_space<semaphore_mem>>, %arg23: memref<!tpu.dma_semaphore, #tpu.memory_space<semaphore_mem>>, %arg24: memref<!tpu.dma_semaphore, #tpu.memory_space<semaphore_mem>>, %arg25: memref<!tpu.dma_semaphore, #tpu.memory_space<semaphore_mem>>, %arg26: memref<!tpu.dma_semaphore, #tpu.memory_space<semaphore_mem>>, %arg27: memref<!tpu.dma_semaphore, #tpu.memory_space<semaphore_mem>>, %arg28: memref<!tpu.dma_semaphore, #tpu.memory_space<semaphore_mem>>, %arg29: memref<!tpu.dma_semaphore, #tpu.memory_space<semaphore_mem>>, %arg30: memref<!tpu.dma_semaphore, #tpu.memory_space<semaphore_mem>>, %arg31: memref<!tpu.dma_semaphore, #tpu.memory_space<semaphore_mem>>, %arg32: memref<!tpu.dma_semaphore, #tpu.memory_space<semaphore_mem>>, %arg33: memref<!tpu.dma_semaphore, #tpu.memory_space<semaphore_mem>>) attributes {dimension_semantics = [#tpu.dimension_semantics<core_parallel>, #tpu.dimension_semantics<subcore_parallel>], iteration_bounds = array<i64: 2, 16>, scalar_prefetch = 0 : i64, scratch_operands = 28 : i64, tpu.core_type = #tpu.core_type<sc_vector_subcore>, window_params = [{transform_indices = #map}, {transform_indices = #map1}, {transform_indices = #map1}, {transform_indices = #map2}]} {
    %mul3A = arith.constant 16 : i32
    %mul3A_0 = arith.muli %arg0, %mul3A : i32
    %add3A = arith.addi %mul3A_0, %arg1 : i32
    "tpu.region"() ({
      %run_scoped3A_117 = tpu.sem_alloc : memref<!tpu.dma_semaphore, #tpu.memory_space<semaphore_mem>>
      %dma_start3A_118 = arith.constant 0 : i32
      %dma_start3A_119 = arith.constant 0 : i32
      %dma_start3A_120 = tpu.memref_slice %arg3[%add3A, %dma_start3A_118, %dma_start3A_119] : memref<32x125x80xi32, #tpu.memory_space<hbm>> -> memref<1x125x80xi32, #tpu.memory_space<hbm>>
      %dma_start3A_121 = tpu.memref_squeeze %dma_start3A_120 : memref<1x125x80xi32, #tpu.memory_space<hbm>> -> memref<125x80xi32, #tpu.memory_space<hbm>>
      %dma_start3A_122 = arith.constant 0 : i32
      %dma_start3A_123 = arith.constant 0 : i32
      %dma_start3A_124 = tpu.memref_slice %arg3[%add3A, %dma_start3A_122, %dma_start3A_123] : memref<32x125x80xi32, #tpu.memory_space<hbm>> -> memref<1x125x80xi32, #tpu.memory_space<hbm>>
      %dma_start3A_125 = tpu.memref_squeeze %dma_start3A_124 : memref<1x125x80xi32, #tpu.memory_space<hbm>> -> memref<125x80xi32, #tpu.memory_space<hbm>>
      tpu.enqueue_dma source(%dma_start3A_125 : memref<125x80xi32, #tpu.memory_space<hbm>>) target(%arg6 : memref<125x80xi32, #tpu.memory_space<vmem>>) target_semaphore(%run_scoped3A_117 : memref<!tpu.dma_semaphore, #tpu.memory_space<semaphore_mem>>)
      %dma_wait3A_126 = arith.constant 0 : i32
      %dma_wait3A_127 = arith.constant 0 : i32
      %dma_wait3A_128 = tpu.memref_slice %arg3[%add3A, %dma_wait3A_126, %dma_wait3A_127] : memref<32x125x80xi32, #tpu.memory_space<hbm>> -> memref<1x125x80xi32, #tpu.memory_space<hbm>>
      %dma_wait3A_129 = tpu.memref_squeeze %dma_wait3A_128 : memref<1x125x80xi32, #tpu.memory_space<hbm>> -> memref<125x80xi32, #tpu.memory_space<hbm>>
      %dma_wait3A_130 = arith.constant 0 : i32
      %dma_wait3A_131 = arith.constant 0 : i32
      %dma_wait3A_132 = tpu.memref_slice %arg3[%add3A, %dma_wait3A_130, %dma_wait3A_131] : memref<32x125x80xi32, #tpu.memory_space<hbm>> -> memref<1x125x80xi32, #tpu.memory_space<hbm>>
      %dma_wait3A_133 = tpu.memref_squeeze %dma_wait3A_132 : memref<1x125x80xi32, #tpu.memory_space<hbm>> -> memref<125x80xi32, #tpu.memory_space<hbm>>
      tpu.wait_dma2 semaphore(%run_scoped3A_117 : memref<!tpu.dma_semaphore, #tpu.memory_space<semaphore_mem>>) src(%dma_wait3A_133 : memref<125x80xi32, #tpu.memory_space<hbm>>) dst(%arg6 : memref<125x80xi32, #tpu.memory_space<vmem>>)
      tpu.yield
    }) : () -> ()
    "tpu.region"() ({
      %run_scoped3A_117 = tpu.sem_alloc : memref<!tpu.dma_semaphore, #tpu.memory_space<semaphore_mem>>
      %dma_start3A_118 = arith.constant 0 : i32
      %dma_start3A_119 = arith.constant 0 : i32
      %dma_start3A_120 = tpu.memref_slice %arg4[%add3A, %dma_start3A_118, %dma_start3A_119] : memref<32x125x80xi32, #tpu.memory_space<hbm>> -> memref<1x125x80xi32, #tpu.memory_space<hbm>>
      %dma_start3A_121 = tpu.memref_squeeze %dma_start3A_120 : memref<1x125x80xi32, #tpu.memory_space<hbm>> -> memref<125x80xi32, #tpu.memory_space<hbm>>
      %dma_start3A_122 = arith.constant 0 : i32
      %dma_start3A_123 = arith.constant 0 : i32
      %dma_start3A_124 = tpu.memref_slice %arg4[%add3A, %dma_start3A_122, %dma_start3A_123] : memref<32x125x80xi32, #tpu.memory_space<hbm>> -> memref<1x125x80xi32, #tpu.memory_space<hbm>>
      %dma_start3A_125 = tpu.memref_squeeze %dma_start3A_124 : memref<1x125x80xi32, #tpu.memory_space<hbm>> -> memref<125x80xi32, #tpu.memory_space<hbm>>
      tpu.enqueue_dma source(%dma_start3A_125 : memref<125x80xi32, #tpu.memory_space<hbm>>) target(%arg7 : memref<125x80xi32, #tpu.memory_space<vmem>>) target_semaphore(%run_scoped3A_117 : memref<!tpu.dma_semaphore, #tpu.memory_space<semaphore_mem>>)
      %dma_wait3A_126 = arith.constant 0 : i32
      %dma_wait3A_127 = arith.constant 0 : i32
      %dma_wait3A_128 = tpu.memref_slice %arg4[%add3A, %dma_wait3A_126, %dma_wait3A_127] : memref<32x125x80xi32, #tpu.memory_space<hbm>> -> memref<1x125x80xi32, #tpu.memory_space<hbm>>
      %dma_wait3A_129 = tpu.memref_squeeze %dma_wait3A_128 : memref<1x125x80xi32, #tpu.memory_space<hbm>> -> memref<125x80xi32, #tpu.memory_space<hbm>>
      %dma_wait3A_130 = arith.constant 0 : i32
      %dma_wait3A_131 = arith.constant 0 : i32
      %dma_wait3A_132 = tpu.memref_slice %arg4[%add3A, %dma_wait3A_130, %dma_wait3A_131] : memref<32x125x80xi32, #tpu.memory_space<hbm>> -> memref<1x125x80xi32, #tpu.memory_space<hbm>>
      %dma_wait3A_133 = tpu.memref_squeeze %dma_wait3A_132 : memref<1x125x80xi32, #tpu.memory_space<hbm>> -> memref<125x80xi32, #tpu.memory_space<hbm>>
      tpu.wait_dma2 semaphore(%run_scoped3A_117 : memref<!tpu.dma_semaphore, #tpu.memory_space<semaphore_mem>>) src(%dma_wait3A_133 : memref<125x80xi32, #tpu.memory_space<hbm>>) dst(%arg7 : memref<125x80xi32, #tpu.memory_space<vmem>>)
      tpu.yield
    }) : () -> ()
    %scan3A = arith.constant 0 : i32
    %scan3A_1 = arith.constant 0 : i32
    %scan3A_2 = arith.constant 500 : i32
    %scan3A_3 = arith.addi %scan3A_1, %scan3A_2 : i32
    %scan3A_4 = arith.constant 1 : i32
    %scan3A_5 = scf.for %scan3A_117 = %scan3A_1 to %scan3A_3 step %scan3A_4 iter_args(%scan3A_118 = %scan3A) -> (i32)  : i32 {
      %broadcast_in_dim3A = arith.constant 0.000000e+00 : f32
      %broadcast_in_dim3A_119 = vector.broadcast %broadcast_in_dim3A : f32 to vector<16xf32>
      %jit3A = arith.constant 4 : i32
      %div3A = arith.divsi %scan3A_117, %jit3A : i32
      %sign3A = arith.constant 0 : i32
      %sign3A_120 = arith.cmpi sgt, %scan3A_117, %sign3A : i32
      %sign3A_121 = arith.extui %sign3A_120 : i1 to i32
      %sign3A_122 = arith.constant 0 : i32
      %sign3A_123 = arith.cmpi slt, %scan3A_117, %sign3A_122 : i32
      %sign3A_124 = arith.extui %sign3A_123 : i1 to i32
      %sign3A_125 = arith.subi %sign3A_121, %sign3A_124 : i32
      %sign3A_126 = arith.constant 0 : i32
      %sign3A_127 = arith.cmpi sgt, %jit3A, %sign3A_126 : i32
      %sign3A_128 = arith.extui %sign3A_127 : i1 to i32
      %sign3A_129 = arith.constant 0 : i32
      %sign3A_130 = arith.cmpi slt, %jit3A, %sign3A_129 : i32
      %sign3A_131 = arith.extui %sign3A_130 : i1 to i32
      %sign3A_132 = arith.subi %sign3A_128, %sign3A_131 : i32
      %ne3A = arith.cmpi ne, %sign3A_125, %sign3A_132 : i32
      %rem3A = arith.remsi %scan3A_117, %jit3A : i32
      %ne3A_133 = arith.constant 0 : i32
      %ne3A_134 = arith.cmpi ne, %rem3A, %ne3A_133 : i32
      %and3A = arith.andi %ne3A, %ne3A_134 : i1
      %sub3A = arith.constant 1 : i32
      %sub3A_135 = arith.subi %div3A, %sub3A : i32
      %select_n3A = arith.select %and3A, %sub3A_135, %div3A : i32
      %jit3A_136 = arith.constant 4 : i32
      %eq3A = arith.constant 0 : i32
      %eq3A_137 = arith.cmpi eq, %jit3A_136, %eq3A : i32
      %jit3A_138 = arith.constant 1 : i32
      %select_n3A_139 = arith.select %eq3A_137, %jit3A_138, %jit3A_136 : i32
      %rem3A_140 = arith.remsi %scan3A_117, %select_n3A_139 : i32
      %ne3A_141 = arith.constant 0 : i32
      %ne3A_142 = arith.cmpi ne, %rem3A_140, %ne3A_141 : i32
      %lt3A = arith.constant 0 : i32
      %lt3A_143 = arith.cmpi slt, %rem3A_140, %lt3A : i32
      %lt3A_144 = arith.constant 0 : i32
      %lt3A_145 = arith.cmpi slt, %select_n3A_139, %lt3A_144 : i32
      %ne3A_146 = arith.xori %lt3A_143, %lt3A_145 : i1
      %and3A_147 = arith.andi %ne3A_146, %ne3A_142 : i1
      %add3A_148 = arith.addi %rem3A_140, %select_n3A_139 : i32
      %select_n3A_149 = arith.select %and3A_147, %add3A_148, %rem3A_140 : i32
      %mul3A_150 = arith.constant 16 : i32
      %mul3A_151 = arith.muli %select_n3A_149, %mul3A_150 : i32
      %swap3A = arith.index_cast %select_n3A : i32 to index
      %swap3A_152 = arith.index_cast %mul3A_151 : i32 to index
      %swap3A_153 = tpu.vector_load %arg16[%swap3A, %swap3A_152] {strides = array<i32>} : memref<125x64xf32, #tpu.memory_space<vmem>>, vector<1x16xf32>,
      %swap3A_154 = vector.shape_cast %swap3A_153 : vector<1x16xf32> to vector<16xf32>
      %swap3A_155 = vector.shape_cast %broadcast_in_dim3A_119 : vector<16xf32> to vector<1x16xf32>
      tpu.vector_store %arg16[%swap3A, %swap3A_152], %swap3A_155 {strides = array<i32>} : memref<125x64xf32, #tpu.memory_space<vmem>>, vector<1x16xf32>,
      %scan3A_156 = arith.constant 0 : i32
      scf.yield %scan3A_156 : i32
    }
    %scan3A_6 = arith.constant 500 : i32
    %scan3A_7 = arith.constant 0 : i32
    %scan3A_8 = arith.constant 0 : i32
    %scan3A_9 = arith.constant 5 : i32
    %scan3A_10 = arith.addi %scan3A_8, %scan3A_9 : i32
    %scan3A_11 = arith.constant 1 : i32
    %scan3A_12 = scf.for %scan3A_117 = %scan3A_8 to %scan3A_10 step %scan3A_11 iter_args(%scan3A_118 = %scan3A_7) -> (i32)  : i32 {
      %mul3A_119 = arith.constant 625 : i32
      %mul3A_120 = arith.muli %arg1, %mul3A_119 : i32
      %mul3A_121 = arith.constant 125 : i32
      %mul3A_122 = arith.muli %scan3A_117, %mul3A_121 : i32
      %add3A_123 = arith.addi %mul3A_120, %mul3A_122 : i32
      "tpu.region"() ({
        %run_scoped3A_125 = tpu.sem_alloc : memref<!tpu.dma_semaphore, #tpu.memory_space<semaphore_mem>>
        %dma_start3A_126 = arith.constant 0 : i32
        %dma_start3A_127 = tpu.memref_slice %arg17[%add3A_123, %dma_start3A_126] : memref<10000x64xf32, #tpu.memory_space<vmem_shared>> -> memref<125x64xf32, #tpu.memory_space<vmem_shared>>
        %dma_start3A_128 = arith.constant 0 : i32
        %dma_start3A_129 = tpu.memref_slice %arg17[%add3A_123, %dma_start3A_128] : memref<10000x64xf32, #tpu.memory_space<vmem_shared>> -> memref<125x64xf32, #tpu.memory_space<vmem_shared>>
        tpu.enqueue_dma source(%arg16 : memref<125x64xf32, #tpu.memory_space<vmem>>) target(%dma_start3A_129 : memref<125x64xf32, #tpu.memory_space<vmem_shared>>) target_semaphore(%run_scoped3A_125 : memref<!tpu.dma_semaphore, #tpu.memory_space<semaphore_mem>>)
        %dma_wait3A_130 = arith.constant 0 : i32
        %dma_wait3A_131 = tpu.memref_slice %arg17[%add3A_123, %dma_wait3A_130] : memref<10000x64xf32, #tpu.memory_space<vmem_shared>> -> memref<125x64xf32, #tpu.memory_space<vmem_shared>>
        %dma_wait3A_132 = arith.constant 0 : i32
        %dma_wait3A_133 = tpu.memref_slice %arg17[%add3A_123, %dma_wait3A_132] : memref<10000x64xf32, #tpu.memory_space<vmem_shared>> -> memref<125x64xf32, #tpu.memory_space<vmem_shared>>
        tpu.wait_dma2 semaphore(%run_scoped3A_125 : memref<!tpu.dma_semaphore, #tpu.memory_space<semaphore_mem>>) src(%arg16 : memref<125x64xf32, #tpu.memory_space<vmem>>) dst(%dma_wait3A_133 : memref<125x64xf32, #tpu.memory_space<vmem_shared>>)
        tpu.yield
      }) : () -> ()
      %scan3A_124 = arith.constant 0 : i32
      scf.yield %scan3A_124 : i32
    }
    %scan3A_13 = arith.constant 5 : i32
    %barrier3A = arith.constant 0 : index
    tpu.barrier barrier_id(%barrier3A)
    %dma_start3A = arith.constant 0 : i32
    %dma_start3A_14 = arith.constant 0 : i32
    %dma_start3A_15 = tpu.memref_slice %arg6[%dma_start3A, %dma_start3A_14] : memref<125x80xi32, #tpu.memory_space<vmem>> -> memref<1x80xi32, #tpu.memory_space<vmem>>
    %dma_start3A_16 = tpu.memref_squeeze %dma_start3A_15 : memref<1x80xi32, #tpu.memory_space<vmem>> -> memref<80xi32, #tpu.memory_space<vmem>>
    %dma_start3A_17 = arith.constant 0 : i32
    %dma_start3A_18 = arith.constant 0 : i32
    %dma_start3A_19 = tpu.memref_slice %arg2[%dma_start3A_17, %dma_start3A_18] : memref<10000x64xf32, #tpu.memory_space<hbm>> -> memref<10000x64xf32, #tpu.memory_space<hbm>>
    tpu.enqueue_indirect_dma source(%dma_start3A_19 : memref<10000x64xf32, #tpu.memory_space<hbm>>) target(%arg8 : memref<80x64xf32, #tpu.memory_space<vmem>>) offsets(%dma_start3A_16 : memref<80xi32, #tpu.memory_space<vmem>>) semaphore(%arg18 : memref<!tpu.dma_semaphore, #tpu.memory_space<semaphore_mem>>)
    %dma_start3A_20 = arith.constant 1 : i32
    %dma_start3A_21 = arith.constant 0 : i32
    %dma_start3A_22 = tpu.memref_slice %arg6[%dma_start3A_20, %dma_start3A_21] : memref<125x80xi32, #tpu.memory_space<vmem>> -> memref<1x80xi32, #tpu.memory_space<vmem>>
    %dma_start3A_23 = tpu.memref_squeeze %dma_start3A_22 : memref<1x80xi32, #tpu.memory_space<vmem>> -> memref<80xi32, #tpu.memory_space<vmem>>
    %dma_start3A_24 = arith.constant 0 : i32
    %dma_start3A_25 = arith.constant 0 : i32
    %dma_start3A_26 = tpu.memref_slice %arg2[%dma_start3A_24, %dma_start3A_25] : memref<10000x64xf32, #tpu.memory_space<hbm>> -> memref<10000x64xf32, #tpu.memory_space<hbm>>
    tpu.enqueue_indirect_dma source(%dma_start3A_26 : memref<10000x64xf32, #tpu.memory_space<hbm>>) target(%arg9 : memref<80x64xf32, #tpu.memory_space<vmem>>) offsets(%dma_start3A_23 : memref<80xi32, #tpu.memory_space<vmem>>) semaphore(%arg19 : memref<!tpu.dma_semaphore, #tpu.memory_space<semaphore_mem>>)
    %dma_start3A_27 = arith.constant 2 : i32
    %dma_start3A_28 = arith.constant 0 : i32
    %dma_start3A_29 = tpu.memref_slice %arg6[%dma_start3A_27, %dma_start3A_28] : memref<125x80xi32, #tpu.memory_space<vmem>> -> memref<1x80xi32, #tpu.memory_space<vmem>>
    %dma_start3A_30 = tpu.memref_squeeze %dma_start3A_29 : memref<1x80xi32, #tpu.memory_space<vmem>> -> memref<80xi32, #tpu.memory_space<vmem>>
    %dma_start3A_31 = arith.constant 0 : i32
    %dma_start3A_32 = arith.constant 0 : i32
    %dma_start3A_33 = tpu.memref_slice %arg2[%dma_start3A_31, %dma_start3A_32] : memref<10000x64xf32, #tpu.memory_space<hbm>> -> memref<10000x64xf32, #tpu.memory_space<hbm>>
    tpu.enqueue_indirect_dma source(%dma_start3A_33 : memref<10000x64xf32, #tpu.memory_space<hbm>>) target(%arg10 : memref<80x64xf32, #tpu.memory_space<vmem>>) offsets(%dma_start3A_30 : memref<80xi32, #tpu.memory_space<vmem>>) semaphore(%arg20 : memref<!tpu.dma_semaphore, #tpu.memory_space<semaphore_mem>>)
    %dma_start3A_34 = arith.constant 3 : i32
    %dma_start3A_35 = arith.constant 0 : i32
    %dma_start3A_36 = tpu.memref_slice %arg6[%dma_start3A_34, %dma_start3A_35] : memref<125x80xi32, #tpu.memory_space<vmem>> -> memref<1x80xi32, #tpu.memory_space<vmem>>
    %dma_start3A_37 = tpu.memref_squeeze %dma_start3A_36 : memref<1x80xi32, #tpu.memory_space<vmem>> -> memref<80xi32, #tpu.memory_space<vmem>>
    %dma_start3A_38 = arith.constant 0 : i32
    %dma_start3A_39 = arith.constant 0 : i32
    %dma_start3A_40 = tpu.memref_slice %arg2[%dma_start3A_38, %dma_start3A_39] : memref<10000x64xf32, #tpu.memory_space<hbm>> -> memref<10000x64xf32, #tpu.memory_space<hbm>>
    tpu.enqueue_indirect_dma source(%dma_start3A_40 : memref<10000x64xf32, #tpu.memory_space<hbm>>) target(%arg11 : memref<80x64xf32, #tpu.memory_space<vmem>>) offsets(%dma_start3A_37 : memref<80xi32, #tpu.memory_space<vmem>>) semaphore(%arg21 : memref<!tpu.dma_semaphore, #tpu.memory_space<semaphore_mem>>)
    %dma_start3A_41 = arith.constant 4 : i32
    %dma_start3A_42 = arith.constant 0 : i32
    %dma_start3A_43 = tpu.memref_slice %arg6[%dma_start3A_41, %dma_start3A_42] : memref<125x80xi32, #tpu.memory_space<vmem>> -> memref<1x80xi32, #tpu.memory_space<vmem>>
    %dma_start3A_44 = tpu.memref_squeeze %dma_start3A_43 : memref<1x80xi32, #tpu.memory_space<vmem>> -> memref<80xi32, #tpu.memory_space<vmem>>
    %dma_start3A_45 = arith.constant 0 : i32
    %dma_start3A_46 = arith.constant 0 : i32
    %dma_start3A_47 = tpu.memref_slice %arg2[%dma_start3A_45, %dma_start3A_46] : memref<10000x64xf32, #tpu.memory_space<hbm>> -> memref<10000x64xf32, #tpu.memory_space<hbm>>
    tpu.enqueue_indirect_dma source(%dma_start3A_47 : memref<10000x64xf32, #tpu.memory_space<hbm>>) target(%arg12 : memref<80x64xf32, #tpu.memory_space<vmem>>) offsets(%dma_start3A_44 : memref<80xi32, #tpu.memory_space<vmem>>) semaphore(%arg22 : memref<!tpu.dma_semaphore, #tpu.memory_space<semaphore_mem>>)
    %dma_start3A_48 = arith.constant 5 : i32
    %dma_start3A_49 = arith.constant 0 : i32
    %dma_start3A_50 = tpu.memref_slice %arg6[%dma_start3A_48, %dma_start3A_49] : memref<125x80xi32, #tpu.memory_space<vmem>> -> memref<1x80xi32, #tpu.memory_space<vmem>>
    %dma_start3A_51 = tpu.memref_squeeze %dma_start3A_50 : memref<1x80xi32, #tpu.memory_space<vmem>> -> memref<80xi32, #tpu.memory_space<vmem>>
    %dma_start3A_52 = arith.constant 0 : i32
    %dma_start3A_53 = arith.constant 0 : i32
    %dma_start3A_54 = tpu.memref_slice %arg2[%dma_start3A_52, %dma_start3A_53] : memref<10000x64xf32, #tpu.memory_space<hbm>> -> memref<10000x64xf32, #tpu.memory_space<hbm>>
    tpu.enqueue_indirect_dma source(%dma_start3A_54 : memref<10000x64xf32, #tpu.memory_space<hbm>>) target(%arg13 : memref<80x64xf32, #tpu.memory_space<vmem>>) offsets(%dma_start3A_51 : memref<80xi32, #tpu.memory_space<vmem>>) semaphore(%arg23 : memref<!tpu.dma_semaphore, #tpu.memory_space<semaphore_mem>>)
    %dma_start3A_55 = arith.constant 6 : i32
    %dma_start3A_56 = arith.constant 0 : i32
    %dma_start3A_57 = tpu.memref_slice %arg6[%dma_start3A_55, %dma_start3A_56] : memref<125x80xi32, #tpu.memory_space<vmem>> -> memref<1x80xi32, #tpu.memory_space<vmem>>
    %dma_start3A_58 = tpu.memref_squeeze %dma_start3A_57 : memref<1x80xi32, #tpu.memory_space<vmem>> -> memref<80xi32, #tpu.memory_space<vmem>>
    %dma_start3A_59 = arith.constant 0 : i32
    %dma_start3A_60 = arith.constant 0 : i32
    %dma_start3A_61 = tpu.memref_slice %arg2[%dma_start3A_59, %dma_start3A_60] : memref<10000x64xf32, #tpu.memory_space<hbm>> -> memref<10000x64xf32, #tpu.memory_space<hbm>>
    tpu.enqueue_indirect_dma source(%dma_start3A_61 : memref<10000x64xf32, #tpu.memory_space<hbm>>) target(%arg14 : memref<80x64xf32, #tpu.memory_space<vmem>>) offsets(%dma_start3A_58 : memref<80xi32, #tpu.memory_space<vmem>>) semaphore(%arg24 : memref<!tpu.dma_semaphore, #tpu.memory_space<semaphore_mem>>)
    %dma_start3A_62 = arith.constant 7 : i32
    %dma_start3A_63 = arith.constant 0 : i32
    %dma_start3A_64 = tpu.memref_slice %arg6[%dma_start3A_62, %dma_start3A_63] : memref<125x80xi32, #tpu.memory_space<vmem>> -> memref<1x80xi32, #tpu.memory_space<vmem>>
    %dma_start3A_65 = tpu.memref_squeeze %dma_start3A_64 : memref<1x80xi32, #tpu.memory_space<vmem>> -> memref<80xi32, #tpu.memory_space<vmem>>
    %dma_start3A_66 = arith.constant 0 : i32
    %dma_start3A_67 = arith.constant 0 : i32
    %dma_start3A_68 = tpu.memref_slice %arg2[%dma_start3A_66, %dma_start3A_67] : memref<10000x64xf32, #tpu.memory_space<hbm>> -> memref<10000x64xf32, #tpu.memory_space<hbm>>
    tpu.enqueue_indirect_dma source(%dma_start3A_68 : memref<10000x64xf32, #tpu.memory_space<hbm>>) target(%arg15 : memref<80x64xf32, #tpu.memory_space<vmem>>) offsets(%dma_start3A_65 : memref<80xi32, #tpu.memory_space<vmem>>) semaphore(%arg25 : memref<!tpu.dma_semaphore, #tpu.memory_space<semaphore_mem>>)
    %scan3A_69 = arith.constant 0 : i32
    %scan3A_70 = arith.constant 0 : i32
    %scan3A_71 = arith.constant 15 : i32
    %scan3A_72 = arith.addi %scan3A_70, %scan3A_71 : i32
    %scan3A_73 = arith.constant 1 : i32
    %scan3A_74 = scf.for %scan3A_117 = %scan3A_70 to %scan3A_72 step %scan3A_73 iter_args(%scan3A_118 = %scan3A_69) -> (i32)  : i32 {
      %mul3A_119 = arith.constant 8 : i32
      %mul3A_120 = arith.muli %scan3A_117, %mul3A_119 : i32
      %add3A_121 = arith.constant 0 : i32
      %add3A_122 = arith.addi %mul3A_120, %add3A_121 : i32
      %dma_wait3A_123 = arith.constant 0 : i32
      %dma_wait3A_124 = tpu.memref_slice %arg6[%add3A_122, %dma_wait3A_123] : memref<125x80xi32, #tpu.memory_space<vmem>> -> memref<1x80xi32, #tpu.memory_space<vmem>>
      %dma_wait3A_125 = tpu.memref_squeeze %dma_wait3A_124 : memref<1x80xi32, #tpu.memory_space<vmem>> -> memref<80xi32, #tpu.memory_space<vmem>>
      %dma_wait3A_126 = arith.constant 0 : i32
      %dma_wait3A_127 = arith.constant 0 : i32
      %dma_wait3A_128 = tpu.memref_slice %arg2[%dma_wait3A_126, %dma_wait3A_127] : memref<10000x64xf32, #tpu.memory_space<hbm>> -> memref<10000x64xf32, #tpu.memory_space<hbm>>
      tpu.wait_indirect_dma semaphore(%arg18 : memref<!tpu.dma_semaphore, #tpu.memory_space<semaphore_mem>>) src(%dma_wait3A_128 : memref<10000x64xf32, #tpu.memory_space<hbm>>) dst(%arg8 : memref<80x64xf32, #tpu.memory_space<vmem>>)
      %add3A_129 = arith.constant 0 : i32
      %add3A_130 = arith.addi %mul3A_120, %add3A_129 : i32
      "tpu.region"() ({
        %run_scoped3A_271 = tpu.sem_alloc : memref<!tpu.dma_semaphore, #tpu.memory_space<semaphore_mem>>
        %dma_start3A_272 = arith.constant 0 : i32
        %dma_start3A_273 = tpu.memref_slice %arg7[%add3A_130, %dma_start3A_272] : memref<125x80xi32, #tpu.memory_space<vmem>> -> memref<1x80xi32, #tpu.memory_space<vmem>>
        %dma_start3A_274 = tpu.memref_squeeze %dma_start3A_273 : memref<1x80xi32, #tpu.memory_space<vmem>> -> memref<80xi32, #tpu.memory_space<vmem>>
        %dma_start3A_275 = arith.constant 0 : i32
        %dma_start3A_276 = arith.constant 0 : i32
        %dma_start3A_277 = tpu.memref_slice %arg17[%dma_start3A_275, %dma_start3A_276] : memref<10000x64xf32, #tpu.memory_space<vmem_shared>> -> memref<10000x64xf32, #tpu.memory_space<vmem_shared>>
        tpu.enqueue_indirect_dma source(%arg8 : memref<80x64xf32, #tpu.memory_space<vmem>>) target(%dma_start3A_277 : memref<10000x64xf32, #tpu.memory_space<vmem_shared>>) offsets(%dma_start3A_274 : memref<80xi32, #tpu.memory_space<vmem>>) semaphore(%run_scoped3A_271 : memref<!tpu.dma_semaphore, #tpu.memory_space<semaphore_mem>>) {add = true}
        %dma_wait3A_278 = arith.constant 0 : i32
        %dma_wait3A_279 = tpu.memref_slice %arg7[%add3A_130, %dma_wait3A_278] : memref<125x80xi32, #tpu.memory_space<vmem>> -> memref<1x80xi32, #tpu.memory_space<vmem>>
        %dma_wait3A_280 = tpu.memref_squeeze %dma_wait3A_279 : memref<1x80xi32, #tpu.memory_space<vmem>> -> memref<80xi32, #tpu.memory_space<vmem>>
        %dma_wait3A_281 = arith.constant 0 : i32
        %dma_wait3A_282 = arith.constant 0 : i32
        %dma_wait3A_283 = tpu.memref_slice %arg17[%dma_wait3A_281, %dma_wait3A_282] : memref<10000x64xf32, #tpu.memory_space<vmem_shared>> -> memref<10000x64xf32, #tpu.memory_space<vmem_shared>>
        tpu.wait_indirect_dma semaphore(%run_scoped3A_271 : memref<!tpu.dma_semaphore, #tpu.memory_space<semaphore_mem>>) src(%arg8 : memref<80x64xf32, #tpu.memory_space<vmem>>) dst(%dma_wait3A_283 : memref<10000x64xf32, #tpu.memory_space<vmem_shared>>)
        tpu.yield
      }) : () -> ()
      %add3A_131 = arith.constant 8 : i32
      %add3A_132 = arith.addi %mul3A_120, %add3A_131 : i32
      %add3A_133 = arith.constant 0 : i32
      %add3A_134 = arith.addi %add3A_132, %add3A_133 : i32
      %lt3A = arith.constant 125 : i32
      %lt3A_135 = arith.cmpi slt, %add3A_134, %lt3A : i32
      %convert_element_type3A = arith.extui %lt3A_135 : i1 to i32
      %cond3A = arith.constant 0 : i32
      %cond3A_136 = arith.cmpi ne, %convert_element_type3A, %cond3A : i32
      scf.if %cond3A_136 {
        %add3A_271 = arith.constant 8 : i32
        %add3A_272 = arith.addi %mul3A_120, %add3A_271 : i32
        %add3A_273 = arith.constant 0 : i32
        %add3A_274 = arith.addi %add3A_272, %add3A_273 : i32
        %dma_start3A_275 = arith.constant 0 : i32
        %dma_start3A_276 = tpu.memref_slice %arg6[%add3A_274, %dma_start3A_275] : memref<125x80xi32, #tpu.memory_space<vmem>> -> memref<1x80xi32, #tpu.memory_space<vmem>>
        %dma_start3A_277 = tpu.memref_squeeze %dma_start3A_276 : memref<1x80xi32, #tpu.memory_space<vmem>> -> memref<80xi32, #tpu.memory_space<vmem>>
        %dma_start3A_278 = arith.constant 0 : i32
        %dma_start3A_279 = arith.constant 0 : i32
        %dma_start3A_280 = tpu.memref_slice %arg2[%dma_start3A_278, %dma_start3A_279] : memref<10000x64xf32, #tpu.memory_space<hbm>> -> memref<10000x64xf32, #tpu.memory_space<hbm>>
        tpu.enqueue_indirect_dma source(%dma_start3A_280 : memref<10000x64xf32, #tpu.memory_space<hbm>>) target(%arg8 : memref<80x64xf32, #tpu.memory_space<vmem>>) offsets(%dma_start3A_277 : memref<80xi32, #tpu.memory_space<vmem>>) semaphore(%arg18 : memref<!tpu.dma_semaphore, #tpu.memory_space<semaphore_mem>>)
      } else {
      }
      %add3A_137 = arith.constant 1 : i32
      %add3A_138 = arith.addi %mul3A_120, %add3A_137 : i32
      %dma_wait3A_139 = arith.constant 0 : i32
      %dma_wait3A_140 = tpu.memref_slice %arg6[%add3A_138, %dma_wait3A_139] : memref<125x80xi32, #tpu.memory_space<vmem>> -> memref<1x80xi32, #tpu.memory_space<vmem>>
      %dma_wait3A_141 = tpu.memref_squeeze %dma_wait3A_140 : memref<1x80xi32, #tpu.memory_space<vmem>> -> memref<80xi32, #tpu.memory_space<vmem>>
      %dma_wait3A_142 = arith.constant 0 : i32
      %dma_wait3A_143 = arith.constant 0 : i32
      %dma_wait3A_144 = tpu.memref_slice %arg2[%dma_wait3A_142, %dma_wait3A_143] : memref<10000x64xf32, #tpu.memory_space<hbm>> -> memref<10000x64xf32, #tpu.memory_space<hbm>>
      tpu.wait_indirect_dma semaphore(%arg19 : memref<!tpu.dma_semaphore, #tpu.memory_space<semaphore_mem>>) src(%dma_wait3A_144 : memref<10000x64xf32, #tpu.memory_space<hbm>>) dst(%arg9 : memref<80x64xf32, #tpu.memory_space<vmem>>)
      %add3A_145 = arith.constant 1 : i32
      %add3A_146 = arith.addi %mul3A_120, %add3A_145 : i32
      "tpu.region"() ({
        %run_scoped3A_271 = tpu.sem_alloc : memref<!tpu.dma_semaphore, #tpu.memory_space<semaphore_mem>>
        %dma_start3A_272 = arith.constant 0 : i32
        %dma_start3A_273 = tpu.memref_slice %arg7[%add3A_146, %dma_start3A_272] : memref<125x80xi32, #tpu.memory_space<vmem>> -> memref<1x80xi32, #tpu.memory_space<vmem>>
        %dma_start3A_274 = tpu.memref_squeeze %dma_start3A_273 : memref<1x80xi32, #tpu.memory_space<vmem>> -> memref<80xi32, #tpu.memory_space<vmem>>
        %dma_start3A_275 = arith.constant 0 : i32
        %dma_start3A_276 = arith.constant 0 : i32
        %dma_start3A_277 = tpu.memref_slice %arg17[%dma_start3A_275, %dma_start3A_276] : memref<10000x64xf32, #tpu.memory_space<vmem_shared>> -> memref<10000x64xf32, #tpu.memory_space<vmem_shared>>
        tpu.enqueue_indirect_dma source(%arg9 : memref<80x64xf32, #tpu.memory_space<vmem>>) target(%dma_start3A_277 : memref<10000x64xf32, #tpu.memory_space<vmem_shared>>) offsets(%dma_start3A_274 : memref<80xi32, #tpu.memory_space<vmem>>) semaphore(%run_scoped3A_271 : memref<!tpu.dma_semaphore, #tpu.memory_space<semaphore_mem>>) {add = true}
        %dma_wait3A_278 = arith.constant 0 : i32
        %dma_wait3A_279 = tpu.memref_slice %arg7[%add3A_146, %dma_wait3A_278] : memref<125x80xi32, #tpu.memory_space<vmem>> -> memref<1x80xi32, #tpu.memory_space<vmem>>
        %dma_wait3A_280 = tpu.memref_squeeze %dma_wait3A_279 : memref<1x80xi32, #tpu.memory_space<vmem>> -> memref<80xi32, #tpu.memory_space<vmem>>
        %dma_wait3A_281 = arith.constant 0 : i32
        %dma_wait3A_282 = arith.constant 0 : i32
        %dma_wait3A_283 = tpu.memref_slice %arg17[%dma_wait3A_281, %dma_wait3A_282] : memref<10000x64xf32, #tpu.memory_space<vmem_shared>> -> memref<10000x64xf32, #tpu.memory_space<vmem_shared>>
        tpu.wait_indirect_dma semaphore(%run_scoped3A_271 : memref<!tpu.dma_semaphore, #tpu.memory_space<semaphore_mem>>) src(%arg9 : memref<80x64xf32, #tpu.memory_space<vmem>>) dst(%dma_wait3A_283 : memref<10000x64xf32, #tpu.memory_space<vmem_shared>>)
        tpu.yield
      }) : () -> ()
      %add3A_147 = arith.constant 8 : i32
      %add3A_148 = arith.addi %mul3A_120, %add3A_147 : i32
      %add3A_149 = arith.constant 1 : i32
      %add3A_150 = arith.addi %add3A_148, %add3A_149 : i32
      %lt3A_151 = arith.constant 125 : i32
      %lt3A_152 = arith.cmpi slt, %add3A_150, %lt3A_151 : i32
      %convert_element_type3A_153 = arith.extui %lt3A_152 : i1 to i32
      %cond3A_154 = arith.constant 0 : i32
      %cond3A_155 = arith.cmpi ne, %convert_element_type3A_153, %cond3A_154 : i32
      scf.if %cond3A_155 {
        %add3A_271 = arith.constant 8 : i32
        %add3A_272 = arith.addi %mul3A_120, %add3A_271 : i32
        %add3A_273 = arith.constant 1 : i32
        %add3A_274 = arith.addi %add3A_272, %add3A_273 : i32
        %dma_start3A_275 = arith.constant 0 : i32
        %dma_start3A_276 = tpu.memref_slice %arg6[%add3A_274, %dma_start3A_275] : memref<125x80xi32, #tpu.memory_space<vmem>> -> memref<1x80xi32, #tpu.memory_space<vmem>>
        %dma_start3A_277 = tpu.memref_squeeze %dma_start3A_276 : memref<1x80xi32, #tpu.memory_space<vmem>> -> memref<80xi32, #tpu.memory_space<vmem>>
        %dma_start3A_278 = arith.constant 0 : i32
        %dma_start3A_279 = arith.constant 0 : i32
        %dma_start3A_280 = tpu.memref_slice %arg2[%dma_start3A_278, %dma_start3A_279] : memref<10000x64xf32, #tpu.memory_space<hbm>> -> memref<10000x64xf32, #tpu.memory_space<hbm>>
        tpu.enqueue_indirect_dma source(%dma_start3A_280 : memref<10000x64xf32, #tpu.memory_space<hbm>>) target(%arg9 : memref<80x64xf32, #tpu.memory_space<vmem>>) offsets(%dma_start3A_277 : memref<80xi32, #tpu.memory_space<vmem>>) semaphore(%arg19 : memref<!tpu.dma_semaphore, #tpu.memory_space<semaphore_mem>>)
      } else {
      }
      %add3A_156 = arith.constant 2 : i32
      %add3A_157 = arith.addi %mul3A_120, %add3A_156 : i32
      %dma_wait3A_158 = arith.constant 0 : i32
      %dma_wait3A_159 = tpu.memref_slice %arg6[%add3A_157, %dma_wait3A_158] : memref<125x80xi32, #tpu.memory_space<vmem>> -> memref<1x80xi32, #tpu.memory_space<vmem>>
      %dma_wait3A_160 = tpu.memref_squeeze %dma_wait3A_159 : memref<1x80xi32, #tpu.memory_space<vmem>> -> memref<80xi32, #tpu.memory_space<vmem>>
      %dma_wait3A_161 = arith.constant 0 : i32
      %dma_wait3A_162 = arith.constant 0 : i32
      %dma_wait3A_163 = tpu.memref_slice %arg2[%dma_wait3A_161, %dma_wait3A_162] : memref<10000x64xf32, #tpu.memory_space<hbm>> -> memref<10000x64xf32, #tpu.memory_space<hbm>>
      tpu.wait_indirect_dma semaphore(%arg20 : memref<!tpu.dma_semaphore, #tpu.memory_space<semaphore_mem>>) src(%dma_wait3A_163 : memref<10000x64xf32, #tpu.memory_space<hbm>>) dst(%arg10 : memref<80x64xf32, #tpu.memory_space<vmem>>)
      %add3A_164 = arith.constant 2 : i32
      %add3A_165 = arith.addi %mul3A_120, %add3A_164 : i32
      "tpu.region"() ({
        %run_scoped3A_271 = tpu.sem_alloc : memref<!tpu.dma_semaphore, #tpu.memory_space<semaphore_mem>>
        %dma_start3A_272 = arith.constant 0 : i32
        %dma_start3A_273 = tpu.memref_slice %arg7[%add3A_165, %dma_start3A_272] : memref<125x80xi32, #tpu.memory_space<vmem>> -> memref<1x80xi32, #tpu.memory_space<vmem>>
        %dma_start3A_274 = tpu.memref_squeeze %dma_start3A_273 : memref<1x80xi32, #tpu.memory_space<vmem>> -> memref<80xi32, #tpu.memory_space<vmem>>
        %dma_start3A_275 = arith.constant 0 : i32
        %dma_start3A_276 = arith.constant 0 : i32
        %dma_start3A_277 = tpu.memref_slice %arg17[%dma_start3A_275, %dma_start3A_276] : memref<10000x64xf32, #tpu.memory_space<vmem_shared>> -> memref<10000x64xf32, #tpu.memory_space<vmem_shared>>
        tpu.enqueue_indirect_dma source(%arg10 : memref<80x64xf32, #tpu.memory_space<vmem>>) target(%dma_start3A_277 : memref<10000x64xf32, #tpu.memory_space<vmem_shared>>) offsets(%dma_start3A_274 : memref<80xi32, #tpu.memory_space<vmem>>) semaphore(%run_scoped3A_271 : memref<!tpu.dma_semaphore, #tpu.memory_space<semaphore_mem>>) {add = true}
        %dma_wait3A_278 = arith.constant 0 : i32
        %dma_wait3A_279 = tpu.memref_slice %arg7[%add3A_165, %dma_wait3A_278] : memref<125x80xi32, #tpu.memory_space<vmem>> -> memref<1x80xi32, #tpu.memory_space<vmem>>
        %dma_wait3A_280 = tpu.memref_squeeze %dma_wait3A_279 : memref<1x80xi32, #tpu.memory_space<vmem>> -> memref<80xi32, #tpu.memory_space<vmem>>
        %dma_wait3A_281 = arith.constant 0 : i32
        %dma_wait3A_282 = arith.constant 0 : i32
        %dma_wait3A_283 = tpu.memref_slice %arg17[%dma_wait3A_281, %dma_wait3A_282] : memref<10000x64xf32, #tpu.memory_space<vmem_shared>> -> memref<10000x64xf32, #tpu.memory_space<vmem_shared>>
        tpu.wait_indirect_dma semaphore(%run_scoped3A_271 : memref<!tpu.dma_semaphore, #tpu.memory_space<semaphore_mem>>) src(%arg10 : memref<80x64xf32, #tpu.memory_space<vmem>>) dst(%dma_wait3A_283 : memref<10000x64xf32, #tpu.memory_space<vmem_shared>>)
        tpu.yield
      }) : () -> ()
      %add3A_166 = arith.constant 8 : i32
      %add3A_167 = arith.addi %mul3A_120, %add3A_166 : i32
      %add3A_168 = arith.constant 2 : i32
      %add3A_169 = arith.addi %add3A_167, %add3A_168 : i32
      %lt3A_170 = arith.constant 125 : i32
      %lt3A_171 = arith.cmpi slt, %add3A_169, %lt3A_170 : i32
      %convert_element_type3A_172 = arith.extui %lt3A_171 : i1 to i32
      %cond3A_173 = arith.constant 0 : i32
      %cond3A_174 = arith.cmpi ne, %convert_element_type3A_172, %cond3A_173 : i32
      scf.if %cond3A_174 {
        %add3A_271 = arith.constant 8 : i32
        %add3A_272 = arith.addi %mul3A_120, %add3A_271 : i32
        %add3A_273 = arith.constant 2 : i32
        %add3A_274 = arith.addi %add3A_272, %add3A_273 : i32
        %dma_start3A_275 = arith.constant 0 : i32
        %dma_start3A_276 = tpu.memref_slice %arg6[%add3A_274, %dma_start3A_275] : memref<125x80xi32, #tpu.memory_space<vmem>> -> memref<1x80xi32, #tpu.memory_space<vmem>>
        %dma_start3A_277 = tpu.memref_squeeze %dma_start3A_276 : memref<1x80xi32, #tpu.memory_space<vmem>> -> memref<80xi32, #tpu.memory_space<vmem>>
        %dma_start3A_278 = arith.constant 0 : i32
        %dma_start3A_279 = arith.constant 0 : i32
        %dma_start3A_280 = tpu.memref_slice %arg2[%dma_start3A_278, %dma_start3A_279] : memref<10000x64xf32, #tpu.memory_space<hbm>> -> memref<10000x64xf32, #tpu.memory_space<hbm>>
        tpu.enqueue_indirect_dma source(%dma_start3A_280 : memref<10000x64xf32, #tpu.memory_space<hbm>>) target(%arg10 : memref<80x64xf32, #tpu.memory_space<vmem>>) offsets(%dma_start3A_277 : memref<80xi32, #tpu.memory_space<vmem>>) semaphore(%arg20 : memref<!tpu.dma_semaphore, #tpu.memory_space<semaphore_mem>>)
      } else {
      }
      %add3A_175 = arith.constant 3 : i32
      %add3A_176 = arith.addi %mul3A_120, %add3A_175 : i32
      %dma_wait3A_177 = arith.constant 0 : i32
      %dma_wait3A_178 = tpu.memref_slice %arg6[%add3A_176, %dma_wait3A_177] : memref<125x80xi32, #tpu.memory_space<vmem>> -> memref<1x80xi32, #tpu.memory_space<vmem>>
      %dma_wait3A_179 = tpu.memref_squeeze %dma_wait3A_178 : memref<1x80xi32, #tpu.memory_space<vmem>> -> memref<80xi32, #tpu.memory_space<vmem>>
      %dma_wait3A_180 = arith.constant 0 : i32
      %dma_wait3A_181 = arith.constant 0 : i32
      %dma_wait3A_182 = tpu.memref_slice %arg2[%dma_wait3A_180, %dma_wait3A_181] : memref<10000x64xf32, #tpu.memory_space<hbm>> -> memref<10000x64xf32, #tpu.memory_space<hbm>>
      tpu.wait_indirect_dma semaphore(%arg21 : memref<!tpu.dma_semaphore, #tpu.memory_space<semaphore_mem>>) src(%dma_wait3A_182 : memref<10000x64xf32, #tpu.memory_space<hbm>>) dst(%arg11 : memref<80x64xf32, #tpu.memory_space<vmem>>)
      %add3A_183 = arith.constant 3 : i32
      %add3A_184 = arith.addi %mul3A_120, %add3A_183 : i32
      "tpu.region"() ({
        %run_scoped3A_271 = tpu.sem_alloc : memref<!tpu.dma_semaphore, #tpu.memory_space<semaphore_mem>>
        %dma_start3A_272 = arith.constant 0 : i32
        %dma_start3A_273 = tpu.memref_slice %arg7[%add3A_184, %dma_start3A_272] : memref<125x80xi32, #tpu.memory_space<vmem>> -> memref<1x80xi32, #tpu.memory_space<vmem>>
        %dma_start3A_274 = tpu.memref_squeeze %dma_start3A_273 : memref<1x80xi32, #tpu.memory_space<vmem>> -> memref<80xi32, #tpu.memory_space<vmem>>
        %dma_start3A_275 = arith.constant 0 : i32
        %dma_start3A_276 = arith.constant 0 : i32
        %dma_start3A_277 = tpu.memref_slice %arg17[%dma_start3A_275, %dma_start3A_276] : memref<10000x64xf32, #tpu.memory_space<vmem_shared>> -> memref<10000x64xf32, #tpu.memory_space<vmem_shared>>
        tpu.enqueue_indirect_dma source(%arg11 : memref<80x64xf32, #tpu.memory_space<vmem>>) target(%dma_start3A_277 : memref<10000x64xf32, #tpu.memory_space<vmem_shared>>) offsets(%dma_start3A_274 : memref<80xi32, #tpu.memory_space<vmem>>) semaphore(%run_scoped3A_271 : memref<!tpu.dma_semaphore, #tpu.memory_space<semaphore_mem>>) {add = true}
        %dma_wait3A_278 = arith.constant 0 : i32
        %dma_wait3A_279 = tpu.memref_slice %arg7[%add3A_184, %dma_wait3A_278] : memref<125x80xi32, #tpu.memory_space<vmem>> -> memref<1x80xi32, #tpu.memory_space<vmem>>
        %dma_wait3A_280 = tpu.memref_squeeze %dma_wait3A_279 : memref<1x80xi32, #tpu.memory_space<vmem>> -> memref<80xi32, #tpu.memory_space<vmem>>
        %dma_wait3A_281 = arith.constant 0 : i32
        %dma_wait3A_282 = arith.constant 0 : i32
        %dma_wait3A_283 = tpu.memref_slice %arg17[%dma_wait3A_281, %dma_wait3A_282] : memref<10000x64xf32, #tpu.memory_space<vmem_shared>> -> memref<10000x64xf32, #tpu.memory_space<vmem_shared>>
        tpu.wait_indirect_dma semaphore(%run_scoped3A_271 : memref<!tpu.dma_semaphore, #tpu.memory_space<semaphore_mem>>) src(%arg11 : memref<80x64xf32, #tpu.memory_space<vmem>>) dst(%dma_wait3A_283 : memref<10000x64xf32, #tpu.memory_space<vmem_shared>>)
        tpu.yield
      }) : () -> ()
      %add3A_185 = arith.constant 8 : i32
      %add3A_186 = arith.addi %mul3A_120, %add3A_185 : i32
      %add3A_187 = arith.constant 3 : i32
      %add3A_188 = arith.addi %add3A_186, %add3A_187 : i32
      %lt3A_189 = arith.constant 125 : i32
      %lt3A_190 = arith.cmpi slt, %add3A_188, %lt3A_189 : i32
      %convert_element_type3A_191 = arith.extui %lt3A_190 : i1 to i32
      %cond3A_192 = arith.constant 0 : i32
      %cond3A_193 = arith.cmpi ne, %convert_element_type3A_191, %cond3A_192 : i32
      scf.if %cond3A_193 {
        %add3A_271 = arith.constant 8 : i32
        %add3A_272 = arith.addi %mul3A_120, %add3A_271 : i32
        %add3A_273 = arith.constant 3 : i32
        %add3A_274 = arith.addi %add3A_272, %add3A_273 : i32
        %dma_start3A_275 = arith.constant 0 : i32
        %dma_start3A_276 = tpu.memref_slice %arg6[%add3A_274, %dma_start3A_275] : memref<125x80xi32, #tpu.memory_space<vmem>> -> memref<1x80xi32, #tpu.memory_space<vmem>>
        %dma_start3A_277 = tpu.memref_squeeze %dma_start3A_276 : memref<1x80xi32, #tpu.memory_space<vmem>> -> memref<80xi32, #tpu.memory_space<vmem>>
        %dma_start3A_278 = arith.constant 0 : i32
        %dma_start3A_279 = arith.constant 0 : i32
        %dma_start3A_280 = tpu.memref_slice %arg2[%dma_start3A_278, %dma_start3A_279] : memref<10000x64xf32, #tpu.memory_space<hbm>> -> memref<10000x64xf32, #tpu.memory_space<hbm>>
        tpu.enqueue_indirect_dma source(%dma_start3A_280 : memref<10000x64xf32, #tpu.memory_space<hbm>>) target(%arg11 : memref<80x64xf32, #tpu.memory_space<vmem>>) offsets(%dma_start3A_277 : memref<80xi32, #tpu.memory_space<vmem>>) semaphore(%arg21 : memref<!tpu.dma_semaphore, #tpu.memory_space<semaphore_mem>>)
      } else {
      }
      %add3A_194 = arith.constant 4 : i32
      %add3A_195 = arith.addi %mul3A_120, %add3A_194 : i32
      %dma_wait3A_196 = arith.constant 0 : i32
      %dma_wait3A_197 = tpu.memref_slice %arg6[%add3A_195, %dma_wait3A_196] : memref<125x80xi32, #tpu.memory_space<vmem>> -> memref<1x80xi32, #tpu.memory_space<vmem>>
      %dma_wait3A_198 = tpu.memref_squeeze %dma_wait3A_197 : memref<1x80xi32, #tpu.memory_space<vmem>> -> memref<80xi32, #tpu.memory_space<vmem>>
      %dma_wait3A_199 = arith.constant 0 : i32
      %dma_wait3A_200 = arith.constant 0 : i32
      %dma_wait3A_201 = tpu.memref_slice %arg2[%dma_wait3A_199, %dma_wait3A_200] : memref<10000x64xf32, #tpu.memory_space<hbm>> -> memref<10000x64xf32, #tpu.memory_space<hbm>>
      tpu.wait_indirect_dma semaphore(%arg22 : memref<!tpu.dma_semaphore, #tpu.memory_space<semaphore_mem>>) src(%dma_wait3A_201 : memref<10000x64xf32, #tpu.memory_space<hbm>>) dst(%arg12 : memref<80x64xf32, #tpu.memory_space<vmem>>)
      %add3A_202 = arith.constant 4 : i32
      %add3A_203 = arith.addi %mul3A_120, %add3A_202 : i32
      "tpu.region"() ({
        %run_scoped3A_271 = tpu.sem_alloc : memref<!tpu.dma_semaphore, #tpu.memory_space<semaphore_mem>>
        %dma_start3A_272 = arith.constant 0 : i32
        %dma_start3A_273 = tpu.memref_slice %arg7[%add3A_203, %dma_start3A_272] : memref<125x80xi32, #tpu.memory_space<vmem>> -> memref<1x80xi32, #tpu.memory_space<vmem>>
        %dma_start3A_274 = tpu.memref_squeeze %dma_start3A_273 : memref<1x80xi32, #tpu.memory_space<vmem>> -> memref<80xi32, #tpu.memory_space<vmem>>
        %dma_start3A_275 = arith.constant 0 : i32
        %dma_start3A_276 = arith.constant 0 : i32
        %dma_start3A_277 = tpu.memref_slice %arg17[%dma_start3A_275, %dma_start3A_276] : memref<10000x64xf32, #tpu.memory_space<vmem_shared>> -> memref<10000x64xf32, #tpu.memory_space<vmem_shared>>
        tpu.enqueue_indirect_dma source(%arg12 : memref<80x64xf32, #tpu.memory_space<vmem>>) target(%dma_start3A_277 : memref<10000x64xf32, #tpu.memory_space<vmem_shared>>) offsets(%dma_start3A_274 : memref<80xi32, #tpu.memory_space<vmem>>) semaphore(%run_scoped3A_271 : memref<!tpu.dma_semaphore, #tpu.memory_space<semaphore_mem>>) {add = true}
        %dma_wait3A_278 = arith.constant 0 : i32
        %dma_wait3A_279 = tpu.memref_slice %arg7[%add3A_203, %dma_wait3A_278] : memref<125x80xi32, #tpu.memory_space<vmem>> -> memref<1x80xi32, #tpu.memory_space<vmem>>
        %dma_wait3A_280 = tpu.memref_squeeze %dma_wait3A_279 : memref<1x80xi32, #tpu.memory_space<vmem>> -> memref<80xi32, #tpu.memory_space<vmem>>
        %dma_wait3A_281 = arith.constant 0 : i32
        %dma_wait3A_282 = arith.constant 0 : i32
        %dma_wait3A_283 = tpu.memref_slice %arg17[%dma_wait3A_281, %dma_wait3A_282] : memref<10000x64xf32, #tpu.memory_space<vmem_shared>> -> memref<10000x64xf32, #tpu.memory_space<vmem_shared>>
        tpu.wait_indirect_dma semaphore(%run_scoped3A_271 : memref<!tpu.dma_semaphore, #tpu.memory_space<semaphore_mem>>) src(%arg12 : memref<80x64xf32, #tpu.memory_space<vmem>>) dst(%dma_wait3A_283 : memref<10000x64xf32, #tpu.memory_space<vmem_shared>>)
        tpu.yield
      }) : () -> ()
      %add3A_204 = arith.constant 8 : i32
      %add3A_205 = arith.addi %mul3A_120, %add3A_204 : i32
      %add3A_206 = arith.constant 4 : i32
      %add3A_207 = arith.addi %add3A_205, %add3A_206 : i32
      %lt3A_208 = arith.constant 125 : i32
      %lt3A_209 = arith.cmpi slt, %add3A_207, %lt3A_208 : i32
      %convert_element_type3A_210 = arith.extui %lt3A_209 : i1 to i32
      %cond3A_211 = arith.constant 0 : i32
      %cond3A_212 = arith.cmpi ne, %convert_element_type3A_210, %cond3A_211 : i32
      scf.if %cond3A_212 {
        %add3A_271 = arith.constant 8 : i32
        %add3A_272 = arith.addi %mul3A_120, %add3A_271 : i32
        %add3A_273 = arith.constant 4 : i32
        %add3A_274 = arith.addi %add3A_272, %add3A_273 : i32
        %dma_start3A_275 = arith.constant 0 : i32
        %dma_start3A_276 = tpu.memref_slice %arg6[%add3A_274, %dma_start3A_275] : memref<125x80xi32, #tpu.memory_space<vmem>> -> memref<1x80xi32, #tpu.memory_space<vmem>>
        %dma_start3A_277 = tpu.memref_squeeze %dma_start3A_276 : memref<1x80xi32, #tpu.memory_space<vmem>> -> memref<80xi32, #tpu.memory_space<vmem>>
        %dma_start3A_278 = arith.constant 0 : i32
        %dma_start3A_279 = arith.constant 0 : i32
        %dma_start3A_280 = tpu.memref_slice %arg2[%dma_start3A_278, %dma_start3A_279] : memref<10000x64xf32, #tpu.memory_space<hbm>> -> memref<10000x64xf32, #tpu.memory_space<hbm>>
        tpu.enqueue_indirect_dma source(%dma_start3A_280 : memref<10000x64xf32, #tpu.memory_space<hbm>>) target(%arg12 : memref<80x64xf32, #tpu.memory_space<vmem>>) offsets(%dma_start3A_277 : memref<80xi32, #tpu.memory_space<vmem>>) semaphore(%arg22 : memref<!tpu.dma_semaphore, #tpu.memory_space<semaphore_mem>>)
      } else {
      }
      %add3A_213 = arith.constant 5 : i32
      %add3A_214 = arith.addi %mul3A_120, %add3A_213 : i32
      %dma_wait3A_215 = arith.constant 0 : i32
      %dma_wait3A_216 = tpu.memref_slice %arg6[%add3A_214, %dma_wait3A_215] : memref<125x80xi32, #tpu.memory_space<vmem>> -> memref<1x80xi32, #tpu.memory_space<vmem>>
      %dma_wait3A_217 = tpu.memref_squeeze %dma_wait3A_216 : memref<1x80xi32, #tpu.memory_space<vmem>> -> memref<80xi32, #tpu.memory_space<vmem>>
      %dma_wait3A_218 = arith.constant 0 : i32
      %dma_wait3A_219 = arith.constant 0 : i32
      %dma_wait3A_220 = tpu.memref_slice %arg2[%dma_wait3A_218, %dma_wait3A_219] : memref<10000x64xf32, #tpu.memory_space<hbm>> -> memref<10000x64xf32, #tpu.memory_space<hbm>>
      tpu.wait_indirect_dma semaphore(%arg23 : memref<!tpu.dma_semaphore, #tpu.memory_space<semaphore_mem>>) src(%dma_wait3A_220 : memref<10000x64xf32, #tpu.memory_space<hbm>>) dst(%arg13 : memref<80x64xf32, #tpu.memory_space<vmem>>)
      %add3A_221 = arith.constant 5 : i32
      %add3A_222 = arith.addi %mul3A_120, %add3A_221 : i32
      "tpu.region"() ({
        %run_scoped3A_271 = tpu.sem_alloc : memref<!tpu.dma_semaphore, #tpu.memory_space<semaphore_mem>>
        %dma_start3A_272 = arith.constant 0 : i32
        %dma_start3A_273 = tpu.memref_slice %arg7[%add3A_222, %dma_start3A_272] : memref<125x80xi32, #tpu.memory_space<vmem>> -> memref<1x80xi32, #tpu.memory_space<vmem>>
        %dma_start3A_274 = tpu.memref_squeeze %dma_start3A_273 : memref<1x80xi32, #tpu.memory_space<vmem>> -> memref<80xi32, #tpu.memory_space<vmem>>
        %dma_start3A_275 = arith.constant 0 : i32
        %dma_start3A_276 = arith.constant 0 : i32
        %dma_start3A_277 = tpu.memref_slice %arg17[%dma_start3A_275, %dma_start3A_276] : memref<10000x64xf32, #tpu.memory_space<vmem_shared>> -> memref<10000x64xf32, #tpu.memory_space<vmem_shared>>
        tpu.enqueue_indirect_dma source(%arg13 : memref<80x64xf32, #tpu.memory_space<vmem>>) target(%dma_start3A_277 : memref<10000x64xf32, #tpu.memory_space<vmem_shared>>) offsets(%dma_start3A_274 : memref<80xi32, #tpu.memory_space<vmem>>) semaphore(%run_scoped3A_271 : memref<!tpu.dma_semaphore, #tpu.memory_space<semaphore_mem>>) {add = true}
        %dma_wait3A_278 = arith.constant 0 : i32
        %dma_wait3A_279 = tpu.memref_slice %arg7[%add3A_222, %dma_wait3A_278] : memref<125x80xi32, #tpu.memory_space<vmem>> -> memref<1x80xi32, #tpu.memory_space<vmem>>
        %dma_wait3A_280 = tpu.memref_squeeze %dma_wait3A_279 : memref<1x80xi32, #tpu.memory_space<vmem>> -> memref<80xi32, #tpu.memory_space<vmem>>
        %dma_wait3A_281 = arith.constant 0 : i32
        %dma_wait3A_282 = arith.constant 0 : i32
        %dma_wait3A_283 = tpu.memref_slice %arg17[%dma_wait3A_281, %dma_wait3A_282] : memref<10000x64xf32, #tpu.memory_space<vmem_shared>> -> memref<10000x64xf32, #tpu.memory_space<vmem_shared>>
        tpu.wait_indirect_dma semaphore(%run_scoped3A_271 : memref<!tpu.dma_semaphore, #tpu.memory_space<semaphore_mem>>) src(%arg13 : memref<80x64xf32, #tpu.memory_space<vmem>>) dst(%dma_wait3A_283 : memref<10000x64xf32, #tpu.memory_space<vmem_shared>>)
        tpu.yield
      }) : () -> ()
      %add3A_223 = arith.constant 8 : i32
      %add3A_224 = arith.addi %mul3A_120, %add3A_223 : i32
      %add3A_225 = arith.constant 5 : i32
      %add3A_226 = arith.addi %add3A_224, %add3A_225 : i32
      %lt3A_227 = arith.constant 125 : i32
      %lt3A_228 = arith.cmpi slt, %add3A_226, %lt3A_227 : i32
      %convert_element_type3A_229 = arith.extui %lt3A_228 : i1 to i32
      %cond3A_230 = arith.constant 0 : i32
      %cond3A_231 = arith.cmpi ne, %convert_element_type3A_229, %cond3A_230 : i32
      scf.if %cond3A_231 {
        %add3A_271 = arith.constant 8 : i32
        %add3A_272 = arith.addi %mul3A_120, %add3A_271 : i32
        %add3A_273 = arith.constant 5 : i32
        %add3A_274 = arith.addi %add3A_272, %add3A_273 : i32
        %dma_start3A_275 = arith.constant 0 : i32
        %dma_start3A_276 = tpu.memref_slice %arg6[%add3A_274, %dma_start3A_275] : memref<125x80xi32, #tpu.memory_space<vmem>> -> memref<1x80xi32, #tpu.memory_space<vmem>>
        %dma_start3A_277 = tpu.memref_squeeze %dma_start3A_276 : memref<1x80xi32, #tpu.memory_space<vmem>> -> memref<80xi32, #tpu.memory_space<vmem>>
        %dma_start3A_278 = arith.constant 0 : i32
        %dma_start3A_279 = arith.constant 0 : i32
        %dma_start3A_280 = tpu.memref_slice %arg2[%dma_start3A_278, %dma_start3A_279] : memref<10000x64xf32, #tpu.memory_space<hbm>> -> memref<10000x64xf32, #tpu.memory_space<hbm>>
        tpu.enqueue_indirect_dma source(%dma_start3A_280 : memref<10000x64xf32, #tpu.memory_space<hbm>>) target(%arg13 : memref<80x64xf32, #tpu.memory_space<vmem>>) offsets(%dma_start3A_277 : memref<80xi32, #tpu.memory_space<vmem>>) semaphore(%arg23 : memref<!tpu.dma_semaphore, #tpu.memory_space<semaphore_mem>>)
      } else {
      }
      %add3A_232 = arith.constant 6 : i32
      %add3A_233 = arith.addi %mul3A_120, %add3A_232 : i32
      %dma_wait3A_234 = arith.constant 0 : i32
      %dma_wait3A_235 = tpu.memref_slice %arg6[%add3A_233, %dma_wait3A_234] : memref<125x80xi32, #tpu.memory_space<vmem>> -> memref<1x80xi32, #tpu.memory_space<vmem>>
      %dma_wait3A_236 = tpu.memref_squeeze %dma_wait3A_235 : memref<1x80xi32, #tpu.memory_space<vmem>> -> memref<80xi32, #tpu.memory_space<vmem>>
      %dma_wait3A_237 = arith.constant 0 : i32
      %dma_wait3A_238 = arith.constant 0 : i32
      %dma_wait3A_239 = tpu.memref_slice %arg2[%dma_wait3A_237, %dma_wait3A_238] : memref<10000x64xf32, #tpu.memory_space<hbm>> -> memref<10000x64xf32, #tpu.memory_space<hbm>>
      tpu.wait_indirect_dma semaphore(%arg24 : memref<!tpu.dma_semaphore, #tpu.memory_space<semaphore_mem>>) src(%dma_wait3A_239 : memref<10000x64xf32, #tpu.memory_space<hbm>>) dst(%arg14 : memref<80x64xf32, #tpu.memory_space<vmem>>)
      %add3A_240 = arith.constant 6 : i32
      %add3A_241 = arith.addi %mul3A_120, %add3A_240 : i32
      "tpu.region"() ({
        %run_scoped3A_271 = tpu.sem_alloc : memref<!tpu.dma_semaphore, #tpu.memory_space<semaphore_mem>>
        %dma_start3A_272 = arith.constant 0 : i32
        %dma_start3A_273 = tpu.memref_slice %arg7[%add3A_241, %dma_start3A_272] : memref<125x80xi32, #tpu.memory_space<vmem>> -> memref<1x80xi32, #tpu.memory_space<vmem>>
        %dma_start3A_274 = tpu.memref_squeeze %dma_start3A_273 : memref<1x80xi32, #tpu.memory_space<vmem>> -> memref<80xi32, #tpu.memory_space<vmem>>
        %dma_start3A_275 = arith.constant 0 : i32
        %dma_start3A_276 = arith.constant 0 : i32
        %dma_start3A_277 = tpu.memref_slice %arg17[%dma_start3A_275, %dma_start3A_276] : memref<10000x64xf32, #tpu.memory_space<vmem_shared>> -> memref<10000x64xf32, #tpu.memory_space<vmem_shared>>
        tpu.enqueue_indirect_dma source(%arg14 : memref<80x64xf32, #tpu.memory_space<vmem>>) target(%dma_start3A_277 : memref<10000x64xf32, #tpu.memory_space<vmem_shared>>) offsets(%dma_start3A_274 : memref<80xi32, #tpu.memory_space<vmem>>) semaphore(%run_scoped3A_271 : memref<!tpu.dma_semaphore, #tpu.memory_space<semaphore_mem>>) {add = true}
        %dma_wait3A_278 = arith.constant 0 : i32
        %dma_wait3A_279 = tpu.memref_slice %arg7[%add3A_241, %dma_wait3A_278] : memref<125x80xi32, #tpu.memory_space<vmem>> -> memref<1x80xi32, #tpu.memory_space<vmem>>
        %dma_wait3A_280 = tpu.memref_squeeze %dma_wait3A_279 : memref<1x80xi32, #tpu.memory_space<vmem>> -> memref<80xi32, #tpu.memory_space<vmem>>
        %dma_wait3A_281 = arith.constant 0 : i32
        %dma_wait3A_282 = arith.constant 0 : i32
        %dma_wait3A_283 = tpu.memref_slice %arg17[%dma_wait3A_281, %dma_wait3A_282] : memref<10000x64xf32, #tpu.memory_space<vmem_shared>> -> memref<10000x64xf32, #tpu.memory_space<vmem_shared>>
        tpu.wait_indirect_dma semaphore(%run_scoped3A_271 : memref<!tpu.dma_semaphore, #tpu.memory_space<semaphore_mem>>) src(%arg14 : memref<80x64xf32, #tpu.memory_space<vmem>>) dst(%dma_wait3A_283 : memref<10000x64xf32, #tpu.memory_space<vmem_shared>>)
        tpu.yield
      }) : () -> ()
      %add3A_242 = arith.constant 8 : i32
      %add3A_243 = arith.addi %mul3A_120, %add3A_242 : i32
      %add3A_244 = arith.constant 6 : i32
      %add3A_245 = arith.addi %add3A_243, %add3A_244 : i32
      %lt3A_246 = arith.constant 125 : i32
      %lt3A_247 = arith.cmpi slt, %add3A_245, %lt3A_246 : i32
      %convert_element_type3A_248 = arith.extui %lt3A_247 : i1 to i32
      %cond3A_249 = arith.constant 0 : i32
      %cond3A_250 = arith.cmpi ne, %convert_element_type3A_248, %cond3A_249 : i32
      scf.if %cond3A_250 {
        %add3A_271 = arith.constant 8 : i32
        %add3A_272 = arith.addi %mul3A_120, %add3A_271 : i32
        %add3A_273 = arith.constant 6 : i32
        %add3A_274 = arith.addi %add3A_272, %add3A_273 : i32
        %dma_start3A_275 = arith.constant 0 : i32
        %dma_start3A_276 = tpu.memref_slice %arg6[%add3A_274, %dma_start3A_275] : memref<125x80xi32, #tpu.memory_space<vmem>> -> memref<1x80xi32, #tpu.memory_space<vmem>>
        %dma_start3A_277 = tpu.memref_squeeze %dma_start3A_276 : memref<1x80xi32, #tpu.memory_space<vmem>> -> memref<80xi32, #tpu.memory_space<vmem>>
        %dma_start3A_278 = arith.constant 0 : i32
        %dma_start3A_279 = arith.constant 0 : i32
        %dma_start3A_280 = tpu.memref_slice %arg2[%dma_start3A_278, %dma_start3A_279] : memref<10000x64xf32, #tpu.memory_space<hbm>> -> memref<10000x64xf32, #tpu.memory_space<hbm>>
        tpu.enqueue_indirect_dma source(%dma_start3A_280 : memref<10000x64xf32, #tpu.memory_space<hbm>>) target(%arg14 : memref<80x64xf32, #tpu.memory_space<vmem>>) offsets(%dma_start3A_277 : memref<80xi32, #tpu.memory_space<vmem>>) semaphore(%arg24 : memref<!tpu.dma_semaphore, #tpu.memory_space<semaphore_mem>>)
      } else {
      }
      %add3A_251 = arith.constant 7 : i32
      %add3A_252 = arith.addi %mul3A_120, %add3A_251 : i32
      %dma_wait3A_253 = arith.constant 0 : i32
      %dma_wait3A_254 = tpu.memref_slice %arg6[%add3A_252, %dma_wait3A_253] : memref<125x80xi32, #tpu.memory_space<vmem>> -> memref<1x80xi32, #tpu.memory_space<vmem>>
      %dma_wait3A_255 = tpu.memref_squeeze %dma_wait3A_254 : memref<1x80xi32, #tpu.memory_space<vmem>> -> memref<80xi32, #tpu.memory_space<vmem>>
      %dma_wait3A_256 = arith.constant 0 : i32
      %dma_wait3A_257 = arith.constant 0 : i32
      %dma_wait3A_258 = tpu.memref_slice %arg2[%dma_wait3A_256, %dma_wait3A_257] : memref<10000x64xf32, #tpu.memory_space<hbm>> -> memref<10000x64xf32, #tpu.memory_space<hbm>>
      tpu.wait_indirect_dma semaphore(%arg25 : memref<!tpu.dma_semaphore, #tpu.memory_space<semaphore_mem>>) src(%dma_wait3A_258 : memref<10000x64xf32, #tpu.memory_space<hbm>>) dst(%arg15 : memref<80x64xf32, #tpu.memory_space<vmem>>)
      %add3A_259 = arith.constant 7 : i32
      %add3A_260 = arith.addi %mul3A_120, %add3A_259 : i32
      "tpu.region"() ({
        %run_scoped3A_271 = tpu.sem_alloc : memref<!tpu.dma_semaphore, #tpu.memory_space<semaphore_mem>>
        %dma_start3A_272 = arith.constant 0 : i32
        %dma_start3A_273 = tpu.memref_slice %arg7[%add3A_260, %dma_start3A_272] : memref<125x80xi32, #tpu.memory_space<vmem>> -> memref<1x80xi32, #tpu.memory_space<vmem>>
        %dma_start3A_274 = tpu.memref_squeeze %dma_start3A_273 : memref<1x80xi32, #tpu.memory_space<vmem>> -> memref<80xi32, #tpu.memory_space<vmem>>
        %dma_start3A_275 = arith.constant 0 : i32
        %dma_start3A_276 = arith.constant 0 : i32
        %dma_start3A_277 = tpu.memref_slice %arg17[%dma_start3A_275, %dma_start3A_276] : memref<10000x64xf32, #tpu.memory_space<vmem_shared>> -> memref<10000x64xf32, #tpu.memory_space<vmem_shared>>
        tpu.enqueue_indirect_dma source(%arg15 : memref<80x64xf32, #tpu.memory_space<vmem>>) target(%dma_start3A_277 : memref<10000x64xf32, #tpu.memory_space<vmem_shared>>) offsets(%dma_start3A_274 : memref<80xi32, #tpu.memory_space<vmem>>) semaphore(%run_scoped3A_271 : memref<!tpu.dma_semaphore, #tpu.memory_space<semaphore_mem>>) {add = true}
        %dma_wait3A_278 = arith.constant 0 : i32
        %dma_wait3A_279 = tpu.memref_slice %arg7[%add3A_260, %dma_wait3A_278] : memref<125x80xi32, #tpu.memory_space<vmem>> -> memref<1x80xi32, #tpu.memory_space<vmem>>
        %dma_wait3A_280 = tpu.memref_squeeze %dma_wait3A_279 : memref<1x80xi32, #tpu.memory_space<vmem>> -> memref<80xi32, #tpu.memory_space<vmem>>
        %dma_wait3A_281 = arith.constant 0 : i32
        %dma_wait3A_282 = arith.constant 0 : i32
        %dma_wait3A_283 = tpu.memref_slice %arg17[%dma_wait3A_281, %dma_wait3A_282] : memref<10000x64xf32, #tpu.memory_space<vmem_shared>> -> memref<10000x64xf32, #tpu.memory_space<vmem_shared>>
        tpu.wait_indirect_dma semaphore(%run_scoped3A_271 : memref<!tpu.dma_semaphore, #tpu.memory_space<semaphore_mem>>) src(%arg15 : memref<80x64xf32, #tpu.memory_space<vmem>>) dst(%dma_wait3A_283 : memref<10000x64xf32, #tpu.memory_space<vmem_shared>>)
        tpu.yield
      }) : () -> ()
      %add3A_261 = arith.constant 8 : i32
      %add3A_262 = arith.addi %mul3A_120, %add3A_261 : i32
      %add3A_263 = arith.constant 7 : i32
      %add3A_264 = arith.addi %add3A_262, %add3A_263 : i32
      %lt3A_265 = arith.constant 125 : i32
      %lt3A_266 = arith.cmpi slt, %add3A_264, %lt3A_265 : i32
      %convert_element_type3A_267 = arith.extui %lt3A_266 : i1 to i32
      %cond3A_268 = arith.constant 0 : i32
      %cond3A_269 = arith.cmpi ne, %convert_element_type3A_267, %cond3A_268 : i32
      scf.if %cond3A_269 {
        %add3A_271 = arith.constant 8 : i32
        %add3A_272 = arith.addi %mul3A_120, %add3A_271 : i32
        %add3A_273 = arith.constant 7 : i32
        %add3A_274 = arith.addi %add3A_272, %add3A_273 : i32
        %dma_start3A_275 = arith.constant 0 : i32
        %dma_start3A_276 = tpu.memref_slice %arg6[%add3A_274, %dma_start3A_275] : memref<125x80xi32, #tpu.memory_space<vmem>> -> memref<1x80xi32, #tpu.memory_space<vmem>>
        %dma_start3A_277 = tpu.memref_squeeze %dma_start3A_276 : memref<1x80xi32, #tpu.memory_space<vmem>> -> memref<80xi32, #tpu.memory_space<vmem>>
        %dma_start3A_278 = arith.constant 0 : i32
        %dma_start3A_279 = arith.constant 0 : i32
        %dma_start3A_280 = tpu.memref_slice %arg2[%dma_start3A_278, %dma_start3A_279] : memref<10000x64xf32, #tpu.memory_space<hbm>> -> memref<10000x64xf32, #tpu.memory_space<hbm>>
        tpu.enqueue_indirect_dma source(%dma_start3A_280 : memref<10000x64xf32, #tpu.memory_space<hbm>>) target(%arg15 : memref<80x64xf32, #tpu.memory_space<vmem>>) offsets(%dma_start3A_277 : memref<80xi32, #tpu.memory_space<vmem>>) semaphore(%arg25 : memref<!tpu.dma_semaphore, #tpu.memory_space<semaphore_mem>>)
      } else {
      }
      %scan3A_270 = arith.constant 0 : i32
      scf.yield %scan3A_270 : i32
    }
    %scan3A_75 = arith.constant 15 : i32
    %dma_wait3A = arith.constant 120 : i32
    %dma_wait3A_76 = arith.constant 0 : i32
    %dma_wait3A_77 = tpu.memref_slice %arg6[%dma_wait3A, %dma_wait3A_76] : memref<125x80xi32, #tpu.memory_space<vmem>> -> memref<1x80xi32, #tpu.memory_space<vmem>>
    %dma_wait3A_78 = tpu.memref_squeeze %dma_wait3A_77 : memref<1x80xi32, #tpu.memory_space<vmem>> -> memref<80xi32, #tpu.memory_space<vmem>>
    %dma_wait3A_79 = arith.constant 0 : i32
    %dma_wait3A_80 = arith.constant 0 : i32
    %dma_wait3A_81 = tpu.memref_slice %arg2[%dma_wait3A_79, %dma_wait3A_80] : memref<10000x64xf32, #tpu.memory_space<hbm>> -> memref<10000x64xf32, #tpu.memory_space<hbm>>
    tpu.wait_indirect_dma semaphore(%arg18 : memref<!tpu.dma_semaphore, #tpu.memory_space<semaphore_mem>>) src(%dma_wait3A_81 : memref<10000x64xf32, #tpu.memory_space<hbm>>) dst(%arg8 : memref<80x64xf32, #tpu.memory_space<vmem>>)
    %run_scoped3A = arith.constant 120 : i32
    "tpu.region"() ({
      %run_scoped3A_117 = tpu.sem_alloc : memref<!tpu.dma_semaphore, #tpu.memory_space<semaphore_mem>>
      %dma_start3A_118 = arith.constant 0 : i32
      %dma_start3A_119 = tpu.memref_slice %arg7[%run_scoped3A, %dma_start3A_118] : memref<125x80xi32, #tpu.memory_space<vmem>> -> memref<1x80xi32, #tpu.memory_space<vmem>>
      %dma_start3A_120 = tpu.memref_squeeze %dma_start3A_119 : memref<1x80xi32, #tpu.memory_space<vmem>> -> memref<80xi32, #tpu.memory_space<vmem>>
      %dma_start3A_121 = arith.constant 0 : i32
      %dma_start3A_122 = arith.constant 0 : i32
      %dma_start3A_123 = tpu.memref_slice %arg17[%dma_start3A_121, %dma_start3A_122] : memref<10000x64xf32, #tpu.memory_space<vmem_shared>> -> memref<10000x64xf32, #tpu.memory_space<vmem_shared>>
      tpu.enqueue_indirect_dma source(%arg8 : memref<80x64xf32, #tpu.memory_space<vmem>>) target(%dma_start3A_123 : memref<10000x64xf32, #tpu.memory_space<vmem_shared>>) offsets(%dma_start3A_120 : memref<80xi32, #tpu.memory_space<vmem>>) semaphore(%run_scoped3A_117 : memref<!tpu.dma_semaphore, #tpu.memory_space<semaphore_mem>>) {add = true}
      %dma_wait3A_124 = arith.constant 0 : i32
      %dma_wait3A_125 = tpu.memref_slice %arg7[%run_scoped3A, %dma_wait3A_124] : memref<125x80xi32, #tpu.memory_space<vmem>> -> memref<1x80xi32, #tpu.memory_space<vmem>>
      %dma_wait3A_126 = tpu.memref_squeeze %dma_wait3A_125 : memref<1x80xi32, #tpu.memory_space<vmem>> -> memref<80xi32, #tpu.memory_space<vmem>>
      %dma_wait3A_127 = arith.constant 0 : i32
      %dma_wait3A_128 = arith.constant 0 : i32
      %dma_wait3A_129 = tpu.memref_slice %arg17[%dma_wait3A_127, %dma_wait3A_128] : memref<10000x64xf32, #tpu.memory_space<vmem_shared>> -> memref<10000x64xf32, #tpu.memory_space<vmem_shared>>
      tpu.wait_indirect_dma semaphore(%run_scoped3A_117 : memref<!tpu.dma_semaphore, #tpu.memory_space<semaphore_mem>>) src(%arg8 : memref<80x64xf32, #tpu.memory_space<vmem>>) dst(%dma_wait3A_129 : memref<10000x64xf32, #tpu.memory_space<vmem_shared>>)
      tpu.yield
    }) : () -> ()
    %dma_wait3A_82 = arith.constant 121 : i32
    %dma_wait3A_83 = arith.constant 0 : i32
    %dma_wait3A_84 = tpu.memref_slice %arg6[%dma_wait3A_82, %dma_wait3A_83] : memref<125x80xi32, #tpu.memory_space<vmem>> -> memref<1x80xi32, #tpu.memory_space<vmem>>
    %dma_wait3A_85 = tpu.memref_squeeze %dma_wait3A_84 : memref<1x80xi32, #tpu.memory_space<vmem>> -> memref<80xi32, #tpu.memory_space<vmem>>
    %dma_wait3A_86 = arith.constant 0 : i32
    %dma_wait3A_87 = arith.constant 0 : i32
    %dma_wait3A_88 = tpu.memref_slice %arg2[%dma_wait3A_86, %dma_wait3A_87] : memref<10000x64xf32, #tpu.memory_space<hbm>> -> memref<10000x64xf32, #tpu.memory_space<hbm>>
    tpu.wait_indirect_dma semaphore(%arg19 : memref<!tpu.dma_semaphore, #tpu.memory_space<semaphore_mem>>) src(%dma_wait3A_88 : memref<10000x64xf32, #tpu.memory_space<hbm>>) dst(%arg9 : memref<80x64xf32, #tpu.memory_space<vmem>>)
    %run_scoped3A_89 = arith.constant 121 : i32
    "tpu.region"() ({
      %run_scoped3A_117 = tpu.sem_alloc : memref<!tpu.dma_semaphore, #tpu.memory_space<semaphore_mem>>
      %dma_start3A_118 = arith.constant 0 : i32
      %dma_start3A_119 = tpu.memref_slice %arg7[%run_scoped3A_89, %dma_start3A_118] : memref<125x80xi32, #tpu.memory_space<vmem>> -> memref<1x80xi32, #tpu.memory_space<vmem>>
      %dma_start3A_120 = tpu.memref_squeeze %dma_start3A_119 : memref<1x80xi32, #tpu.memory_space<vmem>> -> memref<80xi32, #tpu.memory_space<vmem>>
      %dma_start3A_121 = arith.constant 0 : i32
      %dma_start3A_122 = arith.constant 0 : i32
      %dma_start3A_123 = tpu.memref_slice %arg17[%dma_start3A_121, %dma_start3A_122] : memref<10000x64xf32, #tpu.memory_space<vmem_shared>> -> memref<10000x64xf32, #tpu.memory_space<vmem_shared>>
      tpu.enqueue_indirect_dma source(%arg9 : memref<80x64xf32, #tpu.memory_space<vmem>>) target(%dma_start3A_123 : memref<10000x64xf32, #tpu.memory_space<vmem_shared>>) offsets(%dma_start3A_120 : memref<80xi32, #tpu.memory_space<vmem>>) semaphore(%run_scoped3A_117 : memref<!tpu.dma_semaphore, #tpu.memory_space<semaphore_mem>>) {add = true}
      %dma_wait3A_124 = arith.constant 0 : i32
      %dma_wait3A_125 = tpu.memref_slice %arg7[%run_scoped3A_89, %dma_wait3A_124] : memref<125x80xi32, #tpu.memory_space<vmem>> -> memref<1x80xi32, #tpu.memory_space<vmem>>
      %dma_wait3A_126 = tpu.memref_squeeze %dma_wait3A_125 : memref<1x80xi32, #tpu.memory_space<vmem>> -> memref<80xi32, #tpu.memory_space<vmem>>
      %dma_wait3A_127 = arith.constant 0 : i32
      %dma_wait3A_128 = arith.constant 0 : i32
      %dma_wait3A_129 = tpu.memref_slice %arg17[%dma_wait3A_127, %dma_wait3A_128] : memref<10000x64xf32, #tpu.memory_space<vmem_shared>> -> memref<10000x64xf32, #tpu.memory_space<vmem_shared>>
      tpu.wait_indirect_dma semaphore(%run_scoped3A_117 : memref<!tpu.dma_semaphore, #tpu.memory_space<semaphore_mem>>) src(%arg9 : memref<80x64xf32, #tpu.memory_space<vmem>>) dst(%dma_wait3A_129 : memref<10000x64xf32, #tpu.memory_space<vmem_shared>>)
      tpu.yield
    }) : () -> ()
    %dma_wait3A_90 = arith.constant 122 : i32
    %dma_wait3A_91 = arith.constant 0 : i32
    %dma_wait3A_92 = tpu.memref_slice %arg6[%dma_wait3A_90, %dma_wait3A_91] : memref<125x80xi32, #tpu.memory_space<vmem>> -> memref<1x80xi32, #tpu.memory_space<vmem>>
    %dma_wait3A_93 = tpu.memref_squeeze %dma_wait3A_92 : memref<1x80xi32, #tpu.memory_space<vmem>> -> memref<80xi32, #tpu.memory_space<vmem>>
    %dma_wait3A_94 = arith.constant 0 : i32
    %dma_wait3A_95 = arith.constant 0 : i32
    %dma_wait3A_96 = tpu.memref_slice %arg2[%dma_wait3A_94, %dma_wait3A_95] : memref<10000x64xf32, #tpu.memory_space<hbm>> -> memref<10000x64xf32, #tpu.memory_space<hbm>>
    tpu.wait_indirect_dma semaphore(%arg20 : memref<!tpu.dma_semaphore, #tpu.memory_space<semaphore_mem>>) src(%dma_wait3A_96 : memref<10000x64xf32, #tpu.memory_space<hbm>>) dst(%arg10 : memref<80x64xf32, #tpu.memory_space<vmem>>)
    %run_scoped3A_97 = arith.constant 122 : i32
    "tpu.region"() ({
      %run_scoped3A_117 = tpu.sem_alloc : memref<!tpu.dma_semaphore, #tpu.memory_space<semaphore_mem>>
      %dma_start3A_118 = arith.constant 0 : i32
      %dma_start3A_119 = tpu.memref_slice %arg7[%run_scoped3A_97, %dma_start3A_118] : memref<125x80xi32, #tpu.memory_space<vmem>> -> memref<1x80xi32, #tpu.memory_space<vmem>>
      %dma_start3A_120 = tpu.memref_squeeze %dma_start3A_119 : memref<1x80xi32, #tpu.memory_space<vmem>> -> memref<80xi32, #tpu.memory_space<vmem>>
      %dma_start3A_121 = arith.constant 0 : i32
      %dma_start3A_122 = arith.constant 0 : i32
      %dma_start3A_123 = tpu.memref_slice %arg17[%dma_start3A_121, %dma_start3A_122] : memref<10000x64xf32, #tpu.memory_space<vmem_shared>> -> memref<10000x64xf32, #tpu.memory_space<vmem_shared>>
      tpu.enqueue_indirect_dma source(%arg10 : memref<80x64xf32, #tpu.memory_space<vmem>>) target(%dma_start3A_123 : memref<10000x64xf32, #tpu.memory_space<vmem_shared>>) offsets(%dma_start3A_120 : memref<80xi32, #tpu.memory_space<vmem>>) semaphore(%run_scoped3A_117 : memref<!tpu.dma_semaphore, #tpu.memory_space<semaphore_mem>>) {add = true}
      %dma_wait3A_124 = arith.constant 0 : i32
      %dma_wait3A_125 = tpu.memref_slice %arg7[%run_scoped3A_97, %dma_wait3A_124] : memref<125x80xi32, #tpu.memory_space<vmem>> -> memref<1x80xi32, #tpu.memory_space<vmem>>
      %dma_wait3A_126 = tpu.memref_squeeze %dma_wait3A_125 : memref<1x80xi32, #tpu.memory_space<vmem>> -> memref<80xi32, #tpu.memory_space<vmem>>
      %dma_wait3A_127 = arith.constant 0 : i32
      %dma_wait3A_128 = arith.constant 0 : i32
      %dma_wait3A_129 = tpu.memref_slice %arg17[%dma_wait3A_127, %dma_wait3A_128] : memref<10000x64xf32, #tpu.memory_space<vmem_shared>> -> memref<10000x64xf32, #tpu.memory_space<vmem_shared>>
      tpu.wait_indirect_dma semaphore(%run_scoped3A_117 : memref<!tpu.dma_semaphore, #tpu.memory_space<semaphore_mem>>) src(%arg10 : memref<80x64xf32, #tpu.memory_space<vmem>>) dst(%dma_wait3A_129 : memref<10000x64xf32, #tpu.memory_space<vmem_shared>>)
      tpu.yield
    }) : () -> ()
    %dma_wait3A_98 = arith.constant 123 : i32
    %dma_wait3A_99 = arith.constant 0 : i32
    %dma_wait3A_100 = tpu.memref_slice %arg6[%dma_wait3A_98, %dma_wait3A_99] : memref<125x80xi32, #tpu.memory_space<vmem>> -> memref<1x80xi32, #tpu.memory_space<vmem>>
    %dma_wait3A_101 = tpu.memref_squeeze %dma_wait3A_100 : memref<1x80xi32, #tpu.memory_space<vmem>> -> memref<80xi32, #tpu.memory_space<vmem>>
    %dma_wait3A_102 = arith.constant 0 : i32
    %dma_wait3A_103 = arith.constant 0 : i32
    %dma_wait3A_104 = tpu.memref_slice %arg2[%dma_wait3A_102, %dma_wait3A_103] : memref<10000x64xf32, #tpu.memory_space<hbm>> -> memref<10000x64xf32, #tpu.memory_space<hbm>>
    tpu.wait_indirect_dma semaphore(%arg21 : memref<!tpu.dma_semaphore, #tpu.memory_space<semaphore_mem>>) src(%dma_wait3A_104 : memref<10000x64xf32, #tpu.memory_space<hbm>>) dst(%arg11 : memref<80x64xf32, #tpu.memory_space<vmem>>)
    %run_scoped3A_105 = arith.constant 123 : i32
    "tpu.region"() ({
      %run_scoped3A_117 = tpu.sem_alloc : memref<!tpu.dma_semaphore, #tpu.memory_space<semaphore_mem>>
      %dma_start3A_118 = arith.constant 0 : i32
      %dma_start3A_119 = tpu.memref_slice %arg7[%run_scoped3A_105, %dma_start3A_118] : memref<125x80xi32, #tpu.memory_space<vmem>> -> memref<1x80xi32, #tpu.memory_space<vmem>>
      %dma_start3A_120 = tpu.memref_squeeze %dma_start3A_119 : memref<1x80xi32, #tpu.memory_space<vmem>> -> memref<80xi32, #tpu.memory_space<vmem>>
      %dma_start3A_121 = arith.constant 0 : i32
      %dma_start3A_122 = arith.constant 0 : i32
      %dma_start3A_123 = tpu.memref_slice %arg17[%dma_start3A_121, %dma_start3A_122] : memref<10000x64xf32, #tpu.memory_space<vmem_shared>> -> memref<10000x64xf32, #tpu.memory_space<vmem_shared>>
      tpu.enqueue_indirect_dma source(%arg11 : memref<80x64xf32, #tpu.memory_space<vmem>>) target(%dma_start3A_123 : memref<10000x64xf32, #tpu.memory_space<vmem_shared>>) offsets(%dma_start3A_120 : memref<80xi32, #tpu.memory_space<vmem>>) semaphore(%run_scoped3A_117 : memref<!tpu.dma_semaphore, #tpu.memory_space<semaphore_mem>>) {add = true}
      %dma_wait3A_124 = arith.constant 0 : i32
      %dma_wait3A_125 = tpu.memref_slice %arg7[%run_scoped3A_105, %dma_wait3A_124] : memref<125x80xi32, #tpu.memory_space<vmem>> -> memref<1x80xi32, #tpu.memory_space<vmem>>
      %dma_wait3A_126 = tpu.memref_squeeze %dma_wait3A_125 : memref<1x80xi32, #tpu.memory_space<vmem>> -> memref<80xi32, #tpu.memory_space<vmem>>
      %dma_wait3A_127 = arith.constant 0 : i32
      %dma_wait3A_128 = arith.constant 0 : i32
      %dma_wait3A_129 = tpu.memref_slice %arg17[%dma_wait3A_127, %dma_wait3A_128] : memref<10000x64xf32, #tpu.memory_space<vmem_shared>> -> memref<10000x64xf32, #tpu.memory_space<vmem_shared>>
      tpu.wait_indirect_dma semaphore(%run_scoped3A_117 : memref<!tpu.dma_semaphore, #tpu.memory_space<semaphore_mem>>) src(%arg11 : memref<80x64xf32, #tpu.memory_space<vmem>>) dst(%dma_wait3A_129 : memref<10000x64xf32, #tpu.memory_space<vmem_shared>>)
      tpu.yield
    }) : () -> ()
    %dma_wait3A_106 = arith.constant 124 : i32
    %dma_wait3A_107 = arith.constant 0 : i32
    %dma_wait3A_108 = tpu.memref_slice %arg6[%dma_wait3A_106, %dma_wait3A_107] : memref<125x80xi32, #tpu.memory_space<vmem>> -> memref<1x80xi32, #tpu.memory_space<vmem>>
    %dma_wait3A_109 = tpu.memref_squeeze %dma_wait3A_108 : memref<1x80xi32, #tpu.memory_space<vmem>> -> memref<80xi32, #tpu.memory_space<vmem>>
    %dma_wait3A_110 = arith.constant 0 : i32
    %dma_wait3A_111 = arith.constant 0 : i32
    %dma_wait3A_112 = tpu.memref_slice %arg2[%dma_wait3A_110, %dma_wait3A_111] : memref<10000x64xf32, #tpu.memory_space<hbm>> -> memref<10000x64xf32, #tpu.memory_space<hbm>>
    tpu.wait_indirect_dma semaphore(%arg22 : memref<!tpu.dma_semaphore, #tpu.memory_space<semaphore_mem>>) src(%dma_wait3A_112 : memref<10000x64xf32, #tpu.memory_space<hbm>>) dst(%arg12 : memref<80x64xf32, #tpu.memory_space<vmem>>)
    %run_scoped3A_113 = arith.constant 124 : i32
    "tpu.region"() ({
      %run_scoped3A_117 = tpu.sem_alloc : memref<!tpu.dma_semaphore, #tpu.memory_space<semaphore_mem>>
      %dma_start3A_118 = arith.constant 0 : i32
      %dma_start3A_119 = tpu.memref_slice %arg7[%run_scoped3A_113, %dma_start3A_118] : memref<125x80xi32, #tpu.memory_space<vmem>> -> memref<1x80xi32, #tpu.memory_space<vmem>>
      %dma_start3A_120 = tpu.memref_squeeze %dma_start3A_119 : memref<1x80xi32, #tpu.memory_space<vmem>> -> memref<80xi32, #tpu.memory_space<vmem>>
      %dma_start3A_121 = arith.constant 0 : i32
      %dma_start3A_122 = arith.constant 0 : i32
      %dma_start3A_123 = tpu.memref_slice %arg17[%dma_start3A_121, %dma_start3A_122] : memref<10000x64xf32, #tpu.memory_space<vmem_shared>> -> memref<10000x64xf32, #tpu.memory_space<vmem_shared>>
      tpu.enqueue_indirect_dma source(%arg12 : memref<80x64xf32, #tpu.memory_space<vmem>>) target(%dma_start3A_123 : memref<10000x64xf32, #tpu.memory_space<vmem_shared>>) offsets(%dma_start3A_120 : memref<80xi32, #tpu.memory_space<vmem>>) semaphore(%run_scoped3A_117 : memref<!tpu.dma_semaphore, #tpu.memory_space<semaphore_mem>>) {add = true}
      %dma_wait3A_124 = arith.constant 0 : i32
      %dma_wait3A_125 = tpu.memref_slice %arg7[%run_scoped3A_113, %dma_wait3A_124] : memref<125x80xi32, #tpu.memory_space<vmem>> -> memref<1x80xi32, #tpu.memory_space<vmem>>
      %dma_wait3A_126 = tpu.memref_squeeze %dma_wait3A_125 : memref<1x80xi32, #tpu.memory_space<vmem>> -> memref<80xi32, #tpu.memory_space<vmem>>
      %dma_wait3A_127 = arith.constant 0 : i32
      %dma_wait3A_128 = arith.constant 0 : i32
      %dma_wait3A_129 = tpu.memref_slice %arg17[%dma_wait3A_127, %dma_wait3A_128] : memref<10000x64xf32, #tpu.memory_space<vmem_shared>> -> memref<10000x64xf32, #tpu.memory_space<vmem_shared>>
      tpu.wait_indirect_dma semaphore(%run_scoped3A_117 : memref<!tpu.dma_semaphore, #tpu.memory_space<semaphore_mem>>) src(%arg12 : memref<80x64xf32, #tpu.memory_space<vmem>>) dst(%dma_wait3A_129 : memref<10000x64xf32, #tpu.memory_space<vmem_shared>>)
      tpu.yield
    }) : () -> ()
    %barrier3A_114 = arith.constant 0 : index
    tpu.barrier barrier_id(%barrier3A_114)
    %mul3A_115 = arith.constant 625 : i32
    %mul3A_116 = arith.muli %arg1, %mul3A_115 : i32
    "tpu.region"() ({
      %run_scoped3A_117 = tpu.sem_alloc : memref<!tpu.dma_semaphore, #tpu.memory_space<semaphore_mem>>
      %dma_start3A_118 = arith.constant 0 : i32
      %dma_start3A_119 = arith.constant 0 : i32
      %dma_start3A_120 = tpu.memref_slice %arg5[%arg0, %arg1, %dma_start3A_118, %dma_start3A_119] : memref<2x16x625x64xf32, #tpu.memory_space<hbm>> -> memref<1x1x625x64xf32, #tpu.memory_space<hbm>>
      %dma_start3A_121 = tpu.memref_squeeze %dma_start3A_120 : memref<1x1x625x64xf32, #tpu.memory_space<hbm>> -> memref<625x64xf32, #tpu.memory_space<hbm>>
      %dma_start3A_122 = arith.constant 0 : i32
      %dma_start3A_123 = tpu.memref_slice %arg17[%mul3A_116, %dma_start3A_122] : memref<10000x64xf32, #tpu.memory_space<vmem_shared>> -> memref<625x64xf32, #tpu.memory_space<vmem_shared>>
      tpu.enqueue_dma source(%dma_start3A_123 : memref<625x64xf32, #tpu.memory_space<vmem_shared>>) target(%dma_start3A_121 : memref<625x64xf32, #tpu.memory_space<hbm>>) target_semaphore(%run_scoped3A_117 : memref<!tpu.dma_semaphore, #tpu.memory_space<semaphore_mem>>)
      %dma_wait3A_124 = arith.constant 0 : i32
      %dma_wait3A_125 = arith.constant 0 : i32
      %dma_wait3A_126 = tpu.memref_slice %arg5[%arg0, %arg1, %dma_wait3A_124, %dma_wait3A_125] : memref<2x16x625x64xf32, #tpu.memory_space<hbm>> -> memref<1x1x625x64xf32, #tpu.memory_space<hbm>>
      %dma_wait3A_127 = tpu.memref_squeeze %dma_wait3A_126 : memref<1x1x625x64xf32, #tpu.memory_space<hbm>> -> memref<625x64xf32, #tpu.memory_space<hbm>>
      %dma_wait3A_128 = arith.constant 0 : i32
      %dma_wait3A_129 = tpu.memref_slice %arg17[%mul3A_116, %dma_wait3A_128] : memref<10000x64xf32, #tpu.memory_space<vmem_shared>> -> memref<625x64xf32, #tpu.memory_space<vmem_shared>>
      tpu.wait_dma2 semaphore(%run_scoped3A_117 : memref<!tpu.dma_semaphore, #tpu.memory_space<semaphore_mem>>) src(%dma_wait3A_129 : memref<625x64xf32, #tpu.memory_space<vmem_shared>>) dst(%dma_wait3A_127 : memref<625x64xf32, #tpu.memory_space<hbm>>)
      tpu.yield
    }) : () -> ()
    return
  }
}

module attributes {stable_mosaic.version = 14 : i64} {
  func.func @_tca_body(%arg0: memref<2x10240x1xf32, #tpu.memory_space<vmem>>, %arg1: memref<10000x128xf32, #tpu.memory_space<vmem>>, %arg2: memref<128x64xf32, #tpu.memory_space<vmem>>, %arg3: memref<10240x1xf32, #tpu.memory_space<vmem>>, %arg4: memref<10000x64xf32, #tpu.memory_space<vmem>>) attributes {dimension_semantics = [], scalar_prefetch = 0 : i64, scratch_operands = 0 : i64, tpu.core_type = #tpu.core_type<tc>} {
    %get3A = arith.constant 0 : index
    %get3A_0 = arith.constant 0 : index
    %get3A_1 = arith.constant 0 : index
    %get3A_2 = vector.load %arg0[%get3A, %get3A_0, %get3A_1] : memref<2x10240x1xf32, #tpu.memory_space<vmem>>, vector<1x10240x1xf32>
    %get3A_3 = vector.shape_cast %get3A_2 : vector<1x10240x1xf32> to vector<10240x1xf32>
    %get3A_4 = arith.constant 1 : index
    %get3A_5 = arith.constant 0 : index
    %get3A_6 = arith.constant 0 : index
    %get3A_7 = vector.load %arg0[%get3A_4, %get3A_5, %get3A_6] : memref<2x10240x1xf32, #tpu.memory_space<vmem>>, vector<1x10240x1xf32>
    %get3A_8 = vector.shape_cast %get3A_7 : vector<1x10240x1xf32> to vector<10240x1xf32>
    %add3A = arith.addf %get3A_3, %get3A_8 : vector<10240x1xf32>
    %add3A_9 = arith.constant 1.000000e+00 : f32
    %add3A_10 = vector.broadcast %add3A_9 : f32 to vector<10240x1xf32>
    %add3A_11 = arith.addf %add3A, %add3A_10 : vector<10240x1xf32>
    %max3A = arith.constant 1.000000e+00 : f32
    %max3A_12 = vector.broadcast %max3A : f32 to vector<10240x1xf32>
    %max3A_13 = arith.maximumf %add3A_11, %max3A_12 : vector<10240x1xf32>
    %rsqrt3A = math.rsqrt %max3A_13 : vector<10240x1xf32>
    %swap3A = arith.constant 0 : index
    %swap3A_14 = arith.constant 0 : index
    %swap3A_15 = vector.load %arg3[%swap3A, %swap3A_14] : memref<10240x1xf32, #tpu.memory_space<vmem>>, vector<10240x1xf32>
    tpu.vector_store %arg3[%swap3A, %swap3A_14], %rsqrt3A {strides = array<i32>} : memref<10240x1xf32, #tpu.memory_space<vmem>>, vector<10240x1xf32>,
    %get3A_16 = arith.constant 0 : index
    %get3A_17 = arith.constant 0 : index
    %get3A_18 = vector.load %arg1[%get3A_16, %get3A_17] : memref<10000x128xf32, #tpu.memory_space<vmem>>, vector<10000x128xf32>
    %get3A_19 = arith.constant 0 : index
    %get3A_20 = arith.constant 0 : index
    %get3A_21 = vector.load %arg2[%get3A_19, %get3A_20] : memref<128x64xf32, #tpu.memory_space<vmem>>, vector<128x64xf32>
    %dot_general3A = arith.constant dense<0.000000e+00> : vector<10000x64xf32>
    %dot_general3A_22 = tpu.matmul %get3A_18, %get3A_21, %dot_general3A {dimension_numbers = #tpu.dot_dimension_numbers<[1], [0], [0], [1], [0, 0, 1, 1], [], []>, transpose_lhs_hint = false} : vector<10000x128xf32>, vector<128x64xf32>, vector<10000x64xf32> -> vector<10000x64xf32>
    %slice3A = vector.extract_strided_slice %rsqrt3A {offsets = [0, 0], sizes = [10000, 1], strides = [1, 1]} : vector<10240x1xf32> to vector<10000x1xf32>
    %mul3A = vector.broadcast %slice3A : vector<10000x1xf32> to vector<10000x64xf32>
    %mul3A_23 = arith.mulf %mul3A, %dot_general3A_22 : vector<10000x64xf32>
    %swap3A_24 = arith.constant 0 : index
    %swap3A_25 = arith.constant 0 : index
    %swap3A_26 = vector.load %arg4[%swap3A_24, %swap3A_25] : memref<10000x64xf32, #tpu.memory_space<vmem>>, vector<10000x64xf32>
    tpu.vector_store %arg4[%swap3A_24, %swap3A_25], %mul3A_23 {strides = array<i32>} : memref<10000x64xf32, #tpu.memory_space<vmem>>, vector<10000x64xf32>,
    return
  }
}

module attributes {stable_mosaic.version = 14 : i64} {
  func.func @_tcb_body(%arg0: memref<2x10000x64xf32, #tpu.memory_space<vmem>>, %arg1: memref<10000x64xf32, #tpu.memory_space<vmem>>, %arg2: memref<10240x1xf32, #tpu.memory_space<vmem>>, %arg3: memref<1x64xf32, #tpu.memory_space<vmem>>, %arg4: memref<10000x64xf32, #tpu.memory_space<vmem>>) attributes {dimension_semantics = [], scalar_prefetch = 0 : i64, scratch_operands = 0 : i64, tpu.core_type = #tpu.core_type<tc>} {
    %get3A = arith.constant 0 : index
    %get3A_0 = arith.constant 0 : index
    %get3A_1 = vector.load %arg2[%get3A, %get3A_0] : memref<10240x1xf32, #tpu.memory_space<vmem>>, vector<10240x1xf32>
    %slice3A = vector.extract_strided_slice %get3A_1 {offsets = [0, 0], sizes = [10000, 1], strides = [1, 1]} : vector<10240x1xf32> to vector<10000x1xf32>
    %get3A_2 = arith.constant 0 : index
    %get3A_3 = arith.constant 0 : index
    %get3A_4 = arith.constant 0 : index
    %get3A_5 = vector.load %arg0[%get3A_2, %get3A_3, %get3A_4] : memref<2x10000x64xf32, #tpu.memory_space<vmem>>, vector<1x10000x64xf32>
    %get3A_6 = vector.shape_cast %get3A_5 : vector<1x10000x64xf32> to vector<10000x64xf32>
    %get3A_7 = arith.constant 1 : index
    %get3A_8 = arith.constant 0 : index
    %get3A_9 = arith.constant 0 : index
    %get3A_10 = vector.load %arg0[%get3A_7, %get3A_8, %get3A_9] : memref<2x10000x64xf32, #tpu.memory_space<vmem>>, vector<1x10000x64xf32>
    %get3A_11 = vector.shape_cast %get3A_10 : vector<1x10000x64xf32> to vector<10000x64xf32>
    %add3A = arith.addf %get3A_6, %get3A_11 : vector<10000x64xf32>
    %get3A_12 = arith.constant 0 : index
    %get3A_13 = arith.constant 0 : index
    %get3A_14 = vector.load %arg1[%get3A_12, %get3A_13] : memref<10000x64xf32, #tpu.memory_space<vmem>>, vector<10000x64xf32>
    %add3A_15 = arith.addf %add3A, %get3A_14 : vector<10000x64xf32>
    %mul3A = vector.broadcast %slice3A : vector<10000x1xf32> to vector<10000x64xf32>
    %mul3A_16 = arith.mulf %mul3A, %add3A_15 : vector<10000x64xf32>
    %get3A_17 = arith.constant 0 : index
    %get3A_18 = arith.constant 0 : index
    %get3A_19 = vector.load %arg3[%get3A_17, %get3A_18] : memref<1x64xf32, #tpu.memory_space<vmem>>, vector<1x64xf32>
    %add3A_20 = vector.broadcast %get3A_19 : vector<1x64xf32> to vector<10000x64xf32>
    %add3A_21 = arith.addf %mul3A_16, %add3A_20 : vector<10000x64xf32>
    %max3A = arith.constant 0.000000e+00 : f32
    %max3A_22 = vector.broadcast %max3A : f32 to vector<10000x64xf32>
    %max3A_23 = arith.maximumf %add3A_21, %max3A_22 : vector<10000x64xf32>
    %mul3A_24 = vector.broadcast %slice3A : vector<10000x1xf32> to vector<10000x64xf32>
    %mul3A_25 = arith.mulf %mul3A_24, %max3A_23 : vector<10000x64xf32>
    %swap3A = arith.constant 0 : index
    %swap3A_26 = arith.constant 0 : index
    %swap3A_27 = vector.load %arg4[%swap3A, %swap3A_26] : memref<10000x64xf32, #tpu.memory_space<vmem>>, vector<10000x64xf32>
    tpu.vector_store %arg4[%swap3A, %swap3A_26], %mul3A_25 {strides = array<i32>} : memref<10000x64xf32, #tpu.memory_space<vmem>>, vector<10000x64xf32>,
    return
  }
}

module attributes {stable_mosaic.version = 14 : i64} {
  func.func @_tcc_body(%arg0: memref<2x10000x64xf32, #tpu.memory_space<vmem>>, %arg1: memref<10000x64xf32, #tpu.memory_space<vmem>>, %arg2: memref<10240x1xf32, #tpu.memory_space<vmem>>, %arg3: memref<64x128xf32, #tpu.memory_space<vmem>>, %arg4: memref<1x128xf32, #tpu.memory_space<vmem>>, %arg5: memref<10000x1xi32, #tpu.memory_space<vmem>>, %arg6: memref<128x64xf32, #tpu.memory_space<vmem>>, %arg7: memref<1x64xf32, #tpu.memory_space<vmem>>, %arg8: memref<64x10xf32, #tpu.memory_space<vmem>>, %arg9: memref<1x10xf32, #tpu.memory_space<vmem>>, %arg10: memref<32x10xf32, #tpu.memory_space<vmem>>) attributes {dimension_semantics = [], scalar_prefetch = 0 : i64, scratch_operands = 0 : i64, tpu.core_type = #tpu.core_type<tc>} {
    %get3A = arith.constant 0 : index
    %get3A_0 = arith.constant 0 : index
    %get3A_1 = arith.constant 0 : index
    %get3A_2 = vector.load %arg0[%get3A, %get3A_0, %get3A_1] : memref<2x10000x64xf32, #tpu.memory_space<vmem>>, vector<1x10000x64xf32>
    %get3A_3 = vector.shape_cast %get3A_2 : vector<1x10000x64xf32> to vector<10000x64xf32>
    %get3A_4 = arith.constant 1 : index
    %get3A_5 = arith.constant 0 : index
    %get3A_6 = arith.constant 0 : index
    %get3A_7 = vector.load %arg0[%get3A_4, %get3A_5, %get3A_6] : memref<2x10000x64xf32, #tpu.memory_space<vmem>>, vector<1x10000x64xf32>
    %get3A_8 = vector.shape_cast %get3A_7 : vector<1x10000x64xf32> to vector<10000x64xf32>
    %add3A = arith.addf %get3A_3, %get3A_8 : vector<10000x64xf32>
    %get3A_9 = arith.constant 0 : index
    %get3A_10 = arith.constant 0 : index
    %get3A_11 = vector.load %arg1[%get3A_9, %get3A_10] : memref<10000x64xf32, #tpu.memory_space<vmem>>, vector<10000x64xf32>
    %add3A_12 = arith.addf %add3A, %get3A_11 : vector<10000x64xf32>
    %get3A_13 = arith.constant 0 : index
    %get3A_14 = arith.constant 0 : index
    %get3A_15 = vector.load %arg3[%get3A_13, %get3A_14] : memref<64x128xf32, #tpu.memory_space<vmem>>, vector<64x128xf32>
    %dot_general3A = arith.constant dense<0.000000e+00> : vector<10000x128xf32>
    %dot_general3A_16 = tpu.matmul %add3A_12, %get3A_15, %dot_general3A {dimension_numbers = #tpu.dot_dimension_numbers<[1], [0], [0], [1], [0, 0, 1, 1], [], []>, transpose_lhs_hint = false} : vector<10000x64xf32>, vector<64x128xf32>, vector<10000x128xf32> -> vector<10000x128xf32>
    %get3A_17 = arith.constant 0 : index
    %get3A_18 = arith.constant 0 : index
    %get3A_19 = vector.load %arg2[%get3A_17, %get3A_18] : memref<10240x1xf32, #tpu.memory_space<vmem>>, vector<10240x1xf32>
    %slice3A = vector.extract_strided_slice %get3A_19 {offsets = [0, 0], sizes = [10000, 1], strides = [1, 1]} : vector<10240x1xf32> to vector<10000x1xf32>
    %mul3A = vector.broadcast %slice3A : vector<10000x1xf32> to vector<10000x128xf32>
    %mul3A_20 = arith.mulf %mul3A, %dot_general3A_16 : vector<10000x128xf32>
    %get3A_21 = arith.constant 0 : index
    %get3A_22 = arith.constant 0 : index
    %get3A_23 = vector.load %arg4[%get3A_21, %get3A_22] : memref<1x128xf32, #tpu.memory_space<vmem>>, vector<1x128xf32>
    %add3A_24 = vector.broadcast %get3A_23 : vector<1x128xf32> to vector<10000x128xf32>
    %add3A_25 = arith.addf %mul3A_20, %add3A_24 : vector<10000x128xf32>
    %max3A = arith.constant 0.000000e+00 : f32
    %max3A_26 = vector.broadcast %max3A : f32 to vector<10000x128xf32>
    %max3A_27 = arith.maximumf %add3A_25, %max3A_26 : vector<10000x128xf32>
    %get3A_28 = arith.constant 0 : index
    %get3A_29 = arith.constant 0 : index
    %get3A_30 = vector.load %arg5[%get3A_28, %get3A_29] : memref<10000x1xi32, #tpu.memory_space<vmem>>, vector<10000x1xi32>
    %iota3A = tpu.iota {dimensions = array<i32: 1>} : vector<10000x32xi32>
    %eq3A = vector.broadcast %get3A_30 : vector<10000x1xi32> to vector<10000x32xi32>
    %eq3A_31 = arith.cmpi eq, %eq3A, %iota3A : vector<10000x32xi32>
    %convert_element_type3A = arith.extui %eq3A_31 : vector<10000x32xi1> to vector<10000x32xi32>
    %convert_element_type3A_32 = arith.sitofp %convert_element_type3A : vector<10000x32xi32> to vector<10000x32xf32>
    %dot_general3A_33 = arith.constant dense<0.000000e+00> : vector<32x128xf32>
    %dot_general3A_34 = tpu.matmul %convert_element_type3A_32, %max3A_27, %dot_general3A_33 {dimension_numbers = #tpu.dot_dimension_numbers<[0], [0], [1], [1], [0, 1, 1, 1], [], []>, transpose_lhs_hint = false} : vector<10000x32xf32>, vector<10000x128xf32>, vector<32x128xf32> -> vector<32x128xf32>
    %broadcast_in_dim3A = arith.constant 1.000000e+00 : f32
    %broadcast_in_dim3A_35 = vector.broadcast %broadcast_in_dim3A : f32 to vector<10000x1xf32>
    %dot_general3A_36 = arith.constant dense<0.000000e+00> : vector<32x1xf32>
    %dot_general3A_37 = tpu.matmul %convert_element_type3A_32, %broadcast_in_dim3A_35, %dot_general3A_36 {dimension_numbers = #tpu.dot_dimension_numbers<[0], [0], [1], [1], [0, 1, 1, 1], [], []>, transpose_lhs_hint = false} : vector<10000x32xf32>, vector<10000x1xf32>, vector<32x1xf32> -> vector<32x1xf32>
    %max3A_38 = arith.constant 1.000000e+00 : f32
    %max3A_39 = vector.broadcast %max3A_38 : f32 to vector<32x1xf32>
    %max3A_40 = arith.maximumf %dot_general3A_37, %max3A_39 : vector<32x1xf32>
    %div3A = vector.broadcast %max3A_40 : vector<32x1xf32> to vector<32x128xf32>
    %div3A_41 = arith.divf %dot_general3A_34, %div3A : vector<32x128xf32>
    %get3A_42 = arith.constant 0 : index
    %get3A_43 = arith.constant 0 : index
    %get3A_44 = vector.load %arg6[%get3A_42, %get3A_43] : memref<128x64xf32, #tpu.memory_space<vmem>>, vector<128x64xf32>
    %dot_general3A_45 = arith.constant dense<0.000000e+00> : vector<32x64xf32>
    %dot_general3A_46 = tpu.matmul %div3A_41, %get3A_44, %dot_general3A_45 {dimension_numbers = #tpu.dot_dimension_numbers<[1], [0], [0], [1], [0, 0, 1, 1], [], []>, transpose_lhs_hint = false} : vector<32x128xf32>, vector<128x64xf32>, vector<32x64xf32> -> vector<32x64xf32>
    %get3A_47 = arith.constant 0 : index
    %get3A_48 = arith.constant 0 : index
    %get3A_49 = vector.load %arg7[%get3A_47, %get3A_48] : memref<1x64xf32, #tpu.memory_space<vmem>>, vector<1x64xf32>
    %add3A_50 = vector.broadcast %get3A_49 : vector<1x64xf32> to vector<32x64xf32>
    %add3A_51 = arith.addf %dot_general3A_46, %add3A_50 : vector<32x64xf32>
    %max3A_52 = arith.constant 0.000000e+00 : f32
    %max3A_53 = vector.broadcast %max3A_52 : f32 to vector<32x64xf32>
    %max3A_54 = arith.maximumf %add3A_51, %max3A_53 : vector<32x64xf32>
    %get3A_55 = arith.constant 0 : index
    %get3A_56 = arith.constant 0 : index
    %get3A_57 = vector.load %arg8[%get3A_55, %get3A_56] : memref<64x10xf32, #tpu.memory_space<vmem>>, vector<64x10xf32>
    %dot_general3A_58 = arith.constant dense<0.000000e+00> : vector<32x10xf32>
    %dot_general3A_59 = tpu.matmul %max3A_54, %get3A_57, %dot_general3A_58 {dimension_numbers = #tpu.dot_dimension_numbers<[1], [0], [0], [1], [0, 0, 1, 1], [], []>, transpose_lhs_hint = false} : vector<32x64xf32>, vector<64x10xf32>, vector<32x10xf32> -> vector<32x10xf32>
    %get3A_60 = arith.constant 0 : index
    %get3A_61 = arith.constant 0 : index
    %get3A_62 = vector.load %arg9[%get3A_60, %get3A_61] : memref<1x10xf32, #tpu.memory_space<vmem>>, vector<1x10xf32>
    %add3A_63 = vector.broadcast %get3A_62 : vector<1x10xf32> to vector<32x10xf32>
    %add3A_64 = arith.addf %dot_general3A_59, %add3A_63 : vector<32x10xf32>
    %swap3A = arith.constant 0 : index
    %swap3A_65 = arith.constant 0 : index
    %swap3A_66 = vector.load %arg10[%swap3A, %swap3A_65] : memref<32x10xf32, #tpu.memory_space<vmem>>, vector<32x10xf32>
    tpu.vector_store %arg10[%swap3A, %swap3A_65], %add3A_64 {strides = array<i32>} : memref<32x10xf32, #tpu.memory_space<vmem>>, vector<32x10xf32>,
    return
  }
}

</mosaic_0001>

<sc_bundles>
// kernel: kernel.11.cloned.1.call-start
scs
__scs_entry_jumppad:
0x0: {  	(pc) =	sbr.rel $0x88, $3  }
0x1: {  	(tag) =	ssettag $0x0;
	lr =	simm.s32 $0x1  }
0x2: {  	[smem:$0x3F96] =	sst lr;
	_ =	strace $0xD0000000  }
0x3: {  	_ = 	snop  }
0x4: {  	_ = 	snop  }
0x5: {  	_ = 	snop  }
0x6: {  	_ = 	snop  }
0x7: {  	_ = 	snop  }
__scs_overlays_trampoline_lowered:
0x8: {  	[smem:$0x3FA5] =	sst s0  }
0x9: {  	[smem:$0x3FA6] =	sst s1  }
0xa: {  	[smem:$0x3FA7] =	sst s2  }
0xb: {  	[smem:$0x3FA8] =	sst s3  }
0xc: {  	[smem:$0x3FA9] =	sst s4  }
0xd: {  	[smem:$0x3FAA] =	sst s5  }
0xe: {  	[smem:$0x3FAB] =	sst s6  }
0xf: {  	[smem:$0x3FAC] =	sst s7  }
0x10: {  	[smem:$0x3FAD] =	sst s8  }
0x11: {  	[smem:$0x3FAE] =	sst s9;
	s0 =	simm.s32 @!p0 $0x0  }
0x12: {  	s1 =	sld [smem:$0x3F94];
	s0 =	simm.s32 @p0 $0x1  }
0x13: {  	[smem:$0x3FAF] =	sst s0;
	s0 =	simm.s32 @!p1 $0x0  }
0x14: {  	s2 =	sld [smem:$0x3F93];
	s0 =	simm.s32 @p1 $0x1  }
0x15: {  	[smem:$0x3FB0] =	sst s0;
	s0 =	simm.s32 @!p2 $0x0  }
0x16: {  	s3 =	sld [smem:$0x3FDB];
	s0 =	simm.s32 @p2 $0x1  }
0x17: {  	s4 =	simm.s32 $0x1BF5;
	[smem:$0x3FB2] =	sst s0  }
0x18: {  	s0 =	sld [smem:$0x3F95];
	_ =	swait.ge [sflag:s4], $0x0  }
0x19: {  	s7 =	sld [smem:$0x3F96]  }
0x1a: {  	s8 =	sadd.s32 $0xFFFFE003, lr  }
0x1b: {  	s9 =	sadd.s32 $0xFFFFFEF7, lr;
	s5 =	simm.s32 $0xFFFFFFFF;
	p2 =	slt.u32 s8, $0xFFFFF086  }
0x1c: {  	p1 =	slt.u32 s9, $0xF7A;
	s5 =	simm.s32 @!p2 $0x0  }
0x1d: {  	s5 =	simm.s32 @p1 $0x1;
	p0 =	seq.s32 s7, s2  }
0x1e: {  	s7 =	smul.u32 @!p0 $0xF7A, s2;
	p2 =	seq.s32 @!p0 s5, $0x0  }
0x1f: {  	s9 =	smul.u32 $0xF7A, s1;
	s8 =	simm.s32 @!p0 $0x1BF5;
	p2 =	por !p2, p0  }
0x20: {  	[sflag:s8] =	ssyncset.s32 @!p0 $0xFFFFF086;
	s6 =	sadd.s32 @!p0 s3, s7;
	s7 =	simm.s32 @!p0 $0x108  }
0x21: {  	s3 =	sadd.s32 s3, s9;
	s6 =	sadd.s32 @!p0 $0x88, s6;
	s7 =	simm.s32 @p2 $0x1082  }
0x22: {  	[simem:s7], [sflag:s8] =	dma.local @!p0 [hbm:s6], $0xF7A  }
0x23: {  	s9 =	sor.u32 $0xD0000000, s2;
	s6 =	simm.s32 $0x108;
	_ =	swait.ge @!p0 [sflag:s8], $0x0  }
0x24: {  	s3 =	sadd.s32 $0x88, s3;
	s6 =	simm.s32 @!p1 $0x1082;
	[sflag:s4] =	ssyncset.s32 $0xFFFFF086  }
0x25: {  	[simem:s6], [sflag:s4] =	dma.local [hbm:s3], $0xF7A  }
0x26: {  	[smem:$0x3F96] =	sst s1;
	(tag) =	ssettag s2;
	_ =	strace s9  }
0x27: {  	s1 =	sld [smem:$0x3FA6]  }
0x28: {  	s2 =	sld [smem:$0x3FA7]  }
0x29: {  	s4 =	sld [smem:$0x3FA9]  }
0x2a: {  	p0 =	seq.s32 s5, $0x0;
	s5 =	sld [smem:$0x3FAA]  }
0x2b: {  	s6 =	sld [smem:$0x3FAB]  }
0x2c: {  	s7 =	sld [smem:$0x3FAC]  }
0x2d: {  	s3 =	simm.s32 $0x108;
	s8 =	sld [smem:$0x3FAD]  }
0x2e: {  	s3 =	simm.s32 @!p0 $0x1082;
	s9 =	sld [smem:$0x3FAE]  }
0x2f: {  	lr =	sadd.s32 s0, s3;
	s0 =	sld [smem:$0x3FA5]  }
0x30: {  	s3 =	sld [smem:$0x3FA8]  }
0x31: {  	[smem:$0x3FB1] =	sst s10  }
0x32: {  	s10 =	sld [smem:$0x3FAF];
	_ =	sdelay $0x3  }
0x33: {  	p0 =	seq.s32 s10, $0x1;
	s10 =	sld [smem:$0x3FB1];
	_ =	sdelay $0x3  }
0x34: {  	[smem:$0x3FB1] =	sst s10  }
0x35: {  	s10 =	sld [smem:$0x3FB0];
	_ =	sdelay $0x3  }
0x36: {  	p1 =	seq.s32 s10, $0x1;
	s10 =	sld [smem:$0x3FB1];
	_ =	sdelay $0x3  }
0x37: {  	[smem:$0x3FB1] =	sst s10  }
0x38: {  	s10 =	sld [smem:$0x3FB2]  }
0x39: {  	_ = 	snop;
	(pc) =	sbr.ind lr, $3  }
0x3a: {  	_ = 	snop  }
0x3b: {  	_ = 	snop  }
0x3c: {  	p2 =	seq.s32 s10, $0x1;
	s10 =	sld [smem:$0x3FB1]  }
0x3d: {  	_ =	shalt  }
0x3e: {  	_ =	shalt  }
0x3f: {  	_ =	shalt  }
0x40: {  	_ =	shalt  }
0x41: {  	_ =	shalt  }
0x42: {  	_ =	shalt  }
0x43: {  	_ =	shalt  }
0x44: {  	_ =	shalt  }
0x45: {  	_ =	shalt  }
0x46: {  	_ =	shalt  }
0x47: {  	_ =	shalt  }
0x48: {  	_ =	shalt  }
0x49: {  	_ =	shalt  }
0x4a: {  	_ =	shalt  }
0x4b: {  	_ =	shalt  }
0x4c: {  	_ =	shalt  }
0x4d: {  	_ =	shalt  }
0x4e: {  	_ =	shalt  }
0x4f: {  	_ =	shalt  }
0x50: {  	_ =	shalt  }
0x51: {  	_ =	shalt  }
0x52: {  	_ =	shalt  }
0x53: {  	_ =	shalt  }
0x54: {  	_ =	shalt  }
0x55: {  	_ =	shalt  }
0x56: {  	_ =	shalt  }
0x57: {  	_ =	shalt  }
0x58: {  	_ =	shalt  }
0x59: {  	_ =	shalt  }
0x5a: {  	_ =	shalt  }
0x5b: {  	_ =	shalt  }
0x5c: {  	_ =	shalt  }
0x5d: {  	_ =	shalt  }
0x5e: {  	_ =	shalt  }
0x5f: {  	_ =	shalt  }
0x60: {  	_ =	shalt  }
0x61: {  	_ =	shalt  }
0x62: {  	_ =	shalt  }
0x63: {  	_ =	shalt  }
0x64: {  	_ =	shalt  }
0x65: {  	_ =	shalt  }
0x66: {  	_ =	shalt  }
0x67: {  	_ =	shalt  }
0x68: {  	_ =	shalt  }
0x69: {  	_ =	shalt  }
0x6a: {  	_ =	shalt  }
0x6b: {  	_ =	shalt  }
0x6c: {  	_ =	shalt  }
0x6d: {  	_ =	shalt  }
0x6e: {  	_ =	shalt  }
0x6f: {  	_ =	shalt  }
0x70: {  	_ =	shalt  }
0x71: {  	_ =	shalt  }
0x72: {  	_ =	shalt  }
0x73: {  	_ =	shalt  }
0x74: {  	_ =	shalt  }
0x75: {  	_ =	shalt  }
0x76: {  	_ =	shalt  }
0x77: {  	_ =	shalt  }
0x78: {  	_ =	shalt  }
0x79: {  	_ =	shalt  }
0x7a: {  	_ =	shalt  }
0x7b: {  	_ =	shalt  }
0x7c: {  	_ =	shalt  }
0x7d: {  	_ =	shalt  }
0x7e: {  	_ =	shalt  }
0x7f: {  	_ =	shalt  }
0x80: {  	_ =	shalt  }
0x81: {  	_ =	shalt  }
0x82: {  	_ =	shalt  }
0x83: {  	_ =	shalt  }
0x84: {  	_ =	shalt  }
0x85: {  	_ =	shalt  }
0x86: {  	_ =	shalt  }
0x87: {  	_ =	shalt  }
.Lfunc_end0:
.L_simem_size_0:
called_computation.1_lowered:
.L_overlay_start_0:
0x88: {  	s2 =	sld [smem:$0x3FD9]  }
0x89: {  	s3 =	sld [smem:$0x3FFE];
	_ =	sdelay $0x1  }
0x8a: {  	s1 =	srdreg.scid  }
0x8b: {  	s0 =	sand.u32 $0x1, s1  }
0x8c: {  	s16 =	sshll.u32 s0, $0xA;
	s2 =	sadd.s32 s3, s2  }
0x8d: {  	s2 =	sadd.s32 s2, s16  }
0x8e: {  	[smem:$0x3FBD] =	sst s2  }
0x8f: {  	_ = 	snop  }
0x90: {  	(tm) =	ssettm $0x1  }
0x91: {  	s17 =	sld [smem:$0x3FFB];
	_ =	sdelay $0x3  }
0x92: {  	_ =	strace s17  }
0x93: {  	s2 =	sld [smem:$0x3FFC];
	_ =	sdelay $0x3  }
0x94: {  	_ =	strace s2  }
0x95: {  	s2 =	sld [smem:$0x3FFD];
	_ =	sdelay $0x3  }
0x96: {  	_ =	strace s2  }
0x97: {  	_ =	strace $0x8FFFFFFF  }
0x98: {  	s18 =	sld [smem:$0x3FDB];
	_ =	sdelay $0x1  }
0x99: {  	s19 =	simm.s32 $_scs_section_size  }
0x9a: {  	s4 =	simm.s32 $_size__tile_overlayer_lowered;
	s5 =	simm.s32 $_tile_overlayer_lowered  }
0x9b: {  	s22 =	simm.s32 $0x1BFF;
	s21 =	sshll.u32 s5, $0x1;
	s2 =	sadd.s32 s19, s18  }
0x9c: {  	s6 =	simm.s32 $0x0;
	s20 =	sshll.u32 s4, $0x1;
	s4 =	sadd.s32 s21, s2  }
0x9d: {  	[timem:s6], [sflag:s22] =	dma.local [hbm:s4], s20  }
0x9e: {  	_ =	swait.ge [sflag:s22], s20  }
0x9f: {  	s3 =	ssub.s32 $0x0, s20;
	[sflag:s22] =	ssyncset.done $0x0  }
0xa0: {  	[sflag:s22] =	ssyncadd.s32 s3;
	_ =	sdelay $0x1  }
0xa1: {  	s23 =	simm.s32 $0x1B8B  }
0xa2: {  	_ =	swait.ge [sflag:s23], $0x1  }
0xa3: {  	[sflag:s23] =	ssyncset.done $0x0  }
0xa4: {  	s25 =	simm.s32 $0x1B8E;
	s24 =	sld [smem:$0x3FFE];
	[sflag:s23] =	ssyncadd.s32 $0xFFFFFFFF  }
0xa5: {  	s26 =	simm.s32 $execute0_lowered;
	[smem:$0x3FD2] =	sst s25  }
0xa6: {  	s4 =	sshll.u32 s26, $0x1;
	_ =	strace $0x80000049;
	[dreg:$0x1] =	wrdreg $0xFFFFFFFF  }
0xa7: {  	s28 =	simm.s32 $_size_execute0_lowered;
	s2 =	sadd.s32 s2, s4;
	[dreg:$0x0] =	wrdreg $0x0  }
0xa8: {  	s4 =	sshll.u32 s28, $0x1;
	[dreg:$0x2] =	wrdreg s2  }
0xa9: {  	[dreg:$0x3] =	wrdreg s4  }
0xaa: {  	[dreg:$0x4] =	wrdreg $0xC0  }
0xab: {  	_ =	task [dreg:s6], $0x5FFFF  }
0xac: {  	[dreg:$0x1] =	wrdreg $0xFFFFFFFF  }
0xad: {  	[dreg:$0x0] =	wrdreg $0x60  }
0xae: {  	[dreg:$0x2] =	wrdreg s24  }
0xaf: {  	[dreg:$0x3] =	wrdreg $0x10D600  }
0xb0: {  	[dreg:$0x4] =	wrdreg $0x9  }
0xb1: {  	_ =	task.clear_ibuf [dreg:s6], $0x5FFFF;
	_ =	strace $0x90000049  }
0xb2: {  	s29 =	simm.s32 $0x9;
	_ =	strace $0x8000004B  }
0xb3: {  	_ =	swait.ge [sflag:s29], $0x1  }
0xb4: {  	[sflag:s29] =	ssyncadd.s32 $0xFFFFFFFF  }
0xb5: {  	_ =	strace $0x9000004B  }
0xb6: {  	_ =	sfence  }
0xb7: {  	s30 =	sld [smem:$0x0];
	_ =	sdelay $0x2  }
0xb8: {  	s31 =	sshll.u32 s1, $0xD;
	s1 =	sshrl.u32 s1, $0x2  }
0xb9: {  	s3 =	sand.u32 $0x4000, s31;
	s1 =	sadd.s32 s1, s30  }
0xba: {  	s0 =	sor.u32 s3, s0;
	s1 =	sshll.u32 s1, $0x11  }
0xbb: {  	s0 =	sor.u32 s1, s0  }
0xbc: {  	s0 =	sadd.s32 $0x8F2B, s0  }
0xbd: {  	[sflag:s0] =	ssyncadd.remote.s32 $0x1  }
0xbe: {  	_ =	sfence.sel $0xFFFF  }
0xbf: {  	[dreg:$0x0] =	wrdreg $0xFFFFFFFF;
	(pc) =	sbr.abs _section_cstart, $3  }
0xc0: {  	[dreg:$0x1] =	wrdreg $0xFFFFFFFF  }
0xc1: {  	_ =	task.clear_ibuf [dreg:s6], $0x2FFFF;
	_ =	strace $0x9FFFFFFF  }
0xc2: {  	(tm) =	ssettm $0x7FFFFFFF  }
0xc3: {  	_ =	shalt  }
tec
execute0_lowered:
.L_overlay_start_1:
0x0: {  	(tag) =	ssettag $0x1  }
0x1: {  	s0 =	rddreg [dreg:$0x0]  }
0x2: {  	s1 =	rddreg [dreg:$0x1]  }
0x3: {  	s2 =	srdreg.scid;
	s3 =	simm.s32 $0x0;
	s8 =	stileid.u32  }
0x4: {  	s14 =	simm.s32 $0x9;
	s16 =	simm.s32 $0xEE20;
	s17 =	simm.s32 $0x50  }
0x5: {  	s18 =	simm.s32 $0x4E20;
	s19 =	simm.s32 $0x6220;
	s28 =	simm.s32 $0xB220  }
0x6: {  	s15 =	simm.s32 $0x1;
	s20 =	simm.s32 $0x3;
	s6 =	smul.u32 $0x9C40, s8  }
0x7: {  	s29 =	simm.s32 $0x8;
	s2 =	sand.u32 $0x1, s2;
	s21 =	smul.u32 $0x27100, s8  }
0x8: {  	s31 =	simm.s32 $0x0;
	[smem:$0x7FF] =	sst s3;
	s5 =	smul.u32 $0x9C400, s2  }
0x9: {  	s4 =	sshll.u32 s2, $0x4;
	_ =	strace $0x8000004A;
	s2 =	ssub.s32 $0x2, s2  }
0xa: {  	s7 =	sor.u32 s8, s4;
	s4 =	sadd.s32 $0x15600, s0;
	s22 =	sshrl.u32 s2, $0x1  }
0xb: {  	s24 =	sshrl.u32 s21, $0x2;
	s21 =	simm.s32 $0x7620;
	s7 =	smul.u32 $0x4E2, s7  }
0xc: {  	s5 =	sadd.s32 s6, s5;
	s2 =	ssub.s32 s2, s22;
	s8 =	sadd.s32 s24, s1  }
0xd: {  	s22 =	simm.s32 $0x4;
	s24 =	simm.s32 $0x5;
	s5 =	sshrl.u32 s5, $0x3  }
0xe: {  	s26 =	smax.u32 s2, $0x1;
	s30 =	sadd.s32 $0x1F40, s8;
	s11 =	sadd.s32 $0x3E80, s8  }
0xf: {  	s12 =	sadd.s32 $0x5DC0, s8;
	s7 =	sadd.s32 s7, s0;
	[dreg:$0x6] =	wrdreg s26  }
.Ltmp0:
0x10: {  	[dreg:$0x7] =	wrdreg s30;
	s23 =	sadd.s32 $0x1A00, s7;
	(pc) =	sbr.rel .LBB2_1-.Ltmp0, $4  }
0x11: {  	s0 =	sadd.s32 s5, s0;
	s25 =	sadd.s32 $0xB800, s7;
	[dreg:$0x3] =	wrdreg s23  }
0x12: {  	s13 =	sadd.s32 $0x7D00, s8;
	s0 =	sadd.s32 $0x29000, s0;
	[dreg:$0x4] =	wrdreg s25  }
0x13: {  	s2 =	simm.s32 $0x2;
	s26 =	simm.s32 $0x6;
	[dreg:$0x5] =	wrdreg s0  }
0x14: {  	v0 =	vimm.f32 $0.0e+00;
	s23 =	simm.s32 $0x8A20;
	s25 =	simm.s32 $0x9E20;
	s0 =	simm.s32 $0xDA20  }
.LBB2_6:
0x15: {  	_ =	swait.ge [sflag:s15], $0x1400  }
0x16: {  	[sflag:s15] =	ssyncset.done $0x0  }
0x17: {  	s5 =	simm.s32 $0x4C90;
	[sflag:s15] =	ssyncadd.s32 $0xFFFFEC00  }
0x18: {  	[spmem:s1] =	stream.indirect.scatter.add.f32 [tilespmem:s18], [sflag:$0x9], $0x40, s5, s17, $0xb8;
	[tilespmem:$0x1A9A0] =	vst v63  }
0x19: {  	_ =	swait.ge [sflag:s14], $0x1400  }
0x1a: {  	[sflag:s14] =	ssyncset.done $0x0  }
0x1b: {  	[sflag:s14] =	ssyncadd.s32 $0xFFFFEC00  }
0x1c: {  	_ =	swait.ge [sflag:s2], $0x1400  }
0x1d: {  	[sflag:s2] =	ssyncset.done $0x0  }
0x1e: {  	s30 =	simm.s32 $0x4CE0;
	[sflag:s2] =	ssyncadd.s32 $0xFFFFEC00  }
0x1f: {  	[spmem:s1] =	stream.indirect.scatter.add.f32 [tilespmem:s19], [sflag:$0x9], $0x40, s30, s17, $0xb8;
	[tilespmem:$0x1A9A0] =	vst v63  }
0x20: {  	_ =	swait.ge [sflag:s14], $0x1400  }
0x21: {  	[sflag:s14] =	ssyncset.done $0x0  }
0x22: {  	[sflag:s14] =	ssyncadd.s32 $0xFFFFEC00  }
0x23: {  	_ =	swait.ge [sflag:s20], $0x1400  }
0x24: {  	[sflag:s20] =	ssyncset.done $0x0  }
0x25: {  	s6 =	simm.s32 $0x4D30;
	[sflag:s20] =	ssyncadd.s32 $0xFFFFEC00  }
0x26: {  	[spmem:s1] =	stream.indirect.scatter.add.f32 [tilespmem:s21], [sflag:$0x9], $0x40, s6, s17, $0xb8;
	[tilespmem:$0x1A9A0] =	vst v63  }
0x27: {  	_ =	swait.ge [sflag:s14], $0x1400  }
0x28: {  	[sflag:s14] =	ssyncset.done $0x0  }
0x29: {  	[sflag:s14] =	ssyncadd.s32 $0xFFFFEC00  }
0x2a: {  	_ =	swait.ge [sflag:s22], $0x1400  }
0x2b: {  	[sflag:s22] =	ssyncset.done $0x0  }
0x2c: {  	s7 =	simm.s32 $0x4D80;
	[sflag:s22] =	ssyncadd.s32 $0xFFFFEC00  }
0x2d: {  	[spmem:s1] =	stream.indirect.scatter.add.f32 [tilespmem:s23], [sflag:$0x9], $0x40, s7, s17, $0xb8;
	[tilespmem:$0x1A9A0] =	vst v63  }
0x2e: {  	_ =	swait.ge [sflag:s14], $0x1400  }
0x2f: {  	[sflag:s14] =	ssyncset.done $0x0  }
0x30: {  	[sflag:s14] =	ssyncadd.s32 $0xFFFFEC00  }
0x31: {  	_ =	swait.ge [sflag:s24], $0x1400  }
0x32: {  	[sflag:s24] =	ssyncset.done $0x0  }
0x33: {  	s9 =	simm.s32 $0x4DD0;
	[sflag:s24] =	ssyncadd.s32 $0xFFFFEC00  }
0x34: {  	[spmem:s1] =	stream.indirect.scatter.add.f32 [tilespmem:s25], [sflag:$0x9], $0x40, s9, s17, $0xb8;
	[tilespmem:$0x1A9A0] =	vst v63  }
0x35: {  	_ =	swait.ge [sflag:s14], $0x1400  }
0x36: {  	[sflag:s14] =	ssyncset.done $0x0  }
0x37: {  	s10 =	stileid.u32;
	[sflag:s14] =	ssyncadd.s32 $0xFFFFEC00  }
0x38: {  	s5 =	sshll.u32 s10, $0x6;
	[bflag:$0x0] =	sbarrier.arrive $0xFFFF  }
0x39: {  	s5 =	sor.u32 $0x1C09, s5;
	s6 =	sshrl.u32 s8, $0x3;
	s7 =	rddreg [dreg:$0x5]  }
0x3a: {  	[hbm:s7], [sflag:s5] =	dma.local [spmem:s6], $0x1388  }
0x3b: {  	_ =	swait.ge [sflag:s14], $0x1388  }
0x3c: {  	s31 =	sadd.s32 $0x1, s31;
	s30 =	rddreg [dreg:$0x6]  }
0x3d: {  	p0 =	sne.s32 s31, s30  }
.Ltmp1:
0x3e: {  	_ = 	snop;
	(pc) =	sbr.rel @!p0 .LBB2_7-.Ltmp1, $3  }
0x3f: {  	_ =	sdelay $0x1  }
0x40: {  	[sflag:s14] =	ssyncset.done $0x0  }
0x41: {  	[sflag:s14] =	ssyncadd.s32 $0xFFFFEC78  }
.LBB2_1:
0x42: {  	s5 =	rddreg [dreg:$0x3]  }
0x43: {  	[tilespmem:s3], [sflag:$0x9] =	stream.linear.gather [hbm4b:s5+s3], $0x2710, $0x38;
	[tilespmem:$0x1A9A0] =	vst v63  }
0x44: {  	_ =	swait.ge [sflag:s14], $0x2710  }
0x45: {  	[sflag:s14] =	ssyncset.done $0x0  }
0x46: {  	s6 =	simm.s32 $0x2710;
	s7 =	rddreg [dreg:$0x4];
	[sflag:s14] =	ssyncadd.s32 $0xFFFFD8F0  }
0x47: {  	[tilespmem:s6], [sflag:$0x9] =	stream.linear.gather [hbm4b:s7+s3], $0x2710, $0x38;
	[tilespmem:$0x1A9A0] =	vst v63  }
0x48: {  	s9 =	sand.u32 $0x7F00, s3;
	s10 =	sand.u32 $0x30, s3;
	_ =	swait.ge [sflag:s14], $0x2710  }
0x49: {  	s30 =	sshrl.u32 s9, $0x2;
	s5 =	simm.s32 $0x40;
	[sflag:s14] =	ssyncset.done $0x0  }
0x4a: {  	s6 =	sor.u32 s10, s30;
	s30 =	simm.s32 $0x0;
	[sflag:s14] =	ssyncadd.s32 $0xFFFFD8F0  }
.LBB2_2:
0x4b: {  	p0 =	sne.s32 s5, $0x7CC0  }
0x4c: {  	[tilespmem:s6+$0xEE20] =	vst v0;
	s30 =	sadd.s32 $0x10, s30;
	s6 =	smov.u32 s5;
	s5 =	sadd.s32 $0x40, s5  }
.Ltmp2:
0x4d: {  	(pc) =	sbr.rel @p0 .LBB2_2-.Ltmp2, $4  }
0x4e: {  	_ = 	snop  }
0x4f: {  	s6 =	sand.u32 $0x7F00, s6  }
0x50: {  	s7 =	sand.u32 $0x30, s30;
	s6 =	sshrl.u32 s6, $0x2  }
0x51: {  	s6 =	sor.u32 s7, s6  }
0x52: {  	[tilespmem:s6+$0xEE20] =	vst v0  }
0x53: {  	[spmem:s8] =	stream.linear.scatter [tilespmem:s16], [sflag:$0x9], $0x1F40, $0x38;
	[tilespmem:$0x1A9A0] =	vst v63  }
0x54: {  	_ =	swait.ge [sflag:s14], $0x1F40  }
0x55: {  	[sflag:s14] =	ssyncset.done $0x0  }
0x56: {  	s5 =	rddreg [dreg:$0x7];
	[sflag:s14] =	ssyncadd.s32 $0xFFFFE0C0  }
0x57: {  	[spmem:s5] =	stream.linear.scatter [tilespmem:s16], [sflag:$0x9], $0x1F40, $0x38;
	[tilespmem:$0x1A9A0] =	vst v63  }
0x58: {  	_ =	swait.ge [sflag:s14], $0x1F40  }
0x59: {  	[sflag:s14] =	ssyncset.done $0x0  }
0x5a: {  	[sflag:s14] =	ssyncadd.s32 $0xFFFFE0C0  }
0x5b: {  	[spmem:s11] =	stream.linear.scatter [tilespmem:s16], [sflag:$0x9], $0x1F40, $0x38;
	[tilespmem:$0x1A9A0] =	vst v63  }
0x5c: {  	_ =	swait.ge [sflag:s14], $0x1F40  }
0x5d: {  	[sflag:s14] =	ssyncset.done $0x0  }
0x5e: {  	[sflag:s14] =	ssyncadd.s32 $0xFFFFE0C0  }
0x5f: {  	[spmem:s12] =	stream.linear.scatter [tilespmem:s16], [sflag:$0x9], $0x1F40, $0x38;
	[tilespmem:$0x1A9A0] =	vst v63  }
0x60: {  	_ =	swait.ge [sflag:s14], $0x1F40  }
0x61: {  	[sflag:s14] =	ssyncset.done $0x0  }
0x62: {  	[sflag:s14] =	ssyncadd.s32 $0xFFFFE0C0  }
0x63: {  	[spmem:s13] =	stream.linear.scatter [tilespmem:s16], [sflag:$0x9], $0x1F40, $0x38;
	[tilespmem:$0x1A9A0] =	vst v63  }
0x64: {  	_ =	swait.ge [sflag:s14], $0x1F40  }
0x65: {  	[sflag:s14] =	ssyncset.done $0x0  }
0x66: {  	[sflag:s14] =	ssyncadd.s32 $0xFFFFE0C0  }
0x67: {  	s30 =	simm.s32 $0x0;
	[bflag:$0x0] =	sbarrier.arrive $0xFFFF  }
0x68: {  	[tilespmem:s18], [sflag:$0x1] =	stream.indirect.gather [hbm4b:s4+s17], $0x40, s30, s17, $0xb8;
	[tilespmem:$0x1A9A0] =	vst v63  }
0x69: {  	_ = 	snop  }
0x6a: {  	[tilespmem:s19], [sflag:$0x2] =	stream.indirect.gather [hbm4b:s4+s17], $0x40, s17, s17, $0xb8;
	[tilespmem:$0x1A9A0] =	vst v63  }
0x6b: {  	s7 =	simm.s32 $0xA0  }
0x6c: {  	[tilespmem:s21], [sflag:$0x3] =	stream.indirect.gather [hbm4b:s4+s17], $0x40, s7, s17, $0xb8;
	[tilespmem:$0x1A9A0] =	vst v63  }
0x6d: {  	s9 =	simm.s32 $0xF0  }
0x6e: {  	[tilespmem:s23], [sflag:$0x4] =	stream.indirect.gather [hbm4b:s4+s17], $0x40, s9, s17, $0xb8;
	[tilespmem:$0x1A9A0] =	vst v63  }
0x6f: {  	s10 =	simm.s32 $0x140  }
0x70: {  	[tilespmem:s25], [sflag:$0x5] =	stream.indirect.gather [hbm4b:s4+s17], $0x40, s10, s17, $0xb8;
	[tilespmem:$0x1A9A0] =	vst v63  }
0x71: {  	s6 =	simm.s32 $0x190  }
0x72: {  	[tilespmem:s28], [sflag:$0x6] =	stream.indirect.gather [hbm4b:s4+s17], $0x40, s6, s17, $0xb8;
	[tilespmem:$0x1A9A0] =	vst v63  }
0x73: {  	s7 =	simm.s32 $0x1E0;
	s9 =	simm.s32 $0xC620  }
0x74: {  	[tilespmem:s9], [sflag:$0x7] =	stream.indirect.gather [hbm4b:s4+s17], $0x40, s7, s17, $0xb8;
	[tilespmem:$0x1A9A0] =	vst v63  }
0x75: {  	s10 =	simm.s32 $0x230  }
0x76: {  	[tilespmem:s0], [sflag:$0x8] =	stream.indirect.gather [hbm4b:s4+s17], $0x40, s10, s17, $0xb8;
	[tilespmem:$0x1A9A0] =	vst v63  }
.LBB2_4:
0x77: {  	_ =	swait.ge [sflag:s15], $0x1400  }
0x78: {  	s5 =	sshra.s32 s30, $0x2;
	[sflag:s15] =	ssyncset.done $0x0  }
0x79: {  	s6 =	sadd.s32 $0x2710, s5;
	[sflag:s15] =	ssyncadd.s32 $0xFFFFEC00  }
0x7a: {  	[spmem:s1] =	stream.indirect.scatter.add.f32 [tilespmem:s18], [sflag:$0x9], $0x40, s6, s17, $0xb8;
	[tilespmem:$0x1A9A0] =	vst v63  }
0x7b: {  	_ =	swait.ge [sflag:s14], $0x1400  }
0x7c: {  	[sflag:s14] =	ssyncset.done $0x0  }
0x7d: {  	s9 =	sadd.s32 $0x280, s5;
	[sflag:s14] =	ssyncadd.s32 $0xFFFFEC00  }
0x7e: {  	[tilespmem:s18], [sflag:$0x1] =	stream.indirect.gather [hbm4b:s4+s17], $0x40, s9, s17, $0xb8;
	[tilespmem:$0x1A9A0] =	vst v63  }
0x7f: {  	_ =	swait.ge [sflag:s2], $0x1400  }
0x80: {  	[sflag:s2] =	ssyncset.done $0x0  }
0x81: {  	s10 =	sadd.s32 $0x2760, s5;
	[sflag:s2] =	ssyncadd.s32 $0xFFFFEC00  }
0x82: {  	[spmem:s1] =	stream.indirect.scatter.add.f32 [tilespmem:s19], [sflag:$0x9], $0x40, s10, s17, $0xb8;
	[tilespmem:$0x1A9A0] =	vst v63  }
0x83: {  	_ =	swait.ge [sflag:s14], $0x1400  }
0x84: {  	[sflag:s14] =	ssyncset.done $0x0  }
0x85: {  	s7 =	sadd.s32 $0x2D0, s5;
	[sflag:s14] =	ssyncadd.s32 $0xFFFFEC00  }
0x86: {  	[tilespmem:s19], [sflag:$0x2] =	stream.indirect.gather [hbm4b:s4+s17], $0x40, s7, s17, $0xb8;
	[tilespmem:$0x1A9A0] =	vst v63  }
0x87: {  	_ =	swait.ge [sflag:s20], $0x1400  }
0x88: {  	[sflag:s20] =	ssyncset.done $0x0  }
0x89: {  	s9 =	sadd.s32 $0x27B0, s5;
	[sflag:s20] =	ssyncadd.s32 $0xFFFFEC00  }
0x8a: {  	[spmem:s1] =	stream.indirect.scatter.add.f32 [tilespmem:s21], [sflag:$0x9], $0x40, s9, s17, $0xb8;
	[tilespmem:$0x1A9A0] =	vst v63  }
0x8b: {  	_ =	swait.ge [sflag:s14], $0x1400  }
0x8c: {  	[sflag:s14] =	ssyncset.done $0x0  }
0x8d: {  	s10 =	sadd.s32 $0x320, s5;
	[sflag:s14] =	ssyncadd.s32 $0xFFFFEC00  }
0x8e: {  	[tilespmem:s21], [sflag:$0x3] =	stream.indirect.gather [hbm4b:s4+s17], $0x40, s10, s17, $0xb8;
	[tilespmem:$0x1A9A0] =	vst v63  }
0x8f: {  	_ =	swait.ge [sflag:s22], $0x1400  }
0x90: {  	[sflag:s22] =	ssyncset.done $0x0  }
0x91: {  	s7 =	sadd.s32 $0x2800, s5;
	[sflag:s22] =	ssyncadd.s32 $0xFFFFEC00  }
0x92: {  	[spmem:s1] =	stream.indirect.scatter.add.f32 [tilespmem:s23], [sflag:$0x9], $0x40, s7, s17, $0xb8;
	[tilespmem:$0x1A9A0] =	vst v63  }
0x93: {  	_ =	swait.ge [sflag:s14], $0x1400  }
0x94: {  	[sflag:s14] =	ssyncset.done $0x0  }
0x95: {  	s9 =	sadd.s32 $0x370, s5;
	[sflag:s14] =	ssyncadd.s32 $0xFFFFEC00  }
0x96: {  	[tilespmem:s23], [sflag:$0x4] =	stream.indirect.gather [hbm4b:s4+s17], $0x40, s9, s17, $0xb8;
	[tilespmem:$0x1A9A0] =	vst v63  }
0x97: {  	_ =	swait.ge [sflag:s24], $0x1400  }
0x98: {  	[sflag:s24] =	ssyncset.done $0x0  }
0x99: {  	s10 =	sadd.s32 $0x2850, s5;
	[sflag:s24] =	ssyncadd.s32 $0xFFFFEC00  }
0x9a: {  	[spmem:s1] =	stream.indirect.scatter.add.f32 [tilespmem:s25], [sflag:$0x9], $0x40, s10, s17, $0xb8;
	[tilespmem:$0x1A9A0] =	vst v63  }
0x9b: {  	_ =	swait.ge [sflag:s14], $0x1400  }
0x9c: {  	[sflag:s14] =	ssyncset.done $0x0  }
0x9d: {  	s7 =	sadd.s32 $0x3C0, s5;
	[sflag:s14] =	ssyncadd.s32 $0xFFFFEC00  }
0x9e: {  	[tilespmem:s25], [sflag:$0x5] =	stream.indirect.gather [hbm4b:s4+s17], $0x40, s7, s17, $0xb8;
	[tilespmem:$0x1A9A0] =	vst v63  }
0x9f: {  	_ =	swait.ge [sflag:s26], $0x1400  }
0xa0: {  	[sflag:s26] =	ssyncset.done $0x0  }
0xa1: {  	s9 =	sadd.s32 $0x28A0, s5;
	[sflag:s26] =	ssyncadd.s32 $0xFFFFEC00  }
0xa2: {  	[spmem:s1] =	stream.indirect.scatter.add.f32 [tilespmem:s28], [sflag:$0x9], $0x40, s9, s17, $0xb8;
	[tilespmem:$0x1A9A0] =	vst v63  }
0xa3: {  	_ =	swait.ge [sflag:s14], $0x1400  }
0xa4: {  	p0 =	seq.s32 s30, $0x8C00;
	[sflag:s14] =	ssyncset.done $0x0  }
0xa5: {  	s6 =	simm.s32 @p0 $0x7;
	[sflag:s14] =	ssyncadd.s32 $0xFFFFEC00  }
0xa6: {  	_ =	swait.ge @p0 [sflag:s6], $0x1400  }
0xa7: {  	[sflag:s6] =	ssyncset.done @p0 $0x0  }
0xa8: {  	[sflag:s6] =	ssyncadd.s32 @p0 $0xFFFFEC00;
	s6 =	sshra.s32 @p0 s30, $0x2  }
0xa9: {  	s7 =	simm.s32 @p0 $0x50;
	s9 =	simm.s32 @p0 $0xC620;
	s6 =	sadd.s32 @p0 $0x28F0, s6  }
0xaa: {  	[spmem:s1] =	stream.indirect.scatter.add.f32 @p0 [tilespmem:s9], [sflag:$0x9], $0x40, s6, s7, $0xb8;
	[tilespmem:$0x1A9A0] =	vst v63  }
0xab: {  	s6 =	simm.s32 @p0 $0x9  }
0xac: {  	_ =	swait.ge @p0 [sflag:s6], $0x1400  }
0xad: {  	[sflag:s6] =	ssyncset.done @p0 $0x0  }
0xae: {  	[sflag:s6] =	ssyncadd.s32 @p0 $0xFFFFEC00;
	s6 =	sshra.s32 @!p0 s30, $0x2  }
0xaf: {  	s10 =	simm.s32 @!p0 $0xB220;
	s9 =	simm.s32 @!p0 $0x50;
	s7 =	sadd.s32 @!p0 $0x410, s6  }
0xb0: {  	[tilespmem:s10], [sflag:$0x6] =	stream.indirect.gather @!p0 [hbm4b:s4+s9], $0x40, s7, s9, $0xb8;
	[tilespmem:$0x1A9A0] =	vst v63  }
0xb1: {  	s7 =	simm.s32 @!p0 $0x7  }
0xb2: {  	_ =	swait.ge @!p0 [sflag:s7], $0x1400  }
0xb3: {  	[sflag:s7] =	ssyncset.done @!p0 $0x0  }
0xb4: {  	s10 =	simm.s32 @!p0 $0xC620;
	[sflag:s7] =	ssyncadd.s32 @!p0 $0xFFFFEC00;
	s7 =	sadd.s32 @!p0 $0x28F0, s6  }
0xb5: {  	[spmem:s1] =	stream.indirect.scatter.add.f32 @!p0 [tilespmem:s10], [sflag:$0x9], $0x40, s7, s9, $0xb8;
	[tilespmem:$0x1A9A0] =	vst v63  }
0xb6: {  	s7 =	simm.s32 @!p0 $0x9  }
0xb7: {  	_ =	swait.ge @!p0 [sflag:s7], $0x1400  }
0xb8: {  	[sflag:s7] =	ssyncset.done @!p0 $0x0  }
0xb9: {  	s6 =	sadd.s32 @!p0 $0x460, s6;
	[sflag:s7] =	ssyncadd.s32 @!p0 $0xFFFFEC00  }
0xba: {  	[tilespmem:s10], [sflag:$0x7] =	stream.indirect.gather @!p0 [hbm4b:s4+s9], $0x40, s6, s9, $0xb8;
	[tilespmem:$0x1A9A0] =	vst v63  }
0xbb: {  	_ =	swait.ge [sflag:s29], $0x1400  }
0xbc: {  	[sflag:s29] =	ssyncset.done $0x0  }
.Ltmp3:
0xbd: {  	s10 =	sadd.s32 $0x2940, s5;
	[sflag:s29] =	ssyncadd.s32 $0xFFFFEC00;
	(pc) =	sbr.rel @p0 .LBB2_6-.Ltmp3, $4  }
0xbe: {  	[spmem:s1] =	stream.indirect.scatter.add.f32 [tilespmem:s0], [sflag:$0x9], $0x40, s10, s17, $0xb8;
	[tilespmem:$0x1A9A0] =	vst v63  }
0xbf: {  	_ =	swait.ge [sflag:s14], $0x1400  }
0xc0: {  	[sflag:s14] =	ssyncset.done $0x0  }
0xc1: {  	[sflag:s14] =	ssyncadd.s32 $0xFFFFEC00  }
.Ltmp4:
0xc2: {  	(pc) =	sbr.rel .LBB2_4-.Ltmp4, $3  }
0xc3: {  	_ =	sdelay $0x1  }
0xc4: {  	s5 =	sadd.s32 $0x4B0, s5;
	s30 =	sadd.s32 $0xA00, s30  }
0xc5: {  	[tilespmem:s0], [sflag:$0x8] =	stream.indirect.gather [hbm4b:s4+s17], $0x40, s5, s17, $0xb8;
	[tilespmem:$0x1A9A0] =	vst v63  }
.LBB2_7:
0xc6: {  	_ =	sfence.sel $0x180000  }
0xc7: {  	[bflag:$0x0] =	sbarrier.arrive $0xFFFF  }
0xc8: {  	_ =	strace $0x9000004A  }
0xc9: {  	s0 =	stileid.u32;
	[bflag:$0x2] =	sbarrier.arrive $0xFFFF  }
0xca: {  	p0 =	sne.s32 s0, $0x0;
	s0 =	rddreg [dreg:$0x2]  }
0xcb: {  	s0 =	sadd.s32 @!p0 $0x100000, s0  }
0xcc: {  	[sflag:s0] =	ssyncadd.tile.s32 @!p0 $0x1;
	_ =	shalt  }
.Lfunc_end2:
_tile_overlayer_lowered:
.L_overlay_start_2:
0xcd: {  	(tag) =	ssettag $0x2  }
0xce: {  	s0 =	rddreg [dreg:$0x0];
	s2 =	stileid.u32  }
0xcf: {  	s1 =	rddreg [dreg:$0x1];
	p0 =	sne.s32 s2, $0x0  }
0xd0: {  	s3 =	rddreg [dreg:$0x2];
	[bflag:$0x3] =	sbarrier.arrive $0xFFFF;
	s2 =	simm.s32 @!p0 $0x1C09  }
0xd1: {  	[timem:s3], [sflag:s2] =	dma.local @!p0 [hbm:s0], s1  }
0xd2: {  	s0 =	simm.s32 @!p0 $0x9  }
0xd3: {  	_ =	swait.ge @!p0 [sflag:s0], s1  }
0xd4: {  	s1 =	ssub.s32 @!p0 $0x0, s1;
	[sflag:s0] =	ssyncset.done @!p0 $0x0  }
0xd5: {  	[sflag:s0] =	ssyncadd.s32 @!p0 s1  }
0xd6: {  	[bflag:$0x3] =	sbarrier.arrive $0xFFFF  }
0xd7: {  	_ =	shalt  }

// kernel: kernel.14.cloned.1.call-start
scs
__scs_entry_jumppad:
0x0: {  	(pc) =	sbr.rel $0x88, $3  }
0x1: {  	(tag) =	ssettag $0x0;
	lr =	simm.s32 $0x1  }
0x2: {  	[smem:$0x3F96] =	sst lr;
	_ =	strace $0xD0000000  }
0x3: {  	_ = 	snop  }
0x4: {  	_ = 	snop  }
0x5: {  	_ = 	snop  }
0x6: {  	_ = 	snop  }
0x7: {  	_ = 	snop  }
__scs_overlays_trampoline_lowered:
0x8: {  	[smem:$0x3FA5] =	sst s0  }
0x9: {  	[smem:$0x3FA6] =	sst s1  }
0xa: {  	[smem:$0x3FA7] =	sst s2  }
0xb: {  	[smem:$0x3FA8] =	sst s3  }
0xc: {  	[smem:$0x3FA9] =	sst s4  }
0xd: {  	[smem:$0x3FAA] =	sst s5  }
0xe: {  	[smem:$0x3FAB] =	sst s6  }
0xf: {  	[smem:$0x3FAC] =	sst s7  }
0x10: {  	[smem:$0x3FAD] =	sst s8  }
0x11: {  	[smem:$0x3FAE] =	sst s9;
	s0 =	simm.s32 @!p0 $0x0  }
0x12: {  	s1 =	sld [smem:$0x3F94];
	s0 =	simm.s32 @p0 $0x1  }
0x13: {  	[smem:$0x3FAF] =	sst s0;
	s0 =	simm.s32 @!p1 $0x0  }
0x14: {  	s2 =	sld [smem:$0x3F93];
	s0 =	simm.s32 @p1 $0x1  }
0x15: {  	[smem:$0x3FB0] =	sst s0;
	s0 =	simm.s32 @!p2 $0x0  }
0x16: {  	s3 =	sld [smem:$0x3FDB];
	s0 =	simm.s32 @p2 $0x1  }
0x17: {  	s4 =	simm.s32 $0x1BF5;
	[smem:$0x3FB2] =	sst s0  }
0x18: {  	s0 =	sld [smem:$0x3F95];
	_ =	swait.ge [sflag:s4], $0x0  }
0x19: {  	s7 =	sld [smem:$0x3F96]  }
0x1a: {  	s8 =	sadd.s32 $0xFFFFE003, lr  }
0x1b: {  	s9 =	sadd.s32 $0xFFFFFEF7, lr;
	s5 =	simm.s32 $0xFFFFFFFF;
	p2 =	slt.u32 s8, $0xFFFFF086  }
0x1c: {  	p1 =	slt.u32 s9, $0xF7A;
	s5 =	simm.s32 @!p2 $0x0  }
0x1d: {  	s5 =	simm.s32 @p1 $0x1;
	p0 =	seq.s32 s7, s2  }
0x1e: {  	s7 =	smul.u32 @!p0 $0xF7A, s2;
	p2 =	seq.s32 @!p0 s5, $0x0  }
0x1f: {  	s9 =	smul.u32 $0xF7A, s1;
	s8 =	simm.s32 @!p0 $0x1BF5;
	p2 =	por !p2, p0  }
0x20: {  	[sflag:s8] =	ssyncset.s32 @!p0 $0xFFFFF086;
	s6 =	sadd.s32 @!p0 s3, s7;
	s7 =	simm.s32 @!p0 $0x108  }
0x21: {  	s3 =	sadd.s32 s3, s9;
	s6 =	sadd.s32 @!p0 $0x88, s6;
	s7 =	simm.s32 @p2 $0x1082  }
0x22: {  	[simem:s7], [sflag:s8] =	dma.local @!p0 [hbm:s6], $0xF7A  }
0x23: {  	s9 =	sor.u32 $0xD0000000, s2;
	s6 =	simm.s32 $0x108;
	_ =	swait.ge @!p0 [sflag:s8], $0x0  }
0x24: {  	s3 =	sadd.s32 $0x88, s3;
	s6 =	simm.s32 @!p1 $0x1082;
	[sflag:s4] =	ssyncset.s32 $0xFFFFF086  }
0x25: {  	[simem:s6], [sflag:s4] =	dma.local [hbm:s3], $0xF7A  }
0x26: {  	[smem:$0x3F96] =	sst s1;
	(tag) =	ssettag s2;
	_ =	strace s9  }
0x27: {  	s1 =	sld [smem:$0x3FA6]  }
0x28: {  	s2 =	sld [smem:$0x3FA7]  }
0x29: {  	s4 =	sld [smem:$0x3FA9]  }
0x2a: {  	p0 =	seq.s32 s5, $0x0;
	s5 =	sld [smem:$0x3FAA]  }
0x2b: {  	s6 =	sld [smem:$0x3FAB]  }
0x2c: {  	s7 =	sld [smem:$0x3FAC]  }
0x2d: {  	s3 =	simm.s32 $0x108;
	s8 =	sld [smem:$0x3FAD]  }
0x2e: {  	s3 =	simm.s32 @!p0 $0x1082;
	s9 =	sld [smem:$0x3FAE]  }
0x2f: {  	lr =	sadd.s32 s0, s3;
	s0 =	sld [smem:$0x3FA5]  }
0x30: {  	s3 =	sld [smem:$0x3FA8]  }
0x31: {  	[smem:$0x3FB1] =	sst s10  }
0x32: {  	s10 =	sld [smem:$0x3FAF];
	_ =	sdelay $0x3  }
0x33: {  	p0 =	seq.s32 s10, $0x1;
	s10 =	sld [smem:$0x3FB1];
	_ =	sdelay $0x3  }
0x34: {  	[smem:$0x3FB1] =	sst s10  }
0x35: {  	s10 =	sld [smem:$0x3FB0];
	_ =	sdelay $0x3  }
0x36: {  	p1 =	seq.s32 s10, $0x1;
	s10 =	sld [smem:$0x3FB1];
	_ =	sdelay $0x3  }
0x37: {  	[smem:$0x3FB1] =	sst s10  }
0x38: {  	s10 =	sld [smem:$0x3FB2]  }
0x39: {  	_ = 	snop;
	(pc) =	sbr.ind lr, $3  }
0x3a: {  	_ = 	snop  }
0x3b: {  	_ = 	snop  }
0x3c: {  	p2 =	seq.s32 s10, $0x1;
	s10 =	sld [smem:$0x3FB1]  }
0x3d: {  	_ =	shalt  }
0x3e: {  	_ =	shalt  }
0x3f: {  	_ =	shalt  }
0x40: {  	_ =	shalt  }
0x41: {  	_ =	shalt  }
0x42: {  	_ =	shalt  }
0x43: {  	_ =	shalt  }
0x44: {  	_ =	shalt  }
0x45: {  	_ =	shalt  }
0x46: {  	_ =	shalt  }
0x47: {  	_ =	shalt  }
0x48: {  	_ =	shalt  }
0x49: {  	_ =	shalt  }
0x4a: {  	_ =	shalt  }
0x4b: {  	_ =	shalt  }
0x4c: {  	_ =	shalt  }
0x4d: {  	_ =	shalt  }
0x4e: {  	_ =	shalt  }
0x4f: {  	_ =	shalt  }
0x50: {  	_ =	shalt  }
0x51: {  	_ =	shalt  }
0x52: {  	_ =	shalt  }
0x53: {  	_ =	shalt  }
0x54: {  	_ =	shalt  }
0x55: {  	_ =	shalt  }
0x56: {  	_ =	shalt  }
0x57: {  	_ =	shalt  }
0x58: {  	_ =	shalt  }
0x59: {  	_ =	shalt  }
0x5a: {  	_ =	shalt  }
0x5b: {  	_ =	shalt  }
0x5c: {  	_ =	shalt  }
0x5d: {  	_ =	shalt  }
0x5e: {  	_ =	shalt  }
0x5f: {  	_ =	shalt  }
0x60: {  	_ =	shalt  }
0x61: {  	_ =	shalt  }
0x62: {  	_ =	shalt  }
0x63: {  	_ =	shalt  }
0x64: {  	_ =	shalt  }
0x65: {  	_ =	shalt  }
0x66: {  	_ =	shalt  }
0x67: {  	_ =	shalt  }
0x68: {  	_ =	shalt  }
0x69: {  	_ =	shalt  }
0x6a: {  	_ =	shalt  }
0x6b: {  	_ =	shalt  }
0x6c: {  	_ =	shalt  }
0x6d: {  	_ =	shalt  }
0x6e: {  	_ =	shalt  }
0x6f: {  	_ =	shalt  }
0x70: {  	_ =	shalt  }
0x71: {  	_ =	shalt  }
0x72: {  	_ =	shalt  }
0x73: {  	_ =	shalt  }
0x74: {  	_ =	shalt  }
0x75: {  	_ =	shalt  }
0x76: {  	_ =	shalt  }
0x77: {  	_ =	shalt  }
0x78: {  	_ =	shalt  }
0x79: {  	_ =	shalt  }
0x7a: {  	_ =	shalt  }
0x7b: {  	_ =	shalt  }
0x7c: {  	_ =	shalt  }
0x7d: {  	_ =	shalt  }
0x7e: {  	_ =	shalt  }
0x7f: {  	_ =	shalt  }
0x80: {  	_ =	shalt  }
0x81: {  	_ =	shalt  }
0x82: {  	_ =	shalt  }
0x83: {  	_ =	shalt  }
0x84: {  	_ =	shalt  }
0x85: {  	_ =	shalt  }
0x86: {  	_ =	shalt  }
0x87: {  	_ =	shalt  }
.Lfunc_end0:
.L_simem_size_0:
called_computation.2_lowered:
.L_overlay_start_0:
0x88: {  	s2 =	sld [smem:$0x3FD9]  }
0x89: {  	s3 =	sld [smem:$0x3FFE];
	_ =	sdelay $0x1  }
0x8a: {  	s1 =	srdreg.scid  }
0x8b: {  	s0 =	sand.u32 $0x1, s1  }
0x8c: {  	s16 =	sshll.u32 s0, $0xA;
	s2 =	sadd.s32 s3, s2  }
0x8d: {  	s2 =	sadd.s32 s2, s16  }
0x8e: {  	[smem:$0x3FBD] =	sst s2  }
0x8f: {  	_ = 	snop  }
0x90: {  	(tm) =	ssettm $0x1  }
0x91: {  	s17 =	sld [smem:$0x3FFB];
	_ =	sdelay $0x3  }
0x92: {  	_ =	strace s17  }
0x93: {  	s2 =	sld [smem:$0x3FFC];
	_ =	sdelay $0x3  }
0x94: {  	_ =	strace s2  }
0x95: {  	s2 =	sld [smem:$0x3FFD];
	_ =	sdelay $0x3  }
0x96: {  	_ =	strace s2  }
0x97: {  	_ =	strace $0x8FFFFFFF  }
0x98: {  	s18 =	sld [smem:$0x3FDB];
	_ =	sdelay $0x1  }
0x99: {  	s19 =	simm.s32 $_scs_section_size  }
0x9a: {  	s4 =	simm.s32 $_size__tile_overlayer_lowered;
	s5 =	simm.s32 $_tile_overlayer_lowered  }
0x9b: {  	s22 =	simm.s32 $0x1BFF;
	s21 =	sshll.u32 s5, $0x1;
	s2 =	sadd.s32 s19, s18  }
0x9c: {  	s6 =	simm.s32 $0x0;
	s20 =	sshll.u32 s4, $0x1;
	s4 =	sadd.s32 s21, s2  }
0x9d: {  	[timem:s6], [sflag:s22] =	dma.local [hbm:s4], s20  }
0x9e: {  	_ =	swait.ge [sflag:s22], s20  }
0x9f: {  	s3 =	ssub.s32 $0x0, s20;
	[sflag:s22] =	ssyncset.done $0x0  }
0xa0: {  	[sflag:s22] =	ssyncadd.s32 s3;
	_ =	sdelay $0x1  }
0xa1: {  	s23 =	simm.s32 $0x1B8B  }
0xa2: {  	_ =	swait.ge [sflag:s23], $0x1  }
0xa3: {  	[sflag:s23] =	ssyncset.done $0x0  }
0xa4: {  	s25 =	simm.s32 $0x1B8E;
	s24 =	sld [smem:$0x3FFE];
	[sflag:s23] =	ssyncadd.s32 $0xFFFFFFFF  }
0xa5: {  	s26 =	simm.s32 $execute0_lowered;
	[smem:$0x3FD2] =	sst s25  }
0xa6: {  	s4 =	sshll.u32 s26, $0x1;
	_ =	strace $0x8000004C;
	[dreg:$0x1] =	wrdreg $0xFFFFFFFF  }
0xa7: {  	s28 =	simm.s32 $_size_execute0_lowered;
	s2 =	sadd.s32 s2, s4;
	[dreg:$0x0] =	wrdreg $0x0  }
0xa8: {  	s4 =	sshll.u32 s28, $0x1;
	[dreg:$0x2] =	wrdreg s2  }
0xa9: {  	[dreg:$0x3] =	wrdreg s4  }
0xaa: {  	[dreg:$0x4] =	wrdreg $0xC0  }
0xab: {  	_ =	task [dreg:s6], $0x5FFFF  }
0xac: {  	[dreg:$0x1] =	wrdreg $0xFFFFFFFF  }
0xad: {  	[dreg:$0x0] =	wrdreg $0x60  }
0xae: {  	[dreg:$0x2] =	wrdreg s24  }
0xaf: {  	[dreg:$0x3] =	wrdreg $0x10D600  }
0xb0: {  	[dreg:$0x4] =	wrdreg $0x9  }
0xb1: {  	_ =	task.clear_ibuf [dreg:s6], $0x5FFFF;
	_ =	strace $0x9000004C  }
0xb2: {  	s29 =	simm.s32 $0x9;
	_ =	strace $0x8000004E  }
0xb3: {  	_ =	swait.ge [sflag:s29], $0x1  }
0xb4: {  	[sflag:s29] =	ssyncadd.s32 $0xFFFFFFFF  }
0xb5: {  	_ =	strace $0x9000004E  }
0xb6: {  	_ =	sfence  }
0xb7: {  	s30 =	sld [smem:$0x0];
	_ =	sdelay $0x2  }
0xb8: {  	s31 =	sshll.u32 s1, $0xD;
	s1 =	sshrl.u32 s1, $0x2  }
0xb9: {  	s3 =	sand.u32 $0x4000, s31;
	s1 =	sadd.s32 s1, s30  }
0xba: {  	s0 =	sor.u32 s3, s0;
	s1 =	sshll.u32 s1, $0x11  }
0xbb: {  	s0 =	sor.u32 s1, s0  }
0xbc: {  	s0 =	sadd.s32 $0x8F2B, s0  }
0xbd: {  	[sflag:s0] =	ssyncadd.remote.s32 $0x1  }
0xbe: {  	_ =	sfence.sel $0xFFFF  }
0xbf: {  	[dreg:$0x0] =	wrdreg $0xFFFFFFFF;
	(pc) =	sbr.abs _section_cstart, $3  }
0xc0: {  	[dreg:$0x1] =	wrdreg $0xFFFFFFFF  }
0xc1: {  	_ =	task.clear_ibuf [dreg:s6], $0x2FFFF;
	_ =	strace $0x9FFFFFFF  }
0xc2: {  	(tm) =	ssettm $0x7FFFFFFF  }
0xc3: {  	_ =	shalt  }
tec
execute0_lowered:
.L_overlay_start_1:
0x0: {  	(tag) =	ssettag $0x1  }
0x1: {  	s0 =	rddreg [dreg:$0x0]  }
0x2: {  	s1 =	rddreg [dreg:$0x1]  }
0x3: {  	s2 =	srdreg.scid;
	s3 =	simm.s32 $0x0;
	s8 =	stileid.u32  }
0x4: {  	s14 =	simm.s32 $0x9;
	s16 =	simm.s32 $0xEE20;
	s17 =	simm.s32 $0x50  }
0x5: {  	s18 =	simm.s32 $0x4E20;
	s19 =	simm.s32 $0x6220;
	s28 =	simm.s32 $0xB220  }
0x6: {  	s15 =	simm.s32 $0x1;
	s20 =	simm.s32 $0x3;
	s6 =	smul.u32 $0x9C40, s8  }
0x7: {  	s29 =	simm.s32 $0x8;
	s2 =	sand.u32 $0x1, s2;
	s21 =	smul.u32 $0x27100, s8  }
0x8: {  	s31 =	simm.s32 $0x0;
	[smem:$0x7FF] =	sst s3;
	s5 =	smul.u32 $0x9C400, s2  }
0x9: {  	s4 =	sshll.u32 s2, $0x4;
	_ =	strace $0x8000004D;
	s2 =	ssub.s32 $0x2, s2  }
0xa: {  	s7 =	sor.u32 s8, s4;
	s4 =	sadd.s32 $0x15600, s0;
	s22 =	sshrl.u32 s2, $0x1  }
0xb: {  	s24 =	sshrl.u32 s21, $0x2;
	s21 =	simm.s32 $0x7620;
	s7 =	smul.u32 $0x4E2, s7  }
0xc: {  	s5 =	sadd.s32 s6, s5;
	s2 =	ssub.s32 s2, s22;
	s8 =	sadd.s32 s24, s1  }
0xd: {  	s22 =	simm.s32 $0x4;
	s24 =	simm.s32 $0x5;
	s5 =	sshrl.u32 s5, $0x3  }
0xe: {  	s26 =	smax.u32 s2, $0x1;
	s30 =	sadd.s32 $0x1F40, s8;
	s11 =	sadd.s32 $0x3E80, s8  }
0xf: {  	s12 =	sadd.s32 $0x5DC0, s8;
	s7 =	sadd.s32 s7, s0;
	[dreg:$0x6] =	wrdreg s26  }
.Ltmp0:
0x10: {  	[dreg:$0x7] =	wrdreg s30;
	s23 =	sadd.s32 $0x1A00, s7;
	(pc) =	sbr.rel .LBB2_1-.Ltmp0, $4  }
0x11: {  	s0 =	sadd.s32 s5, s0;
	s25 =	sadd.s32 $0xB800, s7;
	[dreg:$0x3] =	wrdreg s23  }
0x12: {  	s13 =	sadd.s32 $0x7D00, s8;
	s0 =	sadd.s32 $0x29000, s0;
	[dreg:$0x4] =	wrdreg s25  }
0x13: {  	s2 =	simm.s32 $0x2;
	s26 =	simm.s32 $0x6;
	[dreg:$0x5] =	wrdreg s0  }
0x14: {  	v0 =	vimm.f32 $0.0e+00;
	s23 =	simm.s32 $0x8A20;
	s25 =	simm.s32 $0x9E20;
	s0 =	simm.s32 $0xDA20  }
.LBB2_6:
0x15: {  	_ =	swait.ge [sflag:s15], $0x1400  }
0x16: {  	[sflag:s15] =	ssyncset.done $0x0  }
0x17: {  	s5 =	simm.s32 $0x4C90;
	[sflag:s15] =	ssyncadd.s32 $0xFFFFEC00  }
0x18: {  	[spmem:s1] =	stream.indirect.scatter.add.f32 [tilespmem:s18], [sflag:$0x9], $0x40, s5, s17, $0xb8;
	[tilespmem:$0x1A9A0] =	vst v63  }
0x19: {  	_ =	swait.ge [sflag:s14], $0x1400  }
0x1a: {  	[sflag:s14] =	ssyncset.done $0x0  }
0x1b: {  	[sflag:s14] =	ssyncadd.s32 $0xFFFFEC00  }
0x1c: {  	_ =	swait.ge [sflag:s2], $0x1400  }
0x1d: {  	[sflag:s2] =	ssyncset.done $0x0  }
0x1e: {  	s30 =	simm.s32 $0x4CE0;
	[sflag:s2] =	ssyncadd.s32 $0xFFFFEC00  }
0x1f: {  	[spmem:s1] =	stream.indirect.scatter.add.f32 [tilespmem:s19], [sflag:$0x9], $0x40, s30, s17, $0xb8;
	[tilespmem:$0x1A9A0] =	vst v63  }
0x20: {  	_ =	swait.ge [sflag:s14], $0x1400  }
0x21: {  	[sflag:s14] =	ssyncset.done $0x0  }
0x22: {  	[sflag:s14] =	ssyncadd.s32 $0xFFFFEC00  }
0x23: {  	_ =	swait.ge [sflag:s20], $0x1400  }
0x24: {  	[sflag:s20] =	ssyncset.done $0x0  }
0x25: {  	s6 =	simm.s32 $0x4D30;
	[sflag:s20] =	ssyncadd.s32 $0xFFFFEC00  }
0x26: {  	[spmem:s1] =	stream.indirect.scatter.add.f32 [tilespmem:s21], [sflag:$0x9], $0x40, s6, s17, $0xb8;
	[tilespmem:$0x1A9A0] =	vst v63  }
0x27: {  	_ =	swait.ge [sflag:s14], $0x1400  }
0x28: {  	[sflag:s14] =	ssyncset.done $0x0  }
0x29: {  	[sflag:s14] =	ssyncadd.s32 $0xFFFFEC00  }
0x2a: {  	_ =	swait.ge [sflag:s22], $0x1400  }
0x2b: {  	[sflag:s22] =	ssyncset.done $0x0  }
0x2c: {  	s7 =	simm.s32 $0x4D80;
	[sflag:s22] =	ssyncadd.s32 $0xFFFFEC00  }
0x2d: {  	[spmem:s1] =	stream.indirect.scatter.add.f32 [tilespmem:s23], [sflag:$0x9], $0x40, s7, s17, $0xb8;
	[tilespmem:$0x1A9A0] =	vst v63  }
0x2e: {  	_ =	swait.ge [sflag:s14], $0x1400  }
0x2f: {  	[sflag:s14] =	ssyncset.done $0x0  }
0x30: {  	[sflag:s14] =	ssyncadd.s32 $0xFFFFEC00  }
0x31: {  	_ =	swait.ge [sflag:s24], $0x1400  }
0x32: {  	[sflag:s24] =	ssyncset.done $0x0  }
0x33: {  	s9 =	simm.s32 $0x4DD0;
	[sflag:s24] =	ssyncadd.s32 $0xFFFFEC00  }
0x34: {  	[spmem:s1] =	stream.indirect.scatter.add.f32 [tilespmem:s25], [sflag:$0x9], $0x40, s9, s17, $0xb8;
	[tilespmem:$0x1A9A0] =	vst v63  }
0x35: {  	_ =	swait.ge [sflag:s14], $0x1400  }
0x36: {  	[sflag:s14] =	ssyncset.done $0x0  }
0x37: {  	s10 =	stileid.u32;
	[sflag:s14] =	ssyncadd.s32 $0xFFFFEC00  }
0x38: {  	s5 =	sshll.u32 s10, $0x6;
	[bflag:$0x0] =	sbarrier.arrive $0xFFFF  }
0x39: {  	s5 =	sor.u32 $0x1C09, s5;
	s6 =	sshrl.u32 s8, $0x3;
	s7 =	rddreg [dreg:$0x5]  }
0x3a: {  	[hbm:s7], [sflag:s5] =	dma.local [spmem:s6], $0x1388  }
0x3b: {  	_ =	swait.ge [sflag:s14], $0x1388  }
0x3c: {  	s31 =	sadd.s32 $0x1, s31;
	s30 =	rddreg [dreg:$0x6]  }
0x3d: {  	p0 =	sne.s32 s31, s30  }
.Ltmp1:
0x3e: {  	_ = 	snop;
	(pc) =	sbr.rel @!p0 .LBB2_7-.Ltmp1, $3  }
0x3f: {  	_ =	sdelay $0x1  }
0x40: {  	[sflag:s14] =	ssyncset.done $0x0  }
0x41: {  	[sflag:s14] =	ssyncadd.s32 $0xFFFFEC78  }
.LBB2_1:
0x42: {  	s5 =	rddreg [dreg:$0x3]  }
0x43: {  	[tilespmem:s3], [sflag:$0x9] =	stream.linear.gather [hbm4b:s5+s3], $0x2710, $0x38;
	[tilespmem:$0x1A9A0] =	vst v63  }
0x44: {  	_ =	swait.ge [sflag:s14], $0x2710  }
0x45: {  	[sflag:s14] =	ssyncset.done $0x0  }
0x46: {  	s6 =	simm.s32 $0x2710;
	s7 =	rddreg [dreg:$0x4];
	[sflag:s14] =	ssyncadd.s32 $0xFFFFD8F0  }
0x47: {  	[tilespmem:s6], [sflag:$0x9] =	stream.linear.gather [hbm4b:s7+s3], $0x2710, $0x38;
	[tilespmem:$0x1A9A0] =	vst v63  }
0x48: {  	s9 =	sand.u32 $0x7F00, s3;
	s10 =	sand.u32 $0x30, s3;
	_ =	swait.ge [sflag:s14], $0x2710  }
0x49: {  	s30 =	sshrl.u32 s9, $0x2;
	s5 =	simm.s32 $0x40;
	[sflag:s14] =	ssyncset.done $0x0  }
0x4a: {  	s6 =	sor.u32 s10, s30;
	s30 =	simm.s32 $0x0;
	[sflag:s14] =	ssyncadd.s32 $0xFFFFD8F0  }
.LBB2_2:
0x4b: {  	p0 =	sne.s32 s5, $0x7CC0  }
0x4c: {  	[tilespmem:s6+$0xEE20] =	vst v0;
	s30 =	sadd.s32 $0x10, s30;
	s6 =	smov.u32 s5;
	s5 =	sadd.s32 $0x40, s5  }
.Ltmp2:
0x4d: {  	(pc) =	sbr.rel @p0 .LBB2_2-.Ltmp2, $4  }
0x4e: {  	_ = 	snop  }
0x4f: {  	s6 =	sand.u32 $0x7F00, s6  }
0x50: {  	s7 =	sand.u32 $0x30, s30;
	s6 =	sshrl.u32 s6, $0x2  }
0x51: {  	s6 =	sor.u32 s7, s6  }
0x52: {  	[tilespmem:s6+$0xEE20] =	vst v0  }
0x53: {  	[spmem:s8] =	stream.linear.scatter [tilespmem:s16], [sflag:$0x9], $0x1F40, $0x38;
	[tilespmem:$0x1A9A0] =	vst v63  }
0x54: {  	_ =	swait.ge [sflag:s14], $0x1F40  }
0x55: {  	[sflag:s14] =	ssyncset.done $0x0  }
0x56: {  	s5 =	rddreg [dreg:$0x7];
	[sflag:s14] =	ssyncadd.s32 $0xFFFFE0C0  }
0x57: {  	[spmem:s5] =	stream.linear.scatter [tilespmem:s16], [sflag:$0x9], $0x1F40, $0x38;
	[tilespmem:$0x1A9A0] =	vst v63  }
0x58: {  	_ =	swait.ge [sflag:s14], $0x1F40  }
0x59: {  	[sflag:s14] =	ssyncset.done $0x0  }
0x5a: {  	[sflag:s14] =	ssyncadd.s32 $0xFFFFE0C0  }
0x5b: {  	[spmem:s11] =	stream.linear.scatter [tilespmem:s16], [sflag:$0x9], $0x1F40, $0x38;
	[tilespmem:$0x1A9A0] =	vst v63  }
0x5c: {  	_ =	swait.ge [sflag:s14], $0x1F40  }
0x5d: {  	[sflag:s14] =	ssyncset.done $0x0  }
0x5e: {  	[sflag:s14] =	ssyncadd.s32 $0xFFFFE0C0  }
0x5f: {  	[spmem:s12] =	stream.linear.scatter [tilespmem:s16], [sflag:$0x9], $0x1F40, $0x38;
	[tilespmem:$0x1A9A0] =	vst v63  }
0x60: {  	_ =	swait.ge [sflag:s14], $0x1F40  }
0x61: {  	[sflag:s14] =	ssyncset.done $0x0  }
0x62: {  	[sflag:s14] =	ssyncadd.s32 $0xFFFFE0C0  }
0x63: {  	[spmem:s13] =	stream.linear.scatter [tilespmem:s16], [sflag:$0x9], $0x1F40, $0x38;
	[tilespmem:$0x1A9A0] =	vst v63  }
0x64: {  	_ =	swait.ge [sflag:s14], $0x1F40  }
0x65: {  	[sflag:s14] =	ssyncset.done $0x0  }
0x66: {  	[sflag:s14] =	ssyncadd.s32 $0xFFFFE0C0  }
0x67: {  	s30 =	simm.s32 $0x0;
	[bflag:$0x0] =	sbarrier.arrive $0xFFFF  }
0x68: {  	[tilespmem:s18], [sflag:$0x1] =	stream.indirect.gather [hbm4b:s4+s17], $0x40, s30, s17, $0xb8;
	[tilespmem:$0x1A9A0] =	vst v63  }
0x69: {  	_ = 	snop  }
0x6a: {  	[tilespmem:s19], [sflag:$0x2] =	stream.indirect.gather [hbm4b:s4+s17], $0x40, s17, s17, $0xb8;
	[tilespmem:$0x1A9A0] =	vst v63  }
0x6b: {  	s7 =	simm.s32 $0xA0  }
0x6c: {  	[tilespmem:s21], [sflag:$0x3] =	stream.indirect.gather [hbm4b:s4+s17], $0x40, s7, s17, $0xb8;
	[tilespmem:$0x1A9A0] =	vst v63  }
0x6d: {  	s9 =	simm.s32 $0xF0  }
0x6e: {  	[tilespmem:s23], [sflag:$0x4] =	stream.indirect.gather [hbm4b:s4+s17], $0x40, s9, s17, $0xb8;
	[tilespmem:$0x1A9A0] =	vst v63  }
0x6f: {  	s10 =	simm.s32 $0x140  }
0x70: {  	[tilespmem:s25], [sflag:$0x5] =	stream.indirect.gather [hbm4b:s4+s17], $0x40, s10, s17, $0xb8;
	[tilespmem:$0x1A9A0] =	vst v63  }
0x71: {  	s6 =	simm.s32 $0x190  }
0x72: {  	[tilespmem:s28], [sflag:$0x6] =	stream.indirect.gather [hbm4b:s4+s17], $0x40, s6, s17, $0xb8;
	[tilespmem:$0x1A9A0] =	vst v63  }
0x73: {  	s7 =	simm.s32 $0x1E0;
	s9 =	simm.s32 $0xC620  }
0x74: {  	[tilespmem:s9], [sflag:$0x7] =	stream.indirect.gather [hbm4b:s4+s17], $0x40, s7, s17, $0xb8;
	[tilespmem:$0x1A9A0] =	vst v63  }
0x75: {  	s10 =	simm.s32 $0x230  }
0x76: {  	[tilespmem:s0], [sflag:$0x8] =	stream.indirect.gather [hbm4b:s4+s17], $0x40, s10, s17, $0xb8;
	[tilespmem:$0x1A9A0] =	vst v63  }
.LBB2_4:
0x77: {  	_ =	swait.ge [sflag:s15], $0x1400  }
0x78: {  	s5 =	sshra.s32 s30, $0x2;
	[sflag:s15] =	ssyncset.done $0x0  }
0x79: {  	s6 =	sadd.s32 $0x2710, s5;
	[sflag:s15] =	ssyncadd.s32 $0xFFFFEC00  }
0x7a: {  	[spmem:s1] =	stream.indirect.scatter.add.f32 [tilespmem:s18], [sflag:$0x9], $0x40, s6, s17, $0xb8;
	[tilespmem:$0x1A9A0] =	vst v63  }
0x7b: {  	_ =	swait.ge [sflag:s14], $0x1400  }
0x7c: {  	[sflag:s14] =	ssyncset.done $0x0  }
0x7d: {  	s9 =	sadd.s32 $0x280, s5;
	[sflag:s14] =	ssyncadd.s32 $0xFFFFEC00  }
0x7e: {  	[tilespmem:s18], [sflag:$0x1] =	stream.indirect.gather [hbm4b:s4+s17], $0x40, s9, s17, $0xb8;
	[tilespmem:$0x1A9A0] =	vst v63  }
0x7f: {  	_ =	swait.ge [sflag:s2], $0x1400  }
0x80: {  	[sflag:s2] =	ssyncset.done $0x0  }
0x81: {  	s10 =	sadd.s32 $0x2760, s5;
	[sflag:s2] =	ssyncadd.s32 $0xFFFFEC00  }
0x82: {  	[spmem:s1] =	stream.indirect.scatter.add.f32 [tilespmem:s19], [sflag:$0x9], $0x40, s10, s17, $0xb8;
	[tilespmem:$0x1A9A0] =	vst v63  }
0x83: {  	_ =	swait.ge [sflag:s14], $0x1400  }
0x84: {  	[sflag:s14] =	ssyncset.done $0x0  }
0x85: {  	s7 =	sadd.s32 $0x2D0, s5;
	[sflag:s14] =	ssyncadd.s32 $0xFFFFEC00  }
0x86: {  	[tilespmem:s19], [sflag:$0x2] =	stream.indirect.gather [hbm4b:s4+s17], $0x40, s7, s17, $0xb8;
	[tilespmem:$0x1A9A0] =	vst v63  }
0x87: {  	_ =	swait.ge [sflag:s20], $0x1400  }
0x88: {  	[sflag:s20] =	ssyncset.done $0x0  }
0x89: {  	s9 =	sadd.s32 $0x27B0, s5;
	[sflag:s20] =	ssyncadd.s32 $0xFFFFEC00  }
0x8a: {  	[spmem:s1] =	stream.indirect.scatter.add.f32 [tilespmem:s21], [sflag:$0x9], $0x40, s9, s17, $0xb8;
	[tilespmem:$0x1A9A0] =	vst v63  }
0x8b: {  	_ =	swait.ge [sflag:s14], $0x1400  }
0x8c: {  	[sflag:s14] =	ssyncset.done $0x0  }
0x8d: {  	s10 =	sadd.s32 $0x320, s5;
	[sflag:s14] =	ssyncadd.s32 $0xFFFFEC00  }
0x8e: {  	[tilespmem:s21], [sflag:$0x3] =	stream.indirect.gather [hbm4b:s4+s17], $0x40, s10, s17, $0xb8;
	[tilespmem:$0x1A9A0] =	vst v63  }
0x8f: {  	_ =	swait.ge [sflag:s22], $0x1400  }
0x90: {  	[sflag:s22] =	ssyncset.done $0x0  }
0x91: {  	s7 =	sadd.s32 $0x2800, s5;
	[sflag:s22] =	ssyncadd.s32 $0xFFFFEC00  }
0x92: {  	[spmem:s1] =	stream.indirect.scatter.add.f32 [tilespmem:s23], [sflag:$0x9], $0x40, s7, s17, $0xb8;
	[tilespmem:$0x1A9A0] =	vst v63  }
0x93: {  	_ =	swait.ge [sflag:s14], $0x1400  }
0x94: {  	[sflag:s14] =	ssyncset.done $0x0  }
0x95: {  	s9 =	sadd.s32 $0x370, s5;
	[sflag:s14] =	ssyncadd.s32 $0xFFFFEC00  }
0x96: {  	[tilespmem:s23], [sflag:$0x4] =	stream.indirect.gather [hbm4b:s4+s17], $0x40, s9, s17, $0xb8;
	[tilespmem:$0x1A9A0] =	vst v63  }
0x97: {  	_ =	swait.ge [sflag:s24], $0x1400  }
0x98: {  	[sflag:s24] =	ssyncset.done $0x0  }
0x99: {  	s10 =	sadd.s32 $0x2850, s5;
	[sflag:s24] =	ssyncadd.s32 $0xFFFFEC00  }
0x9a: {  	[spmem:s1] =	stream.indirect.scatter.add.f32 [tilespmem:s25], [sflag:$0x9], $0x40, s10, s17, $0xb8;
	[tilespmem:$0x1A9A0] =	vst v63  }
0x9b: {  	_ =	swait.ge [sflag:s14], $0x1400  }
0x9c: {  	[sflag:s14] =	ssyncset.done $0x0  }
0x9d: {  	s7 =	sadd.s32 $0x3C0, s5;
	[sflag:s14] =	ssyncadd.s32 $0xFFFFEC00  }
0x9e: {  	[tilespmem:s25], [sflag:$0x5] =	stream.indirect.gather [hbm4b:s4+s17], $0x40, s7, s17, $0xb8;
	[tilespmem:$0x1A9A0] =	vst v63  }
0x9f: {  	_ =	swait.ge [sflag:s26], $0x1400  }
0xa0: {  	[sflag:s26] =	ssyncset.done $0x0  }
0xa1: {  	s9 =	sadd.s32 $0x28A0, s5;
	[sflag:s26] =	ssyncadd.s32 $0xFFFFEC00  }
0xa2: {  	[spmem:s1] =	stream.indirect.scatter.add.f32 [tilespmem:s28], [sflag:$0x9], $0x40, s9, s17, $0xb8;
	[tilespmem:$0x1A9A0] =	vst v63  }
0xa3: {  	_ =	swait.ge [sflag:s14], $0x1400  }
0xa4: {  	p0 =	seq.s32 s30, $0x8C00;
	[sflag:s14] =	ssyncset.done $0x0  }
0xa5: {  	s6 =	simm.s32 @p0 $0x7;
	[sflag:s14] =	ssyncadd.s32 $0xFFFFEC00  }
0xa6: {  	_ =	swait.ge @p0 [sflag:s6], $0x1400  }
0xa7: {  	[sflag:s6] =	ssyncset.done @p0 $0x0  }
0xa8: {  	[sflag:s6] =	ssyncadd.s32 @p0 $0xFFFFEC00;
	s6 =	sshra.s32 @p0 s30, $0x2  }
0xa9: {  	s7 =	simm.s32 @p0 $0x50;
	s9 =	simm.s32 @p0 $0xC620;
	s6 =	sadd.s32 @p0 $0x28F0, s6  }
0xaa: {  	[spmem:s1] =	stream.indirect.scatter.add.f32 @p0 [tilespmem:s9], [sflag:$0x9], $0x40, s6, s7, $0xb8;
	[tilespmem:$0x1A9A0] =	vst v63  }
0xab: {  	s6 =	simm.s32 @p0 $0x9  }
0xac: {  	_ =	swait.ge @p0 [sflag:s6], $0x1400  }
0xad: {  	[sflag:s6] =	ssyncset.done @p0 $0x0  }
0xae: {  	[sflag:s6] =	ssyncadd.s32 @p0 $0xFFFFEC00;
	s6 =	sshra.s32 @!p0 s30, $0x2  }
0xaf: {  	s10 =	simm.s32 @!p0 $0xB220;
	s9 =	simm.s32 @!p0 $0x50;
	s7 =	sadd.s32 @!p0 $0x410, s6  }
0xb0: {  	[tilespmem:s10], [sflag:$0x6] =	stream.indirect.gather @!p0 [hbm4b:s4+s9], $0x40, s7, s9, $0xb8;
	[tilespmem:$0x1A9A0] =	vst v63  }
0xb1: {  	s7 =	simm.s32 @!p0 $0x7  }
0xb2: {  	_ =	swait.ge @!p0 [sflag:s7], $0x1400  }
0xb3: {  	[sflag:s7] =	ssyncset.done @!p0 $0x0  }
0xb4: {  	s10 =	simm.s32 @!p0 $0xC620;
	[sflag:s7] =	ssyncadd.s32 @!p0 $0xFFFFEC00;
	s7 =	sadd.s32 @!p0 $0x28F0, s6  }
0xb5: {  	[spmem:s1] =	stream.indirect.scatter.add.f32 @!p0 [tilespmem:s10], [sflag:$0x9], $0x40, s7, s9, $0xb8;
	[tilespmem:$0x1A9A0] =	vst v63  }
0xb6: {  	s7 =	simm.s32 @!p0 $0x9  }
0xb7: {  	_ =	swait.ge @!p0 [sflag:s7], $0x1400  }
0xb8: {  	[sflag:s7] =	ssyncset.done @!p0 $0x0  }
0xb9: {  	s6 =	sadd.s32 @!p0 $0x460, s6;
	[sflag:s7] =	ssyncadd.s32 @!p0 $0xFFFFEC00  }
0xba: {  	[tilespmem:s10], [sflag:$0x7] =	stream.indirect.gather @!p0 [hbm4b:s4+s9], $0x40, s6, s9, $0xb8;
	[tilespmem:$0x1A9A0] =	vst v63  }
0xbb: {  	_ =	swait.ge [sflag:s29], $0x1400  }
0xbc: {  	[sflag:s29] =	ssyncset.done $0x0  }
.Ltmp3:
0xbd: {  	s10 =	sadd.s32 $0x2940, s5;
	[sflag:s29] =	ssyncadd.s32 $0xFFFFEC00;
	(pc) =	sbr.rel @p0 .LBB2_6-.Ltmp3, $4  }
0xbe: {  	[spmem:s1] =	stream.indirect.scatter.add.f32 [tilespmem:s0], [sflag:$0x9], $0x40, s10, s17, $0xb8;
	[tilespmem:$0x1A9A0] =	vst v63  }
0xbf: {  	_ =	swait.ge [sflag:s14], $0x1400  }
0xc0: {  	[sflag:s14] =	ssyncset.done $0x0  }
0xc1: {  	[sflag:s14] =	ssyncadd.s32 $0xFFFFEC00  }
.Ltmp4:
0xc2: {  	(pc) =	sbr.rel .LBB2_4-.Ltmp4, $3  }
0xc3: {  	_ =	sdelay $0x1  }
0xc4: {  	s5 =	sadd.s32 $0x4B0, s5;
	s30 =	sadd.s32 $0xA00, s30  }
0xc5: {  	[tilespmem:s0], [sflag:$0x8] =	stream.indirect.gather [hbm4b:s4+s17], $0x40, s5, s17, $0xb8;
	[tilespmem:$0x1A9A0] =	vst v63  }
.LBB2_7:
0xc6: {  	_ =	sfence.sel $0x180000  }
0xc7: {  	[bflag:$0x0] =	sbarrier.arrive $0xFFFF  }
0xc8: {  	_ =	strace $0x9000004D  }
0xc9: {  	s0 =	stileid.u32;
	[bflag:$0x2] =	sbarrier.arrive $0xFFFF  }
0xca: {  	p0 =	sne.s32 s0, $0x0;
	s0 =	rddreg [dreg:$0x2]  }
0xcb: {  	s0 =	sadd.s32 @!p0 $0x100000, s0  }
0xcc: {  	[sflag:s0] =	ssyncadd.tile.s32 @!p0 $0x1;
	_ =	shalt  }
.Lfunc_end2:
_tile_overlayer_lowered:
.L_overlay_start_2:
0xcd: {  	(tag) =	ssettag $0x2  }
0xce: {  	s0 =	rddreg [dreg:$0x0];
	s2 =	stileid.u32  }
0xcf: {  	s1 =	rddreg [dreg:$0x1];
	p0 =	sne.s32 s2, $0x0  }
0xd0: {  	s3 =	rddreg [dreg:$0x2];
	[bflag:$0x3] =	sbarrier.arrive $0xFFFF;
	s2 =	simm.s32 @!p0 $0x1C09  }
0xd1: {  	[timem:s3], [sflag:s2] =	dma.local @!p0 [hbm:s0], s1  }
0xd2: {  	s0 =	simm.s32 @!p0 $0x9  }
0xd3: {  	_ =	swait.ge @!p0 [sflag:s0], s1  }
0xd4: {  	s1 =	ssub.s32 @!p0 $0x0, s1;
	[sflag:s0] =	ssyncset.done @!p0 $0x0  }
0xd5: {  	[sflag:s0] =	ssyncadd.s32 @!p0 s1  }
0xd6: {  	[bflag:$0x3] =	sbarrier.arrive $0xFFFF  }
0xd7: {  	_ =	shalt  }

// kernel: kernel.8.cloned.1.call-start
scs
__scs_entry_jumppad:
0x0: {  	(pc) =	sbr.rel $0x88, $3  }
0x1: {  	(tag) =	ssettag $0x0;
	lr =	simm.s32 $0x1  }
0x2: {  	[smem:$0x3F96] =	sst lr;
	_ =	strace $0xD0000000  }
0x3: {  	_ = 	snop  }
0x4: {  	_ = 	snop  }
0x5: {  	_ = 	snop  }
0x6: {  	_ = 	snop  }
0x7: {  	_ = 	snop  }
__scs_overlays_trampoline_lowered:
0x8: {  	[smem:$0x3FA5] =	sst s0  }
0x9: {  	[smem:$0x3FA6] =	sst s1  }
0xa: {  	[smem:$0x3FA7] =	sst s2  }
0xb: {  	[smem:$0x3FA8] =	sst s3  }
0xc: {  	[smem:$0x3FA9] =	sst s4  }
0xd: {  	[smem:$0x3FAA] =	sst s5  }
0xe: {  	[smem:$0x3FAB] =	sst s6  }
0xf: {  	[smem:$0x3FAC] =	sst s7  }
0x10: {  	[smem:$0x3FAD] =	sst s8  }
0x11: {  	[smem:$0x3FAE] =	sst s9;
	s0 =	simm.s32 @!p0 $0x0  }
0x12: {  	s1 =	sld [smem:$0x3F94];
	s0 =	simm.s32 @p0 $0x1  }
0x13: {  	[smem:$0x3FAF] =	sst s0;
	s0 =	simm.s32 @!p1 $0x0  }
0x14: {  	s2 =	sld [smem:$0x3F93];
	s0 =	simm.s32 @p1 $0x1  }
0x15: {  	[smem:$0x3FB0] =	sst s0;
	s0 =	simm.s32 @!p2 $0x0  }
0x16: {  	s3 =	sld [smem:$0x3FDB];
	s0 =	simm.s32 @p2 $0x1  }
0x17: {  	s4 =	simm.s32 $0x1BF5;
	[smem:$0x3FB2] =	sst s0  }
0x18: {  	s0 =	sld [smem:$0x3F95];
	_ =	swait.ge [sflag:s4], $0x0  }
0x19: {  	s7 =	sld [smem:$0x3F96]  }
0x1a: {  	s8 =	sadd.s32 $0xFFFFE003, lr  }
0x1b: {  	s9 =	sadd.s32 $0xFFFFFEF7, lr;
	s5 =	simm.s32 $0xFFFFFFFF;
	p2 =	slt.u32 s8, $0xFFFFF086  }
0x1c: {  	p1 =	slt.u32 s9, $0xF7A;
	s5 =	simm.s32 @!p2 $0x0  }
0x1d: {  	s5 =	simm.s32 @p1 $0x1;
	p0 =	seq.s32 s7, s2  }
0x1e: {  	s7 =	smul.u32 @!p0 $0xF7A, s2;
	p2 =	seq.s32 @!p0 s5, $0x0  }
0x1f: {  	s9 =	smul.u32 $0xF7A, s1;
	s8 =	simm.s32 @!p0 $0x1BF5;
	p2 =	por !p2, p0  }
0x20: {  	[sflag:s8] =	ssyncset.s32 @!p0 $0xFFFFF086;
	s6 =	sadd.s32 @!p0 s3, s7;
	s7 =	simm.s32 @!p0 $0x108  }
0x21: {  	s3 =	sadd.s32 s3, s9;
	s6 =	sadd.s32 @!p0 $0x88, s6;
	s7 =	simm.s32 @p2 $0x1082  }
0x22: {  	[simem:s7], [sflag:s8] =	dma.local @!p0 [hbm:s6], $0xF7A  }
0x23: {  	s9 =	sor.u32 $0xD0000000, s2;
	s6 =	simm.s32 $0x108;
	_ =	swait.ge @!p0 [sflag:s8], $0x0  }
0x24: {  	s3 =	sadd.s32 $0x88, s3;
	s6 =	simm.s32 @!p1 $0x1082;
	[sflag:s4] =	ssyncset.s32 $0xFFFFF086  }
0x25: {  	[simem:s6], [sflag:s4] =	dma.local [hbm:s3], $0xF7A  }
0x26: {  	[smem:$0x3F96] =	sst s1;
	(tag) =	ssettag s2;
	_ =	strace s9  }
0x27: {  	s1 =	sld [smem:$0x3FA6]  }
0x28: {  	s2 =	sld [smem:$0x3FA7]  }
0x29: {  	s4 =	sld [smem:$0x3FA9]  }
0x2a: {  	p0 =	seq.s32 s5, $0x0;
	s5 =	sld [smem:$0x3FAA]  }
0x2b: {  	s6 =	sld [smem:$0x3FAB]  }
0x2c: {  	s7 =	sld [smem:$0x3FAC]  }
0x2d: {  	s3 =	simm.s32 $0x108;
	s8 =	sld [smem:$0x3FAD]  }
0x2e: {  	s3 =	simm.s32 @!p0 $0x1082;
	s9 =	sld [smem:$0x3FAE]  }
0x2f: {  	lr =	sadd.s32 s0, s3;
	s0 =	sld [smem:$0x3FA5]  }
0x30: {  	s3 =	sld [smem:$0x3FA8]  }
0x31: {  	[smem:$0x3FB1] =	sst s10  }
0x32: {  	s10 =	sld [smem:$0x3FAF];
	_ =	sdelay $0x3  }
0x33: {  	p0 =	seq.s32 s10, $0x1;
	s10 =	sld [smem:$0x3FB1];
	_ =	sdelay $0x3  }
0x34: {  	[smem:$0x3FB1] =	sst s10  }
0x35: {  	s10 =	sld [smem:$0x3FB0];
	_ =	sdelay $0x3  }
0x36: {  	p1 =	seq.s32 s10, $0x1;
	s10 =	sld [smem:$0x3FB1];
	_ =	sdelay $0x3  }
0x37: {  	[smem:$0x3FB1] =	sst s10  }
0x38: {  	s10 =	sld [smem:$0x3FB2]  }
0x39: {  	_ = 	snop;
	(pc) =	sbr.ind lr, $3  }
0x3a: {  	_ = 	snop  }
0x3b: {  	_ = 	snop  }
0x3c: {  	p2 =	seq.s32 s10, $0x1;
	s10 =	sld [smem:$0x3FB1]  }
0x3d: {  	_ =	shalt  }
0x3e: {  	_ =	shalt  }
0x3f: {  	_ =	shalt  }
0x40: {  	_ =	shalt  }
0x41: {  	_ =	shalt  }
0x42: {  	_ =	shalt  }
0x43: {  	_ =	shalt  }
0x44: {  	_ =	shalt  }
0x45: {  	_ =	shalt  }
0x46: {  	_ =	shalt  }
0x47: {  	_ =	shalt  }
0x48: {  	_ =	shalt  }
0x49: {  	_ =	shalt  }
0x4a: {  	_ =	shalt  }
0x4b: {  	_ =	shalt  }
0x4c: {  	_ =	shalt  }
0x4d: {  	_ =	shalt  }
0x4e: {  	_ =	shalt  }
0x4f: {  	_ =	shalt  }
0x50: {  	_ =	shalt  }
0x51: {  	_ =	shalt  }
0x52: {  	_ =	shalt  }
0x53: {  	_ =	shalt  }
0x54: {  	_ =	shalt  }
0x55: {  	_ =	shalt  }
0x56: {  	_ =	shalt  }
0x57: {  	_ =	shalt  }
0x58: {  	_ =	shalt  }
0x59: {  	_ =	shalt  }
0x5a: {  	_ =	shalt  }
0x5b: {  	_ =	shalt  }
0x5c: {  	_ =	shalt  }
0x5d: {  	_ =	shalt  }
0x5e: {  	_ =	shalt  }
0x5f: {  	_ =	shalt  }
0x60: {  	_ =	shalt  }
0x61: {  	_ =	shalt  }
0x62: {  	_ =	shalt  }
0x63: {  	_ =	shalt  }
0x64: {  	_ =	shalt  }
0x65: {  	_ =	shalt  }
0x66: {  	_ =	shalt  }
0x67: {  	_ =	shalt  }
0x68: {  	_ =	shalt  }
0x69: {  	_ =	shalt  }
0x6a: {  	_ =	shalt  }
0x6b: {  	_ =	shalt  }
0x6c: {  	_ =	shalt  }
0x6d: {  	_ =	shalt  }
0x6e: {  	_ =	shalt  }
0x6f: {  	_ =	shalt  }
0x70: {  	_ =	shalt  }
0x71: {  	_ =	shalt  }
0x72: {  	_ =	shalt  }
0x73: {  	_ =	shalt  }
0x74: {  	_ =	shalt  }
0x75: {  	_ =	shalt  }
0x76: {  	_ =	shalt  }
0x77: {  	_ =	shalt  }
0x78: {  	_ =	shalt  }
0x79: {  	_ =	shalt  }
0x7a: {  	_ =	shalt  }
0x7b: {  	_ =	shalt  }
0x7c: {  	_ =	shalt  }
0x7d: {  	_ =	shalt  }
0x7e: {  	_ =	shalt  }
0x7f: {  	_ =	shalt  }
0x80: {  	_ =	shalt  }
0x81: {  	_ =	shalt  }
0x82: {  	_ =	shalt  }
0x83: {  	_ =	shalt  }
0x84: {  	_ =	shalt  }
0x85: {  	_ =	shalt  }
0x86: {  	_ =	shalt  }
0x87: {  	_ =	shalt  }
.Lfunc_end0:
.L_simem_size_0:
called_computation_lowered:
.L_overlay_start_0:
0x88: {  	s2 =	sld [smem:$0x3FD9]  }
0x89: {  	s3 =	sld [smem:$0x3FFE];
	_ =	sdelay $0x1  }
0x8a: {  	s1 =	srdreg.scid  }
0x8b: {  	s0 =	sand.u32 $0x1, s1  }
0x8c: {  	s16 =	sshll.u32 s0, $0xA;
	s2 =	sadd.s32 s3, s2  }
0x8d: {  	s2 =	sadd.s32 s2, s16  }
0x8e: {  	[smem:$0x3FBD] =	sst s2  }
0x8f: {  	_ = 	snop  }
0x90: {  	(tm) =	ssettm $0x1  }
0x91: {  	s17 =	sld [smem:$0x3FFB];
	_ =	sdelay $0x3  }
0x92: {  	_ =	strace s17  }
0x93: {  	s2 =	sld [smem:$0x3FFC];
	_ =	sdelay $0x3  }
0x94: {  	_ =	strace s2  }
0x95: {  	s2 =	sld [smem:$0x3FFD];
	_ =	sdelay $0x3  }
0x96: {  	_ =	strace s2  }
0x97: {  	_ =	strace $0x8FFFFFFF  }
0x98: {  	s18 =	sld [smem:$0x3FDB];
	_ =	sdelay $0x1  }
0x99: {  	s19 =	simm.s32 $_scs_section_size  }
0x9a: {  	s4 =	simm.s32 $_size__tile_overlayer_lowered;
	s5 =	simm.s32 $_tile_overlayer_lowered  }
0x9b: {  	s22 =	simm.s32 $0x1BFF;
	s21 =	sshll.u32 s5, $0x1;
	s2 =	sadd.s32 s19, s18  }
0x9c: {  	s6 =	simm.s32 $0x0;
	s20 =	sshll.u32 s4, $0x1;
	s4 =	sadd.s32 s21, s2  }
0x9d: {  	[timem:s6], [sflag:s22] =	dma.local [hbm:s4], s20  }
0x9e: {  	_ =	swait.ge [sflag:s22], s20  }
0x9f: {  	s3 =	ssub.s32 $0x0, s20;
	[sflag:s22] =	ssyncset.done $0x0  }
0xa0: {  	[sflag:s22] =	ssyncadd.s32 s3;
	_ =	sdelay $0x1  }
0xa1: {  	s23 =	simm.s32 $0x1B8B  }
0xa2: {  	_ =	swait.ge [sflag:s23], $0x1  }
0xa3: {  	[sflag:s23] =	ssyncset.done $0x0  }
0xa4: {  	s25 =	simm.s32 $0x1B8E;
	s24 =	sld [smem:$0x3FFE];
	[sflag:s23] =	ssyncadd.s32 $0xFFFFFFFF  }
0xa5: {  	s26 =	simm.s32 $execute0_lowered;
	[smem:$0x3FD2] =	sst s25  }
0xa6: {  	s4 =	sshll.u32 s26, $0x1;
	_ =	strace $0x80000046;
	[dreg:$0x1] =	wrdreg $0xFFFFFFFF  }
0xa7: {  	s28 =	simm.s32 $_size_execute0_lowered;
	s2 =	sadd.s32 s2, s4;
	[dreg:$0x0] =	wrdreg $0x0  }
0xa8: {  	s4 =	sshll.u32 s28, $0x1;
	[dreg:$0x2] =	wrdreg s2  }
0xa9: {  	[dreg:$0x3] =	wrdreg s4  }
0xaa: {  	[dreg:$0x4] =	wrdreg $0xC0  }
0xab: {  	_ =	task [dreg:s6], $0x5FFFF  }
0xac: {  	[dreg:$0x1] =	wrdreg $0xFFFFFFFF  }
0xad: {  	[dreg:$0x0] =	wrdreg $0x60  }
0xae: {  	[dreg:$0x2] =	wrdreg s24  }
0xaf: {  	[dreg:$0x3] =	wrdreg $0x29E00  }
0xb0: {  	[dreg:$0x4] =	wrdreg $0x9  }
0xb1: {  	_ =	task.clear_ibuf [dreg:s6], $0x5FFFF;
	_ =	strace $0x90000046  }
0xb2: {  	s29 =	simm.s32 $0x9;
	_ =	strace $0x80000048  }
0xb3: {  	_ =	swait.ge [sflag:s29], $0x1  }
0xb4: {  	[sflag:s29] =	ssyncadd.s32 $0xFFFFFFFF  }
0xb5: {  	_ =	strace $0x90000048  }
0xb6: {  	_ =	sfence  }
0xb7: {  	s30 =	sld [smem:$0x0];
	_ =	sdelay $0x2  }
0xb8: {  	s31 =	sshll.u32 s1, $0xD;
	s1 =	sshrl.u32 s1, $0x2  }
0xb9: {  	s3 =	sand.u32 $0x4000, s31;
	s1 =	sadd.s32 s1, s30  }
0xba: {  	s0 =	sor.u32 s3, s0;
	s1 =	sshll.u32 s1, $0x11  }
0xbb: {  	s0 =	sor.u32 s1, s0  }
0xbc: {  	s0 =	sadd.s32 $0x8F2B, s0  }
0xbd: {  	[sflag:s0] =	ssyncadd.remote.s32 $0x1  }
0xbe: {  	_ =	sfence.sel $0xFFFF  }
0xbf: {  	[dreg:$0x0] =	wrdreg $0xFFFFFFFF;
	(pc) =	sbr.abs _section_cstart, $3  }
0xc0: {  	[dreg:$0x1] =	wrdreg $0xFFFFFFFF  }
0xc1: {  	_ =	task.clear_ibuf [dreg:s6], $0x2FFFF;
	_ =	strace $0x9FFFFFFF  }
0xc2: {  	(tm) =	ssettm $0x7FFFFFFF  }
0xc3: {  	_ =	shalt  }
tec
execute0_lowered:
.L_overlay_start_1:
0x0: {  	(tag) =	ssettag $0x1  }
0x1: {  	s4 =	rddreg [dreg:$0x0]  }
0x2: {  	s2 =	rddreg [dreg:$0x1];
	s3 =	srdreg.scid  }
0x3: {  	s1 =	stileid.u32;
	s0 =	rddreg [dreg:$0x2];
	s10 =	simm.s32 $0x50  }
0x4: {  	s11 =	simm.s32 $0x2710;
	s14 =	simm.s32 $0x0;
	s5 =	sand.u32 $0x1, s3  }
0x5: {  	s6 =	smul.u32 $0x280, s1;
	s3 =	simm.s32 $0x0;
	s12 =	sshll.u32 s1, $0x6  }
0x6: {  	s7 =	sshll.u32 s5, $0x4;
	s8 =	smul.u32 $0x2800, s5;
	[smem:$0x7FF] =	sst s3  }
0x7: {  	s5 =	ssub.s32 $0x2, s5;
	s12 =	sor.u32 $0x1C01, s12;
	s7 =	sor.u32 s1, s7  }
0x8: {  	s9 =	sshrl.u32 s5, $0x1;
	s7 =	smul.u32 $0x4E2, s7;
	s8 =	sadd.s32 s6, s8  }
0x9: {  	_ =	strace $0x80000047;
	s9 =	ssub.s32 s5, s9;
	s8 =	sshrl.u32 s8, $0x3  }
0xa: {  	s5 =	sadd.s32 s6, s2;
	s7 =	sadd.s32 s7, s4;
	s8 =	sadd.s32 s8, s4  }
0xb: {  	s13 =	sshrl.u32 s5, $0x3;
	s4 =	sadd.s32 $0xB800, s7;
	s6 =	sadd.s32 $0x15600, s8  }
0xc: {  	v0 =	vimm.f32 $0.0e+00;
	v1 =	vimm.f32 $1.000000000e+00;
	s7 =	smax.u32 s9, $0x1;
	s8 =	simm.s32 $0x1;
	s9 =	simm.s32 $0x2760  }
.LBB2_1:
0xd: {  	[tilespmem:$0x2760] =	vst v0  }
0xe: {  	[tilespmem:$0x2770] =	vst v0  }
0xf: {  	[tilespmem:$0x2780] =	vst v0  }
0x10: {  	[tilespmem:$0x2790] =	vst v0  }
0x11: {  	[tilespmem:$0x27A0] =	vst v0  }
0x12: {  	[tilespmem:$0x27B0] =	vst v0  }
0x13: {  	[tilespmem:$0x27C0] =	vst v0  }
0x14: {  	[tilespmem:$0x27D0] =	vst v0  }
0x15: {  	[tilespmem:$0x27E0] =	vst v0  }
0x16: {  	[tilespmem:$0x27F0] =	vst v0  }
0x17: {  	[tilespmem:$0x2800] =	vst v0  }
0x18: {  	[tilespmem:$0x2810] =	vst v0  }
0x19: {  	[tilespmem:$0x2820] =	vst v0  }
0x1a: {  	[tilespmem:$0x2830] =	vst v0  }
0x1b: {  	[tilespmem:$0x2840] =	vst v0  }
0x1c: {  	[tilespmem:$0x2850] =	vst v0  }
0x1d: {  	[tilespmem:$0x2860] =	vst v0  }
0x1e: {  	[tilespmem:$0x2870] =	vst v0  }
0x1f: {  	[tilespmem:$0x2880] =	vst v0  }
0x20: {  	[tilespmem:$0x2890] =	vst v0  }
0x21: {  	[tilespmem:$0x28A0] =	vst v0  }
0x22: {  	[tilespmem:$0x28B0] =	vst v0  }
0x23: {  	[tilespmem:$0x28C0] =	vst v0  }
0x24: {  	[tilespmem:$0x28D0] =	vst v0  }
0x25: {  	[tilespmem:$0x28E0] =	vst v0  }
0x26: {  	[tilespmem:$0x28F0] =	vst v0  }
0x27: {  	[tilespmem:$0x2900] =	vst v0  }
0x28: {  	[tilespmem:$0x2910] =	vst v0  }
0x29: {  	[tilespmem:$0x2920] =	vst v0  }
0x2a: {  	[tilespmem:$0x2930] =	vst v0  }
0x2b: {  	[tilespmem:$0x2940] =	vst v0  }
0x2c: {  	[tilespmem:$0x2950] =	vst v0  }
0x2d: {  	[tilespmem:$0x2960] =	vst v0  }
0x2e: {  	[tilespmem:$0x2970] =	vst v0  }
0x2f: {  	[tilespmem:$0x2980] =	vst v0  }
0x30: {  	[tilespmem:$0x2990] =	vst v0  }
0x31: {  	[tilespmem:$0x29A0] =	vst v0  }
0x32: {  	[tilespmem:$0x29B0] =	vst v0  }
0x33: {  	[tilespmem:$0x29C0] =	vst v0  }
0x34: {  	[tilespmem:$0x29D0] =	vst v0  }
0x35: {  	[tilespmem:$0x2710] =	vst v1  }
0x36: {  	[tilespmem:$0x2720] =	vst v1  }
0x37: {  	[tilespmem:$0x2730] =	vst v1  }
0x38: {  	[tilespmem:$0x2740] =	vst v1  }
0x39: {  	[tilespmem:$0x2750] =	vst v1  }
0x3a: {  	[tilespmem:s3], [sflag:$0x1] =	stream.linear.gather [hbm4b:s4+s3], $0x2710, $0x38;
	[tilespmem:$0x2C60] =	vst v63  }
0x3b: {  	_ =	swait.ge [sflag:s8], $0x2710  }
0x3c: {  	[sflag:s8] =	ssyncset.done $0x0  }
0x3d: {  	[sflag:s8] =	ssyncadd.s32 $0xFFFFD8F0  }
0x3e: {  	[spmem:s5] =	stream.linear.scatter [tilespmem:s9], [sflag:$0x1], $0x280, $0x38;
	[tilespmem:$0x2C60] =	vst v63  }
0x3f: {  	_ =	swait.ge [sflag:s8], $0x280  }
0x40: {  	[sflag:s8] =	ssyncset.done $0x0  }
0x41: {  	[sflag:s8] =	ssyncadd.s32 $0xFFFFFD80  }
0x42: {  	s15 =	simm.s32 $0x0;
	[bflag:$0x0] =	sbarrier.arrive $0xFFFF  }
0x43: {  	[spmem:s2] =	stream.indirect.scatter.add.f32 [tilespmem:s11], [sflag:$0x1], $0x1, s15, s10, $0xb8;
	[tilespmem:$0x2C60] =	vst v63  }
0x44: {  	_ =	swait.ge [sflag:s8], $0x50  }
0x45: {  	s15 =	simm.s32 $0x140;
	[sflag:s8] =	ssyncset.done $0x0  }
.LBB2_2:
0x46: {  	s16 =	sshra.s32 s15, $0x2;
	[sflag:s8] =	ssyncadd.s32 $0xFFFFFFB0;
	p0 =	sne.s32 s15, $0x9B00  }
0x47: {  	[spmem:s2] =	stream.indirect.scatter.add.f32 [tilespmem:s11], [sflag:$0x1], $0x1, s16, s10, $0xb8;
	[tilespmem:$0x2C60] =	vst v63  }
.Ltmp0:
0x48: {  	_ = 	snop;
	(pc) =	sbr.rel @p0 .LBB2_2-.Ltmp0, $4  }
0x49: {  	_ = 	snop  }
0x4a: {  	s15 =	sadd.s32 $0x140, s15  }
0x4b: {  	_ =	swait.ge [sflag:s8], $0x50  }
0x4c: {  	[sflag:s8] =	ssyncset.done $0x0  }
0x4d: {  	s14 =	sadd.s32 $0x1, s14  }
0x4e: {  	[sflag:s8] =	ssyncadd.s32 $0xFFFFFFB0;
	p0 =	sne.s32 s14, s7  }
.Ltmp1:
0x4f: {  	[bflag:$0x0] =	sbarrier.arrive $0xFFFF;
	(pc) =	sbr.rel @p0 .LBB2_1-.Ltmp1, $4  }
0x50: {  	[hbm:s6], [sflag:s12] =	dma.local [spmem:s13], $0x50  }
0x51: {  	_ =	swait.ge [sflag:s8], $0x50  }
0x52: {  	[sflag:s8] =	ssyncset.done $0x0  }
0x53: {  	[sflag:s8] =	ssyncadd.s32 $0xFFFFFFB0  }
0x54: {  	_ =	sfence.sel $0x180000  }
0x55: {  	[bflag:$0x0] =	sbarrier.arrive $0xFFFF  }
0x56: {  	p0 =	sne.s32 s1, $0x0;
	_ =	strace $0x90000047  }
0x57: {  	s0 =	sadd.s32 @!p0 $0x100000, s0;
	[bflag:$0x2] =	sbarrier.arrive $0xFFFF  }
0x58: {  	[sflag:s0] =	ssyncadd.tile.s32 @!p0 $0x1;
	_ =	shalt  }
.Lfunc_end2:
_tile_overlayer_lowered:
.L_overlay_start_2:
0x59: {  	(tag) =	ssettag $0x2  }
0x5a: {  	s0 =	rddreg [dreg:$0x0];
	s2 =	stileid.u32  }
0x5b: {  	s1 =	rddreg [dreg:$0x1];
	p0 =	sne.s32 s2, $0x0  }
0x5c: {  	s3 =	rddreg [dreg:$0x2];
	[bflag:$0x3] =	sbarrier.arrive $0xFFFF;
	s2 =	simm.s32 @!p0 $0x1C01  }
0x5d: {  	[timem:s3], [sflag:s2] =	dma.local @!p0 [hbm:s0], s1  }
0x5e: {  	s0 =	simm.s32 @!p0 $0x1  }
0x5f: {  	_ =	swait.ge @!p0 [sflag:s0], s1  }
0x60: {  	s1 =	ssub.s32 @!p0 $0x0, s1;
	[sflag:s0] =	ssyncset.done @!p0 $0x0  }
0x61: {  	[sflag:s0] =	ssyncadd.s32 @!p0 s1  }
0x62: {  	[bflag:$0x3] =	sbarrier.arrive $0xFFFF  }
0x63: {  	_ =	shalt  }

</sc_bundles>
